<compile_context>
chip_gen: v7x
topology: tpu7x:2x2x1
jax: 0.10.2.dev20260603
libtpu: 0.0.44.dev20260713+nightly
codegen_flags: <defaults>
</compile_context>

<pallas_src>
import functools

import jax
import jax.numpy as jnp
from jax import lax
from jax.experimental import pallas as pl
from jax.experimental.pallas import tpu as pltpu
from jax.experimental.pallas import tpu_sc as plsc

NC = 2
NS = 16
NW = NC * NS
CH = 128
CPB0 = 144
CPB1 = 16
SPB0 = 80
SPB1 = 80


def _sc_agg_rows_body(n_pad, d, xp, srcm, dstm,
                      out_s, out_cnt,
                      srcba, srcbb, dstba, dstbb, bufa, bufb, cnt2d,
                      semsa, semsb, semda, semdb, semga, semgb, semca, semcb,
                      acc):
    cid = lax.axis_index("c")
    sid = lax.axis_index("s")
    rpt = n_pad // NS
    rows0 = sid * rpt

    def _zb(t, carry):
        bufa[t >> 3, pl.ds((t & 7) * 16, 16)] = jnp.zeros((16,), jnp.float32)
        return carry
    lax.fori_loop(0, CH * (d // 16), _zb, 0)
    for i in range(rpt // CH):
        pltpu.sync_copy(bufa, acc.at[pl.ds(rows0 + i * CH, CH)])

    def _zc(t, carry):
        cnt2d[t >> 3, pl.ds((t & 7) * 16, 16)] = jnp.zeros((16,), jnp.float32)
        return carry
    lax.fori_loop(0, (n_pad // CH) * (CH // 16), _zc, 0)

    cpb = jnp.where(cid == 0, CPB0, CPB1)
    c0 = jnp.where(cid == 0, sid * CPB0, NS * CPB0 + sid * CPB1)
    plsc.subcore_barrier()

    pltpu.async_copy(srcm.at[c0], srcba, semsa)
    pltpu.async_copy(dstm.at[c0], dstba, semda)
    pltpu.async_copy(srcm.at[c0 + 1], srcbb, semsb)
    pltpu.async_copy(dstm.at[c0 + 1], dstbb, semdb)
    pltpu.make_async_copy(srcm.at[c0], srcba, semsa).wait()
    pltpu.async_copy(xp.at[srcba], bufa, semga)

    def _count(dstb):
        def _cs(k, carry):
            dv = dstb[pl.ds(k * 16, 16)]
            occ, last = plsc.scan_count(dv)
            vals = occ.astype(jnp.float32)
            plsc.addupdate_scatter(
                cnt2d,
                [lax.shift_right_logical(dv, 7), lax.bitwise_and(dv, 127)],
                vals, mask=last)
            return carry
        lax.fori_loop(0, CH // 16, _cs, 0)

    def _step(j, carry):
        ia = 2 * j
        ib = 2 * j + 1
        pltpu.make_async_copy(srcm.at[c0 + ib], srcbb, semsb).wait()
        pltpu.async_copy(xp.at[srcbb], bufb, semgb)
        pltpu.make_async_copy(xp.at[srcba], bufa, semga).wait()
        pltpu.make_async_copy(dstm.at[c0 + ia], dstba, semda).wait()
        pltpu.async_copy(bufa, acc.at[dstba], semca, add=True)
        _count(dstba)
        pltpu.make_async_copy(bufa, acc.at[dstba], semca).wait()

        @pl.when(ia + 2 < cpb)
        def _():
            pltpu.async_copy(srcm.at[c0 + ia + 2], srcba, semsa)
            pltpu.async_copy(dstm.at[c0 + ia + 2], dstba, semda)
            pltpu.make_async_copy(srcm.at[c0 + ia + 2], srcba, semsa).wait()
            pltpu.async_copy(xp.at[srcba], bufa, semga)

        pltpu.make_async_copy(xp.at[srcbb], bufb, semgb).wait()
        pltpu.make_async_copy(dstm.at[c0 + ib], dstbb, semdb).wait()
        pltpu.async_copy(bufb, acc.at[dstbb], semcb, add=True)
        _count(dstbb)
        pltpu.make_async_copy(bufb, acc.at[dstbb], semcb).wait()

        @pl.when(ib + 2 < cpb)
        def _():
            pltpu.async_copy(srcm.at[c0 + ib + 2], srcbb, semsb)
            pltpu.async_copy(dstm.at[c0 + ib + 2], dstbb, semdb)

        return carry

    lax.fori_loop(0, cpb // 2, _step, 0)
    plsc.subcore_barrier()

    for i in range(rpt // CH):
        buf = bufa if i % 2 == 0 else bufb
        pltpu.sync_copy(acc.at[pl.ds(rows0 + i * CH, CH)], buf)
        pltpu.sync_copy(buf, out_s.at[cid, pl.ds(rows0 + i * CH, CH)])
    pltpu.sync_copy(cnt2d, out_cnt.at[cid * NS + sid])


def _sc_agg_scalar_body(n_pad, u, srcm, dstm, out0, out1,
                        uloc, srcba, srcbb, dstba, dstbb, valba, valbb,
                        semsa, semsb, semda, semdb, semca, semcb, acc):
    cid = lax.axis_index("c")
    sid = lax.axis_index("s")
    rpt = n_pad // NS
    rows0 = sid * rpt

    def _zv(k, carry):
        valba[pl.ds(k * 16, 16)] = jnp.zeros((16,), jnp.float32)
        return carry
    lax.fori_loop(0, CH // 16, _zv, 0)
    for i in range(rpt // CH):
        pltpu.sync_copy(valba, acc.at[pl.ds(rows0 + i * CH, CH)])
    pltpu.sync_copy(u, uloc)

    cpd = jnp.where(cid == 0, SPB0, SPB1)
    c0 = jnp.where(cid == 0, sid * SPB0, NS * SPB0 + sid * SPB1)
    plsc.subcore_barrier()

    pltpu.async_copy(srcm.at[c0], srcba, semsa)
    pltpu.async_copy(dstm.at[c0], dstba, semda)
    pltpu.async_copy(srcm.at[c0 + 1], srcbb, semsb)
    pltpu.async_copy(dstm.at[c0 + 1], dstbb, semdb)

    def _gather(srcb, valb):
        def _gs(k, carry):
            sv = srcb[pl.ds(k * 16, 16)]
            valb[pl.ds(k * 16, 16)] = plsc.load_gather(uloc, [sv])
            return carry
        lax.fori_loop(0, CH // 16, _gs, 0)

    def _step(j, carry):
        ia = 2 * j
        ib = 2 * j + 1
        pltpu.make_async_copy(srcm.at[c0 + ia], srcba, semsa).wait()
        _gather(srcba, valba)
        pltpu.make_async_copy(dstm.at[c0 + ia], dstba, semda).wait()
        pltpu.async_copy(valba, acc.at[dstba], semca, add=True)
        pltpu.make_async_copy(srcm.at[c0 + ib], srcbb, semsb).wait()
        _gather(srcbb, valbb)
        pltpu.make_async_copy(valba, acc.at[dstba], semca).wait()

        @pl.when(ia + 2 < cpd)
        def _():
            pltpu.async_copy(srcm.at[c0 + ia + 2], srcba, semsa)
            pltpu.async_copy(dstm.at[c0 + ia + 2], dstba, semda)

        pltpu.make_async_copy(dstm.at[c0 + ib], dstbb, semdb).wait()
        pltpu.async_copy(valbb, acc.at[dstbb], semcb, add=True)
        pltpu.make_async_copy(valbb, acc.at[dstbb], semcb).wait()

        @pl.when(ib + 2 < cpd)
        def _():
            pltpu.async_copy(srcm.at[c0 + ib + 2], srcbb, semsb)
            pltpu.async_copy(dstm.at[c0 + ib + 2], dstbb, semdb)

        return carry

    lax.fori_loop(0, cpd // 2, _step, 0)
    plsc.subcore_barrier()

    @pl.when(cid == 0)
    def _():
        pltpu.sync_copy(acc.at[pl.ds(rows0, rpt)], out0.at[pl.ds(rows0, rpt)])

    @pl.when(cid == 1)
    def _():
        pltpu.sync_copy(acc.at[pl.ds(rows0, rpt)], out1.at[pl.ds(rows0, rpt)])


def _tc_cntsum_body(cp, o):
    o[...] = jnp.sum(cp[...], axis=0)


def _tc_dense_body(s2, c3, xb, w1l, w1r, b1, w2l, w2r, wc, b2, bcb,
                   u_o, v_o, cm_o):
    s = s2[0] + s2[1]
    cntm = jnp.maximum(c3[...], 1.0)
    mean = s / cntm
    h = jnp.dot(mean, w1l[...], preferred_element_type=jnp.float32)
    h = h + jnp.dot(xb[...], w1r[...], preferred_element_type=jnp.float32)
    h = jnp.maximum(h + b1[...], 0.0)
    w2 = jnp.dot(w2l[...], wc[...], preferred_element_type=jnp.float32)
    wr = jnp.dot(w2r[...], wc[...], preferred_element_type=jnp.float32)
    c0s = jnp.dot(b2[...], wc[...], preferred_element_type=jnp.float32)
    u_o[...] = jnp.dot(h, w2, preferred_element_type=jnp.float32)
    v_o[...] = jnp.dot(h, wr, preferred_element_type=jnp.float32) + c0s + bcb[...]
    cm_o[...] = cntm


def _tc_final_body(p0, p1, cm, vb, o):
    o[...] = (p0[...] + p1[...]) / cm[...] + vb[...]


def kernel(x, edge_index, W1_l, b1_l, W1_r, W2_l, b2_l, W2_r, Wc, bc):
    n, d = x.shape
    e = edge_index.shape[1]
    n_pad = (-(-n // CH) + 1) * CH
    n_pad = -(-n_pad // (NS * CH)) * NS * CH
    e_pad = NS * (CPB0 + CPB1) * CH

    f32 = jnp.float32
    xp = jnp.pad(x, ((0, n_pad - n), (0, 0)))
    pad = jnp.full((e_pad - e,), n, jnp.int32)
    srcm = jnp.concatenate([edge_index[0], pad]).reshape(e_pad // CH, CH)
    dstm = jnp.concatenate([edge_index[1], pad]).reshape(e_pad // CH, CH)

    mesh = plsc.VectorSubcoreMesh(core_axis_name="c", subcore_axis_name="s")

    agg_rows = pl.kernel(
        functools.partial(_sc_agg_rows_body, n_pad, d),
        out_type=[jax.ShapeDtypeStruct((NC, n_pad, d), f32),
                  jax.ShapeDtypeStruct((NW, n_pad // CH, CH), f32)],
        mesh=mesh,
        scratch_types=[
            pltpu.VMEM((CH,), jnp.int32),
            pltpu.VMEM((CH,), jnp.int32),
            pltpu.VMEM((CH,), jnp.int32),
            pltpu.VMEM((CH,), jnp.int32),
            pltpu.VMEM((CH, d), f32),
            pltpu.VMEM((CH, d), f32),
            pltpu.VMEM((n_pad // CH, CH), f32),
            pltpu.SemaphoreType.DMA,
            pltpu.SemaphoreType.DMA,
            pltpu.SemaphoreType.DMA,
            pltpu.SemaphoreType.DMA,
            pltpu.SemaphoreType.DMA,
            pltpu.SemaphoreType.DMA,
            pltpu.SemaphoreType.DMA,
            pltpu.SemaphoreType.DMA,
            pltpu.VMEM_SHARED((n_pad, d), f32),
        ],
        compiler_params=pltpu.CompilerParams(needs_layout_passes=False),
    )
    s_part, cnt_part = agg_rows(xp, srcm, dstm)

    rows = n_pad // CH
    cnt2 = pl.pallas_call(
        _tc_cntsum_body,
        grid=(1,),
        in_specs=[pl.BlockSpec((NW, rows, CH), lambda i: (0, 0, 0))],
        out_specs=pl.BlockSpec((rows, CH), lambda i: (0, 0)),
        out_shape=jax.ShapeDtypeStruct((rows, CH), f32),
    )(cnt_part)

    grid_r = 1024
    gsteps = n_pad // grid_r
    u, v, cm = pl.pallas_call(
        _tc_dense_body,
        grid=(gsteps,),
        in_specs=[
            pl.BlockSpec((NC, grid_r, d), lambda i: (0, i, 0)),
            pl.BlockSpec((grid_r, 1), lambda i: (i, 0)),
            pl.BlockSpec((grid_r, d), lambda i: (i, 0)),
            pl.BlockSpec((d, d), lambda i: (0, 0)),
            pl.BlockSpec((d, d), lambda i: (0, 0)),
            pl.BlockSpec((1, d), lambda i: (0, 0)),
            pl.BlockSpec((d, d), lambda i: (0, 0)),
            pl.BlockSpec((d, d), lambda i: (0, 0)),
            pl.BlockSpec((d, 1), lambda i: (0, 0)),
            pl.BlockSpec((1, d), lambda i: (0, 0)),
            pl.BlockSpec((1, 1), lambda i: (0, 0)),
        ],
        out_specs=[
            pl.BlockSpec((grid_r, 1), lambda i: (i, 0)),
            pl.BlockSpec((grid_r, 1), lambda i: (i, 0)),
            pl.BlockSpec((grid_r, 1), lambda i: (i, 0)),
        ],
        out_shape=[
            jax.ShapeDtypeStruct((n_pad, 1), f32),
            jax.ShapeDtypeStruct((n_pad, 1), f32),
            jax.ShapeDtypeStruct((n_pad, 1), f32),
        ],
        compiler_params=pltpu.CompilerParams(
            dimension_semantics=("arbitrary",)),
    )(s_part, cnt2.reshape(n_pad, 1), xp, W1_l, W1_r,
      b1_l.reshape(1, d), W2_l, W2_r, Wc, b2_l.reshape(1, d),
      bc.reshape(1, 1))

    agg_scalar = pl.kernel(
        functools.partial(_sc_agg_scalar_body, n_pad),
        out_type=[jax.ShapeDtypeStruct((n_pad,), f32),
                  jax.ShapeDtypeStruct((n_pad,), f32)],
        mesh=mesh,
        scratch_types=[
            pltpu.VMEM((n_pad,), f32),
            pltpu.VMEM((CH,), jnp.int32),
            pltpu.VMEM((CH,), jnp.int32),
            pltpu.VMEM((CH,), jnp.int32),
            pltpu.VMEM((CH,), jnp.int32),
            pltpu.VMEM((CH,), f32),
            pltpu.VMEM((CH,), f32),
            pltpu.SemaphoreType.DMA,
            pltpu.SemaphoreType.DMA,
            pltpu.SemaphoreType.DMA,
            pltpu.SemaphoreType.DMA,
            pltpu.SemaphoreType.DMA,
            pltpu.SemaphoreType.DMA,
            pltpu.VMEM_SHARED((n_pad,), f32),
        ],
        compiler_params=pltpu.CompilerParams(needs_layout_passes=False),
    )
    p0, p1 = agg_scalar(u.reshape(n_pad), srcm, dstm)
    out2d = pl.pallas_call(
        _tc_final_body,
        grid=(1,),
        in_specs=[pl.BlockSpec((rows, CH), lambda i: (0, 0))] * 4,
        out_specs=pl.BlockSpec((rows, CH), lambda i: (0, 0)),
        out_shape=jax.ShapeDtypeStruct((rows, CH), f32),
    )(p0.reshape(rows, CH), p1.reshape(rows, CH),
      cm.reshape(rows, CH), v.reshape(rows, CH))
    return out2d.reshape(n_pad)[:n]

# --- scband reference (transcript-rebuilt; emitter-appended) ---
"""Pipeline reference for scband-graph-sage-85126251807613 (READ-ONLY COPY).

The authoritative reference and input builder live on the scoring server;
editing this copy changes nothing except your own understanding.
"""

import jax, jax.numpy as jnp
import numpy as np

N = 10000
E = 320000
D = 128
H = 128


def setup_inputs(seed: int = 0) -> dict:
    key = jax.random.key(seed)
    ks = jax.random.split(key, 12)
    x = jax.random.normal(ks[0], (N, D), dtype=jnp.float32)
    edge_index = jax.random.randint(ks[1], (2, E), 0, N, dtype=jnp.int32)
    s1 = 1.0 / np.sqrt(D)
    s2 = 1.0 / np.sqrt(H)
    W1_l = jax.random.normal(ks[2], (D, H), dtype=jnp.float32) * s1
    b1_l = jax.random.normal(ks[3], (H,), dtype=jnp.float32) * s1
    W1_r = jax.random.normal(ks[4], (D, H), dtype=jnp.float32) * s1
    W2_l = jax.random.normal(ks[5], (H, H), dtype=jnp.float32) * s2
    b2_l = jax.random.normal(ks[6], (H,), dtype=jnp.float32) * s2
    W2_r = jax.random.normal(ks[7], (H, H), dtype=jnp.float32) * s2
    Wc = jax.random.normal(ks[8], (H, 1), dtype=jnp.float32) * s2
    bc = jax.random.normal(ks[9], (1,), dtype=jnp.float32) * s2
    return {"x": x, "edge_index": edge_index, "W1_l": W1_l, "b1_l": b1_l, "W1_r": W1_r,
            "W2_l": W2_l, "b2_l": b2_l, "W2_r": W2_r, "Wc": Wc, "bc": bc}


def _sage_layer(x, edge_index, Wl, bl, Wr):
    # PyG SAGEConv(aggr='mean'): out = lin_l(mean_j x_j) + lin_r(x_root), bias on lin_l only
    src = edge_index[0]
    dst = edge_index[1]
    msgs = jnp.take(x, src, axis=0)
    agg_sum = jax.ops.segment_sum(msgs, dst, num_segments=N)
    cnt = jax.ops.segment_sum(jnp.ones((edge_index.shape[1],), dtype=jnp.float32), dst, num_segments=N)
    mean = agg_sum / jnp.maximum(cnt, 1.0)[:, None]
    return mean @ Wl + bl + x @ Wr


def reference(x, edge_index, W1_l, b1_l, W1_r, W2_l, b2_l, W2_r, Wc, bc):
    h = _sage_layer(x, edge_index, W1_l, b1_l, W1_r)
    h = jax.nn.relu(h)  # dropout p=0.0 / eval mode -> identity
    h = _sage_layer(h, edge_index, W2_l, b2_l, W2_r)
    out = h @ Wc + bc
    return out.squeeze(-1)

if __name__ == "__main__":
    import jax
    _d = setup_inputs()
    print(jax.jit(kernel)(*tuple(_d.values())))

</pallas_src>

<mosaic_0001>
#map = affine_map<(d0, d1) -> (0, 0)>
#map1 = affine_map<(d0, d1) -> (0, 0, 0)>
module attributes {stable_mosaic.version = 14 : i64} {
  func.func @_sc_agg_rows_body(%arg0: i32, %arg1: i32, %arg2: memref<10240x128xf32, #tpu.memory_space<hbm>>, %arg3: memref<2560x128xi32, #tpu.memory_space<hbm>>, %arg4: memref<2560x128xi32, #tpu.memory_space<hbm>>, %arg5: memref<2x10240x128xf32, #tpu.memory_space<hbm>>, %arg6: memref<32x80x128xf32, #tpu.memory_space<hbm>>, %arg7: memref<128xi32, #tpu.memory_space<vmem>>, %arg8: memref<128xi32, #tpu.memory_space<vmem>>, %arg9: memref<128xi32, #tpu.memory_space<vmem>>, %arg10: memref<128xi32, #tpu.memory_space<vmem>>, %arg11: memref<128x128xf32, #tpu.memory_space<vmem>>, %arg12: memref<128x128xf32, #tpu.memory_space<vmem>>, %arg13: memref<80x128xf32, #tpu.memory_space<vmem>>, %arg14: memref<!tpu.dma_semaphore, #tpu.memory_space<semaphore_mem>>, %arg15: memref<!tpu.dma_semaphore, #tpu.memory_space<semaphore_mem>>, %arg16: memref<!tpu.dma_semaphore, #tpu.memory_space<semaphore_mem>>, %arg17: memref<!tpu.dma_semaphore, #tpu.memory_space<semaphore_mem>>, %arg18: memref<!tpu.dma_semaphore, #tpu.memory_space<semaphore_mem>>, %arg19: memref<!tpu.dma_semaphore, #tpu.memory_space<semaphore_mem>>, %arg20: memref<!tpu.dma_semaphore, #tpu.memory_space<semaphore_mem>>, %arg21: memref<!tpu.dma_semaphore, #tpu.memory_space<semaphore_mem>>, %arg22: memref<10240x128xf32, #tpu.memory_space<vmem_shared>>) attributes {dimension_semantics = [#tpu.dimension_semantics<core_parallel>, #tpu.dimension_semantics<subcore_parallel>], iteration_bounds = array<i64: 2, 16>, scalar_prefetch = 0 : i64, scratch_operands = 16 : i64, tpu.core_type = #tpu.core_type<sc_vector_subcore>, window_params = [{transform_indices = #map}, {transform_indices = #map}, {transform_indices = #map}, {transform_indices = #map1}, {transform_indices = #map1}]} {
    %mul3A = arith.constant 640 : i32
    %mul3A_0 = arith.muli %arg1, %mul3A : i32
    %scan3A = arith.constant 0 : i32
    %scan3A_1 = arith.constant 0 : i32
    %scan3A_2 = arith.constant 1024 : i32
    %scan3A_3 = arith.addi %scan3A_1, %scan3A_2 : i32
    %scan3A_4 = arith.constant 1 : i32
    scf.for %scan3A_118 = %scan3A_1 to %scan3A_3 step %scan3A_4  : i32 {
      %broadcast_in_dim3A = arith.constant 0.000000e+00 : f32
      %broadcast_in_dim3A_119 = vector.broadcast %broadcast_in_dim3A : f32 to vector<16xf32>
      %shift_right_arithmetic3A = arith.constant 3 : i32
      %shift_right_arithmetic3A_120 = arith.shrsi %scan3A_118, %shift_right_arithmetic3A : i32
      %and3A_121 = arith.constant 7 : i32
      %and3A_122 = arith.andi %scan3A_118, %and3A_121 : i32
      %mul3A_123 = arith.constant 16 : i32
      %mul3A_124 = arith.muli %and3A_122, %mul3A_123 : i32
      %swap3A = arith.index_cast %shift_right_arithmetic3A_120 : i32 to index
      %swap3A_125 = arith.index_cast %mul3A_124 : i32 to index
      %swap3A_126 = tpu.vector_load %arg11[%swap3A, %swap3A_125] {strides = array<i32>} : memref<128x128xf32, #tpu.memory_space<vmem>>, vector<16xf32>,
      tpu.vector_store %arg11[%swap3A, %swap3A_125], %broadcast_in_dim3A_119 {strides = array<i32>} : memref<128x128xf32, #tpu.memory_space<vmem>>, vector<16xf32>,
    }
    %scan3A_5 = arith.constant 1024 : i32
    %add3A = arith.constant 0 : i32
    %add3A_6 = arith.addi %mul3A_0, %add3A : i32
    "tpu.region"() ({
      %run_scoped3A = tpu.sem_alloc : memref<!tpu.dma_semaphore, #tpu.memory_space<semaphore_mem>>
      %dma_start3A_118 = arith.constant 0 : i32
      %dma_start3A_119 = tpu.memref_slice %arg22[%add3A_6, %dma_start3A_118] : memref<10240x128xf32, #tpu.memory_space<vmem_shared>> -> memref<128x128xf32, #tpu.memory_space<vmem_shared>>
      %dma_start3A_120 = arith.constant 0 : i32
      %dma_start3A_121 = tpu.memref_slice %arg22[%add3A_6, %dma_start3A_120] : memref<10240x128xf32, #tpu.memory_space<vmem_shared>> -> memref<128x128xf32, #tpu.memory_space<vmem_shared>>
      tpu.enqueue_dma source(%arg11 : memref<128x128xf32, #tpu.memory_space<vmem>>) target(%dma_start3A_121 : memref<128x128xf32, #tpu.memory_space<vmem_shared>>) target_semaphore(%run_scoped3A : memref<!tpu.dma_semaphore, #tpu.memory_space<semaphore_mem>>)
      %dma_wait3A_122 = arith.constant 0 : i32
      %dma_wait3A_123 = tpu.memref_slice %arg22[%add3A_6, %dma_wait3A_122] : memref<10240x128xf32, #tpu.memory_space<vmem_shared>> -> memref<128x128xf32, #tpu.memory_space<vmem_shared>>
      %dma_wait3A_124 = arith.constant 0 : i32
      %dma_wait3A_125 = tpu.memref_slice %arg22[%add3A_6, %dma_wait3A_124] : memref<10240x128xf32, #tpu.memory_space<vmem_shared>> -> memref<128x128xf32, #tpu.memory_space<vmem_shared>>
      tpu.wait_dma2 semaphore(%run_scoped3A : memref<!tpu.dma_semaphore, #tpu.memory_space<semaphore_mem>>) src(%arg11 : memref<128x128xf32, #tpu.memory_space<vmem>>) dst(%dma_wait3A_125 : memref<128x128xf32, #tpu.memory_space<vmem_shared>>)
      tpu.yield
    }) : () -> ()
    %add3A_7 = arith.constant 128 : i32
    %add3A_8 = arith.addi %mul3A_0, %add3A_7 : i32
    "tpu.region"() ({
      %run_scoped3A = tpu.sem_alloc : memref<!tpu.dma_semaphore, #tpu.memory_space<semaphore_mem>>
      %dma_start3A_118 = arith.constant 0 : i32
      %dma_start3A_119 = tpu.memref_slice %arg22[%add3A_8, %dma_start3A_118] : memref<10240x128xf32, #tpu.memory_space<vmem_shared>> -> memref<128x128xf32, #tpu.memory_space<vmem_shared>>
      %dma_start3A_120 = arith.constant 0 : i32
      %dma_start3A_121 = tpu.memref_slice %arg22[%add3A_8, %dma_start3A_120] : memref<10240x128xf32, #tpu.memory_space<vmem_shared>> -> memref<128x128xf32, #tpu.memory_space<vmem_shared>>
      tpu.enqueue_dma source(%arg11 : memref<128x128xf32, #tpu.memory_space<vmem>>) target(%dma_start3A_121 : memref<128x128xf32, #tpu.memory_space<vmem_shared>>) target_semaphore(%run_scoped3A : memref<!tpu.dma_semaphore, #tpu.memory_space<semaphore_mem>>)
      %dma_wait3A_122 = arith.constant 0 : i32
      %dma_wait3A_123 = tpu.memref_slice %arg22[%add3A_8, %dma_wait3A_122] : memref<10240x128xf32, #tpu.memory_space<vmem_shared>> -> memref<128x128xf32, #tpu.memory_space<vmem_shared>>
      %dma_wait3A_124 = arith.constant 0 : i32
      %dma_wait3A_125 = tpu.memref_slice %arg22[%add3A_8, %dma_wait3A_124] : memref<10240x128xf32, #tpu.memory_space<vmem_shared>> -> memref<128x128xf32, #tpu.memory_space<vmem_shared>>
      tpu.wait_dma2 semaphore(%run_scoped3A : memref<!tpu.dma_semaphore, #tpu.memory_space<semaphore_mem>>) src(%arg11 : memref<128x128xf32, #tpu.memory_space<vmem>>) dst(%dma_wait3A_125 : memref<128x128xf32, #tpu.memory_space<vmem_shared>>)
      tpu.yield
    }) : () -> ()
    %add3A_9 = arith.constant 256 : i32
    %add3A_10 = arith.addi %mul3A_0, %add3A_9 : i32
    "tpu.region"() ({
      %run_scoped3A = tpu.sem_alloc : memref<!tpu.dma_semaphore, #tpu.memory_space<semaphore_mem>>
      %dma_start3A_118 = arith.constant 0 : i32
      %dma_start3A_119 = tpu.memref_slice %arg22[%add3A_10, %dma_start3A_118] : memref<10240x128xf32, #tpu.memory_space<vmem_shared>> -> memref<128x128xf32, #tpu.memory_space<vmem_shared>>
      %dma_start3A_120 = arith.constant 0 : i32
      %dma_start3A_121 = tpu.memref_slice %arg22[%add3A_10, %dma_start3A_120] : memref<10240x128xf32, #tpu.memory_space<vmem_shared>> -> memref<128x128xf32, #tpu.memory_space<vmem_shared>>
      tpu.enqueue_dma source(%arg11 : memref<128x128xf32, #tpu.memory_space<vmem>>) target(%dma_start3A_121 : memref<128x128xf32, #tpu.memory_space<vmem_shared>>) target_semaphore(%run_scoped3A : memref<!tpu.dma_semaphore, #tpu.memory_space<semaphore_mem>>)
      %dma_wait3A_122 = arith.constant 0 : i32
      %dma_wait3A_123 = tpu.memref_slice %arg22[%add3A_10, %dma_wait3A_122] : memref<10240x128xf32, #tpu.memory_space<vmem_shared>> -> memref<128x128xf32, #tpu.memory_space<vmem_shared>>
      %dma_wait3A_124 = arith.constant 0 : i32
      %dma_wait3A_125 = tpu.memref_slice %arg22[%add3A_10, %dma_wait3A_124] : memref<10240x128xf32, #tpu.memory_space<vmem_shared>> -> memref<128x128xf32, #tpu.memory_space<vmem_shared>>
      tpu.wait_dma2 semaphore(%run_scoped3A : memref<!tpu.dma_semaphore, #tpu.memory_space<semaphore_mem>>) src(%arg11 : memref<128x128xf32, #tpu.memory_space<vmem>>) dst(%dma_wait3A_125 : memref<128x128xf32, #tpu.memory_space<vmem_shared>>)
      tpu.yield
    }) : () -> ()
    %add3A_11 = arith.constant 384 : i32
    %add3A_12 = arith.addi %mul3A_0, %add3A_11 : i32
    "tpu.region"() ({
      %run_scoped3A = tpu.sem_alloc : memref<!tpu.dma_semaphore, #tpu.memory_space<semaphore_mem>>
      %dma_start3A_118 = arith.constant 0 : i32
      %dma_start3A_119 = tpu.memref_slice %arg22[%add3A_12, %dma_start3A_118] : memref<10240x128xf32, #tpu.memory_space<vmem_shared>> -> memref<128x128xf32, #tpu.memory_space<vmem_shared>>
      %dma_start3A_120 = arith.constant 0 : i32
      %dma_start3A_121 = tpu.memref_slice %arg22[%add3A_12, %dma_start3A_120] : memref<10240x128xf32, #tpu.memory_space<vmem_shared>> -> memref<128x128xf32, #tpu.memory_space<vmem_shared>>
      tpu.enqueue_dma source(%arg11 : memref<128x128xf32, #tpu.memory_space<vmem>>) target(%dma_start3A_121 : memref<128x128xf32, #tpu.memory_space<vmem_shared>>) target_semaphore(%run_scoped3A : memref<!tpu.dma_semaphore, #tpu.memory_space<semaphore_mem>>)
      %dma_wait3A_122 = arith.constant 0 : i32
      %dma_wait3A_123 = tpu.memref_slice %arg22[%add3A_12, %dma_wait3A_122] : memref<10240x128xf32, #tpu.memory_space<vmem_shared>> -> memref<128x128xf32, #tpu.memory_space<vmem_shared>>
      %dma_wait3A_124 = arith.constant 0 : i32
      %dma_wait3A_125 = tpu.memref_slice %arg22[%add3A_12, %dma_wait3A_124] : memref<10240x128xf32, #tpu.memory_space<vmem_shared>> -> memref<128x128xf32, #tpu.memory_space<vmem_shared>>
      tpu.wait_dma2 semaphore(%run_scoped3A : memref<!tpu.dma_semaphore, #tpu.memory_space<semaphore_mem>>) src(%arg11 : memref<128x128xf32, #tpu.memory_space<vmem>>) dst(%dma_wait3A_125 : memref<128x128xf32, #tpu.memory_space<vmem_shared>>)
      tpu.yield
    }) : () -> ()
    %add3A_13 = arith.constant 512 : i32
    %add3A_14 = arith.addi %mul3A_0, %add3A_13 : i32
    "tpu.region"() ({
      %run_scoped3A = tpu.sem_alloc : memref<!tpu.dma_semaphore, #tpu.memory_space<semaphore_mem>>
      %dma_start3A_118 = arith.constant 0 : i32
      %dma_start3A_119 = tpu.memref_slice %arg22[%add3A_14, %dma_start3A_118] : memref<10240x128xf32, #tpu.memory_space<vmem_shared>> -> memref<128x128xf32, #tpu.memory_space<vmem_shared>>
      %dma_start3A_120 = arith.constant 0 : i32
      %dma_start3A_121 = tpu.memref_slice %arg22[%add3A_14, %dma_start3A_120] : memref<10240x128xf32, #tpu.memory_space<vmem_shared>> -> memref<128x128xf32, #tpu.memory_space<vmem_shared>>
      tpu.enqueue_dma source(%arg11 : memref<128x128xf32, #tpu.memory_space<vmem>>) target(%dma_start3A_121 : memref<128x128xf32, #tpu.memory_space<vmem_shared>>) target_semaphore(%run_scoped3A : memref<!tpu.dma_semaphore, #tpu.memory_space<semaphore_mem>>)
      %dma_wait3A_122 = arith.constant 0 : i32
      %dma_wait3A_123 = tpu.memref_slice %arg22[%add3A_14, %dma_wait3A_122] : memref<10240x128xf32, #tpu.memory_space<vmem_shared>> -> memref<128x128xf32, #tpu.memory_space<vmem_shared>>
      %dma_wait3A_124 = arith.constant 0 : i32
      %dma_wait3A_125 = tpu.memref_slice %arg22[%add3A_14, %dma_wait3A_124] : memref<10240x128xf32, #tpu.memory_space<vmem_shared>> -> memref<128x128xf32, #tpu.memory_space<vmem_shared>>
      tpu.wait_dma2 semaphore(%run_scoped3A : memref<!tpu.dma_semaphore, #tpu.memory_space<semaphore_mem>>) src(%arg11 : memref<128x128xf32, #tpu.memory_space<vmem>>) dst(%dma_wait3A_125 : memref<128x128xf32, #tpu.memory_space<vmem_shared>>)
      tpu.yield
    }) : () -> ()
    %scan3A_15 = arith.constant 0 : i32
    %scan3A_16 = arith.constant 0 : i32
    %scan3A_17 = arith.constant 640 : i32
    %scan3A_18 = arith.addi %scan3A_16, %scan3A_17 : i32
    %scan3A_19 = arith.constant 1 : i32
    scf.for %scan3A_118 = %scan3A_16 to %scan3A_18 step %scan3A_19  : i32 {
      %broadcast_in_dim3A = arith.constant 0.000000e+00 : f32
      %broadcast_in_dim3A_119 = vector.broadcast %broadcast_in_dim3A : f32 to vector<16xf32>
      %shift_right_arithmetic3A = arith.constant 3 : i32
      %shift_right_arithmetic3A_120 = arith.shrsi %scan3A_118, %shift_right_arithmetic3A : i32
      %and3A_121 = arith.constant 7 : i32
      %and3A_122 = arith.andi %scan3A_118, %and3A_121 : i32
      %mul3A_123 = arith.constant 16 : i32
      %mul3A_124 = arith.muli %and3A_122, %mul3A_123 : i32
      %swap3A = arith.index_cast %shift_right_arithmetic3A_120 : i32 to index
      %swap3A_125 = arith.index_cast %mul3A_124 : i32 to index
      %swap3A_126 = tpu.vector_load %arg13[%swap3A, %swap3A_125] {strides = array<i32>} : memref<80x128xf32, #tpu.memory_space<vmem>>, vector<16xf32>,
      tpu.vector_store %arg13[%swap3A, %swap3A_125], %broadcast_in_dim3A_119 {strides = array<i32>} : memref<80x128xf32, #tpu.memory_space<vmem>>, vector<16xf32>,
    }
    %scan3A_20 = arith.constant 640 : i32
    %eq3A = arith.constant 0 : i32
    %eq3A_21 = arith.cmpi eq, %arg0, %eq3A : i32
    %jit3A = arith.constant 144 : i32
    %jit3A_22 = arith.constant 16 : i32
    %select_n3A = arith.select %eq3A_21, %jit3A, %jit3A_22 : i32
    %eq3A_23 = arith.constant 0 : i32
    %eq3A_24 = arith.cmpi eq, %arg0, %eq3A_23 : i32
    %mul3A_25 = arith.constant 144 : i32
    %mul3A_26 = arith.muli %arg1, %mul3A_25 : i32
    %mul3A_27 = arith.constant 16 : i32
    %mul3A_28 = arith.muli %arg1, %mul3A_27 : i32
    %add3A_29 = arith.constant 2304 : i32
    %add3A_30 = arith.addi %add3A_29, %mul3A_28 : i32
    %select_n3A_31 = arith.select %eq3A_24, %mul3A_26, %add3A_30 : i32
    %barrier3A = arith.constant 0 : index
    tpu.barrier barrier_id(%barrier3A)
    %dma_start3A = arith.constant 0 : i32
    %dma_start3A_32 = tpu.memref_slice %arg3[%select_n3A_31, %dma_start3A] : memref<2560x128xi32, #tpu.memory_space<hbm>> -> memref<1x128xi32, #tpu.memory_space<hbm>>
    %dma_start3A_33 = tpu.memref_squeeze %dma_start3A_32 : memref<1x128xi32, #tpu.memory_space<hbm>> -> memref<128xi32, #tpu.memory_space<hbm>>
    %dma_start3A_34 = arith.constant 0 : i32
    %dma_start3A_35 = tpu.memref_slice %arg3[%select_n3A_31, %dma_start3A_34] : memref<2560x128xi32, #tpu.memory_space<hbm>> -> memref<1x128xi32, #tpu.memory_space<hbm>>
    %dma_start3A_36 = tpu.memref_squeeze %dma_start3A_35 : memref<1x128xi32, #tpu.memory_space<hbm>> -> memref<128xi32, #tpu.memory_space<hbm>>
    tpu.enqueue_dma source(%dma_start3A_36 : memref<128xi32, #tpu.memory_space<hbm>>) target(%arg7 : memref<128xi32, #tpu.memory_space<vmem>>) target_semaphore(%arg14 : memref<!tpu.dma_semaphore, #tpu.memory_space<semaphore_mem>>)
    %dma_start3A_37 = arith.constant 0 : i32
    %dma_start3A_38 = tpu.memref_slice %arg4[%select_n3A_31, %dma_start3A_37] : memref<2560x128xi32, #tpu.memory_space<hbm>> -> memref<1x128xi32, #tpu.memory_space<hbm>>
    %dma_start3A_39 = tpu.memref_squeeze %dma_start3A_38 : memref<1x128xi32, #tpu.memory_space<hbm>> -> memref<128xi32, #tpu.memory_space<hbm>>
    %dma_start3A_40 = arith.constant 0 : i32
    %dma_start3A_41 = tpu.memref_slice %arg4[%select_n3A_31, %dma_start3A_40] : memref<2560x128xi32, #tpu.memory_space<hbm>> -> memref<1x128xi32, #tpu.memory_space<hbm>>
    %dma_start3A_42 = tpu.memref_squeeze %dma_start3A_41 : memref<1x128xi32, #tpu.memory_space<hbm>> -> memref<128xi32, #tpu.memory_space<hbm>>
    tpu.enqueue_dma source(%dma_start3A_42 : memref<128xi32, #tpu.memory_space<hbm>>) target(%arg9 : memref<128xi32, #tpu.memory_space<vmem>>) target_semaphore(%arg16 : memref<!tpu.dma_semaphore, #tpu.memory_space<semaphore_mem>>)
    %add3A_43 = arith.constant 1 : i32
    %add3A_44 = arith.addi %select_n3A_31, %add3A_43 : i32
    %dma_start3A_45 = arith.constant 0 : i32
    %dma_start3A_46 = tpu.memref_slice %arg3[%add3A_44, %dma_start3A_45] : memref<2560x128xi32, #tpu.memory_space<hbm>> -> memref<1x128xi32, #tpu.memory_space<hbm>>
    %dma_start3A_47 = tpu.memref_squeeze %dma_start3A_46 : memref<1x128xi32, #tpu.memory_space<hbm>> -> memref<128xi32, #tpu.memory_space<hbm>>
    %dma_start3A_48 = arith.constant 0 : i32
    %dma_start3A_49 = tpu.memref_slice %arg3[%add3A_44, %dma_start3A_48] : memref<2560x128xi32, #tpu.memory_space<hbm>> -> memref<1x128xi32, #tpu.memory_space<hbm>>
    %dma_start3A_50 = tpu.memref_squeeze %dma_start3A_49 : memref<1x128xi32, #tpu.memory_space<hbm>> -> memref<128xi32, #tpu.memory_space<hbm>>
    tpu.enqueue_dma source(%dma_start3A_50 : memref<128xi32, #tpu.memory_space<hbm>>) target(%arg8 : memref<128xi32, #tpu.memory_space<vmem>>) target_semaphore(%arg15 : memref<!tpu.dma_semaphore, #tpu.memory_space<semaphore_mem>>)
    %add3A_51 = arith.constant 1 : i32
    %add3A_52 = arith.addi %select_n3A_31, %add3A_51 : i32
    %dma_start3A_53 = arith.constant 0 : i32
    %dma_start3A_54 = tpu.memref_slice %arg4[%add3A_52, %dma_start3A_53] : memref<2560x128xi32, #tpu.memory_space<hbm>> -> memref<1x128xi32, #tpu.memory_space<hbm>>
    %dma_start3A_55 = tpu.memref_squeeze %dma_start3A_54 : memref<1x128xi32, #tpu.memory_space<hbm>> -> memref<128xi32, #tpu.memory_space<hbm>>
    %dma_start3A_56 = arith.constant 0 : i32
    %dma_start3A_57 = tpu.memref_slice %arg4[%add3A_52, %dma_start3A_56] : memref<2560x128xi32, #tpu.memory_space<hbm>> -> memref<1x128xi32, #tpu.memory_space<hbm>>
    %dma_start3A_58 = tpu.memref_squeeze %dma_start3A_57 : memref<1x128xi32, #tpu.memory_space<hbm>> -> memref<128xi32, #tpu.memory_space<hbm>>
    tpu.enqueue_dma source(%dma_start3A_58 : memref<128xi32, #tpu.memory_space<hbm>>) target(%arg10 : memref<128xi32, #tpu.memory_space<vmem>>) target_semaphore(%arg17 : memref<!tpu.dma_semaphore, #tpu.memory_space<semaphore_mem>>)
    %dma_wait3A = arith.constant 0 : i32
    %dma_wait3A_59 = tpu.memref_slice %arg3[%select_n3A_31, %dma_wait3A] : memref<2560x128xi32, #tpu.memory_space<hbm>> -> memref<1x128xi32, #tpu.memory_space<hbm>>
    %dma_wait3A_60 = tpu.memref_squeeze %dma_wait3A_59 : memref<1x128xi32, #tpu.memory_space<hbm>> -> memref<128xi32, #tpu.memory_space<hbm>>
    %dma_wait3A_61 = arith.constant 0 : i32
    %dma_wait3A_62 = tpu.memref_slice %arg3[%select_n3A_31, %dma_wait3A_61] : memref<2560x128xi32, #tpu.memory_space<hbm>> -> memref<1x128xi32, #tpu.memory_space<hbm>>
    %dma_wait3A_63 = tpu.memref_squeeze %dma_wait3A_62 : memref<1x128xi32, #tpu.memory_space<hbm>> -> memref<128xi32, #tpu.memory_space<hbm>>
    tpu.wait_dma2 semaphore(%arg14 : memref<!tpu.dma_semaphore, #tpu.memory_space<semaphore_mem>>) src(%dma_wait3A_63 : memref<128xi32, #tpu.memory_space<hbm>>) dst(%arg7 : memref<128xi32, #tpu.memory_space<vmem>>)
    %dma_start3A_64 = arith.constant 0 : i32
    %dma_start3A_65 = arith.constant 0 : i32
    %dma_start3A_66 = tpu.memref_slice %arg2[%dma_start3A_64, %dma_start3A_65] : memref<10240x128xf32, #tpu.memory_space<hbm>> -> memref<10240x128xf32, #tpu.memory_space<hbm>>
    tpu.enqueue_indirect_dma source(%dma_start3A_66 : memref<10240x128xf32, #tpu.memory_space<hbm>>) target(%arg11 : memref<128x128xf32, #tpu.memory_space<vmem>>) offsets(%arg7 : memref<128xi32, #tpu.memory_space<vmem>>) semaphore(%arg18 : memref<!tpu.dma_semaphore, #tpu.memory_space<semaphore_mem>>)
    %jit3A_67 = arith.constant 2 : i32
    %div3A = arith.divsi %select_n3A, %jit3A_67 : i32
    %sign3A = arith.constant 0 : i32
    %sign3A_68 = arith.cmpi sgt, %select_n3A, %sign3A : i32
    %sign3A_69 = arith.extui %sign3A_68 : i1 to i32
    %sign3A_70 = arith.constant 0 : i32
    %sign3A_71 = arith.cmpi slt, %select_n3A, %sign3A_70 : i32
    %sign3A_72 = arith.extui %sign3A_71 : i1 to i32
    %sign3A_73 = arith.subi %sign3A_69, %sign3A_72 : i32
    %sign3A_74 = arith.constant 0 : i32
    %sign3A_75 = arith.cmpi sgt, %jit3A_67, %sign3A_74 : i32
    %sign3A_76 = arith.extui %sign3A_75 : i1 to i32
    %sign3A_77 = arith.constant 0 : i32
    %sign3A_78 = arith.cmpi slt, %jit3A_67, %sign3A_77 : i32
    %sign3A_79 = arith.extui %sign3A_78 : i1 to i32
    %sign3A_80 = arith.subi %sign3A_76, %sign3A_79 : i32
    %ne3A = arith.cmpi ne, %sign3A_73, %sign3A_80 : i32
    %rem3A = arith.remsi %select_n3A, %jit3A_67 : i32
    %ne3A_81 = arith.constant 0 : i32
    %ne3A_82 = arith.cmpi ne, %rem3A, %ne3A_81 : i32
    %and3A = arith.andi %ne3A, %ne3A_82 : i1
    %sub3A = arith.constant 1 : i32
    %sub3A_83 = arith.subi %div3A, %sub3A : i32
    %select_n3A_84 = arith.select %and3A, %sub3A_83, %div3A : i32
    %while3A = arith.constant 0 : i32
    %while3A_85 = arith.constant 0 : i32
    %while3A_86 = arith.subi %select_n3A_84, %while3A_85 : i32
    %while3A_87 = arith.addi %while3A_85, %while3A_86 : i32
    %while3A_88 = arith.constant 1 : i32
    %while3A_89 = arith.divsi %while3A_86, %while3A_88 : i32
    %while3A_90 = arith.muli %while3A_89, %while3A_88 : i32
    %while3A_91 = arith.addi %while3A_85, %while3A_90 : i32
    %while3A_92 = arith.constant 1 : i32
    scf.for %while3A_118 = %while3A_85 to %while3A_91 step %while3A_92  : i32 {
      %mul3A_119 = arith.constant 2 : i32
      %mul3A_120 = arith.muli %mul3A_119, %while3A_118 : i32
      %mul3A_121 = arith.constant 2 : i32
      %mul3A_122 = arith.muli %mul3A_121, %while3A_118 : i32
      %add3A_123 = arith.constant 1 : i32
      %add3A_124 = arith.addi %mul3A_122, %add3A_123 : i32
      %add3A_125 = arith.addi %select_n3A_31, %add3A_124 : i32
      %dma_wait3A_126 = arith.constant 0 : i32
      %dma_wait3A_127 = tpu.memref_slice %arg3[%add3A_125, %dma_wait3A_126] : memref<2560x128xi32, #tpu.memory_space<hbm>> -> memref<1x128xi32, #tpu.memory_space<hbm>>
      %dma_wait3A_128 = tpu.memref_squeeze %dma_wait3A_127 : memref<1x128xi32, #tpu.memory_space<hbm>> -> memref<128xi32, #tpu.memory_space<hbm>>
      %dma_wait3A_129 = arith.constant 0 : i32
      %dma_wait3A_130 = tpu.memref_slice %arg3[%add3A_125, %dma_wait3A_129] : memref<2560x128xi32, #tpu.memory_space<hbm>> -> memref<1x128xi32, #tpu.memory_space<hbm>>
      %dma_wait3A_131 = tpu.memref_squeeze %dma_wait3A_130 : memref<1x128xi32, #tpu.memory_space<hbm>> -> memref<128xi32, #tpu.memory_space<hbm>>
      tpu.wait_dma2 semaphore(%arg15 : memref<!tpu.dma_semaphore, #tpu.memory_space<semaphore_mem>>) src(%dma_wait3A_131 : memref<128xi32, #tpu.memory_space<hbm>>) dst(%arg8 : memref<128xi32, #tpu.memory_space<vmem>>)
      %dma_start3A_132 = arith.constant 0 : i32
      %dma_start3A_133 = arith.constant 0 : i32
      %dma_start3A_134 = tpu.memref_slice %arg2[%dma_start3A_132, %dma_start3A_133] : memref<10240x128xf32, #tpu.memory_space<hbm>> -> memref<10240x128xf32, #tpu.memory_space<hbm>>
      tpu.enqueue_indirect_dma source(%dma_start3A_134 : memref<10240x128xf32, #tpu.memory_space<hbm>>) target(%arg12 : memref<128x128xf32, #tpu.memory_space<vmem>>) offsets(%arg8 : memref<128xi32, #tpu.memory_space<vmem>>) semaphore(%arg19 : memref<!tpu.dma_semaphore, #tpu.memory_space<semaphore_mem>>)
      %dma_wait3A_135 = arith.constant 0 : i32
      %dma_wait3A_136 = arith.constant 0 : i32
      %dma_wait3A_137 = tpu.memref_slice %arg2[%dma_wait3A_135, %dma_wait3A_136] : memref<10240x128xf32, #tpu.memory_space<hbm>> -> memref<10240x128xf32, #tpu.memory_space<hbm>>
      tpu.wait_indirect_dma semaphore(%arg18 : memref<!tpu.dma_semaphore, #tpu.memory_space<semaphore_mem>>) src(%dma_wait3A_137 : memref<10240x128xf32, #tpu.memory_space<hbm>>) dst(%arg11 : memref<128x128xf32, #tpu.memory_space<vmem>>)
      %add3A_138 = arith.addi %select_n3A_31, %mul3A_120 : i32
      %dma_wait3A_139 = arith.constant 0 : i32
      %dma_wait3A_140 = tpu.memref_slice %arg4[%add3A_138, %dma_wait3A_139] : memref<2560x128xi32, #tpu.memory_space<hbm>> -> memref<1x128xi32, #tpu.memory_space<hbm>>
      %dma_wait3A_141 = tpu.memref_squeeze %dma_wait3A_140 : memref<1x128xi32, #tpu.memory_space<hbm>> -> memref<128xi32, #tpu.memory_space<hbm>>
      %dma_wait3A_142 = arith.constant 0 : i32
      %dma_wait3A_143 = tpu.memref_slice %arg4[%add3A_138, %dma_wait3A_142] : memref<2560x128xi32, #tpu.memory_space<hbm>> -> memref<1x128xi32, #tpu.memory_space<hbm>>
      %dma_wait3A_144 = tpu.memref_squeeze %dma_wait3A_143 : memref<1x128xi32, #tpu.memory_space<hbm>> -> memref<128xi32, #tpu.memory_space<hbm>>
      tpu.wait_dma2 semaphore(%arg16 : memref<!tpu.dma_semaphore, #tpu.memory_space<semaphore_mem>>) src(%dma_wait3A_144 : memref<128xi32, #tpu.memory_space<hbm>>) dst(%arg9 : memref<128xi32, #tpu.memory_space<vmem>>)
      %dma_start3A_145 = arith.constant 0 : i32
      %dma_start3A_146 = arith.constant 0 : i32
      %dma_start3A_147 = tpu.memref_slice %arg22[%dma_start3A_145, %dma_start3A_146] : memref<10240x128xf32, #tpu.memory_space<vmem_shared>> -> memref<10240x128xf32, #tpu.memory_space<vmem_shared>>
      tpu.enqueue_indirect_dma source(%arg11 : memref<128x128xf32, #tpu.memory_space<vmem>>) target(%dma_start3A_147 : memref<10240x128xf32, #tpu.memory_space<vmem_shared>>) offsets(%arg9 : memref<128xi32, #tpu.memory_space<vmem>>) semaphore(%arg20 : memref<!tpu.dma_semaphore, #tpu.memory_space<semaphore_mem>>) {add = true}
      %scan3A_148 = arith.constant 0 : i32
      %scan3A_149 = arith.constant 0 : i32
      %scan3A_150 = arith.constant 8 : i32
      %scan3A_151 = arith.addi %scan3A_149, %scan3A_150 : i32
      %scan3A_152 = arith.constant 1 : i32
      scf.for %scan3A_188 = %scan3A_149 to %scan3A_151 step %scan3A_152  : i32 {
        %mul3A_189 = arith.constant 16 : i32
        %mul3A_190 = arith.muli %scan3A_188, %mul3A_189 : i32
        %get3A = arith.index_cast %mul3A_190 : i32 to index
        %get3A_191 = tpu.vector_load %arg9[%get3A] {strides = array<i32>} : memref<128xi32, #tpu.memory_space<vmem>>, vector<16xi32>,
        %broadcast_in_dim3A = arith.constant true
        %broadcast_in_dim3A_192 = vector.broadcast %broadcast_in_dim3A : i1 to vector<16xi1>
        %unique3A, %unique3A_193 = tpu.scan_count mask(%broadcast_in_dim3A_192 : vector<16xi1>) value(%get3A_191 : vector<16xi32>) : vector<16xi1>, vector<16xi32>
        %convert_element_type3A_194 = arith.sitofp %unique3A_193 : vector<16xi32> to vector<16xf32>
        %shift_right_logical3A = arith.constant 7 : i32
        %shift_right_logical3A_195 = vector.broadcast %shift_right_logical3A : i32 to vector<16xi32>
        %shift_right_logical3A_196 = arith.shrui %get3A_191, %shift_right_logical3A_195 : vector<16xi32>
        %and3A_197 = arith.constant 127 : i32
        %and3A_198 = vector.broadcast %and3A_197 : i32 to vector<16xi32>
        %and3A_199 = arith.andi %get3A_191, %and3A_198 : vector<16xi32>
        tpu.vector_store_idx %arg13[%shift_right_logical3A_196, %and3A_199], %convert_element_type3A_194 masked %unique3A {add = true} : memref<80x128xf32, #tpu.memory_space<vmem>>[vector<16xi32>, vector<16xi32>], vector<16xf32>, vector<16xi1>
      }
      %scan3A_153 = arith.constant 8 : i32
      %dma_wait3A_154 = arith.constant 0 : i32
      %dma_wait3A_155 = arith.constant 0 : i32
      %dma_wait3A_156 = tpu.memref_slice %arg22[%dma_wait3A_154, %dma_wait3A_155] : memref<10240x128xf32, #tpu.memory_space<vmem_shared>> -> memref<10240x128xf32, #tpu.memory_space<vmem_shared>>
      tpu.wait_indirect_dma semaphore(%arg20 : memref<!tpu.dma_semaphore, #tpu.memory_space<semaphore_mem>>) src(%arg11 : memref<128x128xf32, #tpu.memory_space<vmem>>) dst(%dma_wait3A_156 : memref<10240x128xf32, #tpu.memory_space<vmem_shared>>)
      %add3A_157 = arith.constant 2 : i32
      %add3A_158 = arith.addi %mul3A_120, %add3A_157 : i32
      %lt3A = arith.cmpi slt, %add3A_158, %select_n3A : i32
      %convert_element_type3A = arith.extui %lt3A : i1 to i32
      %cond3A = arith.constant 0 : i32
      %cond3A_159 = arith.cmpi ne, %convert_element_type3A, %cond3A : i32
      scf.if %cond3A_159 {
        %add3A_188 = arith.addi %select_n3A_31, %mul3A_120 : i32
        %add3A_189 = arith.constant 2 : i32
        %add3A_190 = arith.addi %add3A_188, %add3A_189 : i32
        %dma_start3A_191 = arith.constant 0 : i32
        %dma_start3A_192 = tpu.memref_slice %arg3[%add3A_190, %dma_start3A_191] : memref<2560x128xi32, #tpu.memory_space<hbm>> -> memref<1x128xi32, #tpu.memory_space<hbm>>
        %dma_start3A_193 = tpu.memref_squeeze %dma_start3A_192 : memref<1x128xi32, #tpu.memory_space<hbm>> -> memref<128xi32, #tpu.memory_space<hbm>>
        %dma_start3A_194 = arith.constant 0 : i32
        %dma_start3A_195 = tpu.memref_slice %arg3[%add3A_190, %dma_start3A_194] : memref<2560x128xi32, #tpu.memory_space<hbm>> -> memref<1x128xi32, #tpu.memory_space<hbm>>
        %dma_start3A_196 = tpu.memref_squeeze %dma_start3A_195 : memref<1x128xi32, #tpu.memory_space<hbm>> -> memref<128xi32, #tpu.memory_space<hbm>>
        tpu.enqueue_dma source(%dma_start3A_196 : memref<128xi32, #tpu.memory_space<hbm>>) target(%arg7 : memref<128xi32, #tpu.memory_space<vmem>>) target_semaphore(%arg14 : memref<!tpu.dma_semaphore, #tpu.memory_space<semaphore_mem>>)
        %add3A_197 = arith.addi %select_n3A_31, %mul3A_120 : i32
        %add3A_198 = arith.constant 2 : i32
        %add3A_199 = arith.addi %add3A_197, %add3A_198 : i32
        %dma_start3A_200 = arith.constant 0 : i32
        %dma_start3A_201 = tpu.memref_slice %arg4[%add3A_199, %dma_start3A_200] : memref<2560x128xi32, #tpu.memory_space<hbm>> -> memref<1x128xi32, #tpu.memory_space<hbm>>
        %dma_start3A_202 = tpu.memref_squeeze %dma_start3A_201 : memref<1x128xi32, #tpu.memory_space<hbm>> -> memref<128xi32, #tpu.memory_space<hbm>>
        %dma_start3A_203 = arith.constant 0 : i32
        %dma_start3A_204 = tpu.memref_slice %arg4[%add3A_199, %dma_start3A_203] : memref<2560x128xi32, #tpu.memory_space<hbm>> -> memref<1x128xi32, #tpu.memory_space<hbm>>
        %dma_start3A_205 = tpu.memref_squeeze %dma_start3A_204 : memref<1x128xi32, #tpu.memory_space<hbm>> -> memref<128xi32, #tpu.memory_space<hbm>>
        tpu.enqueue_dma source(%dma_start3A_205 : memref<128xi32, #tpu.memory_space<hbm>>) target(%arg9 : memref<128xi32, #tpu.memory_space<vmem>>) target_semaphore(%arg16 : memref<!tpu.dma_semaphore, #tpu.memory_space<semaphore_mem>>)
        %add3A_206 = arith.addi %select_n3A_31, %mul3A_120 : i32
        %add3A_207 = arith.constant 2 : i32
        %add3A_208 = arith.addi %add3A_206, %add3A_207 : i32
        %dma_wait3A_209 = arith.constant 0 : i32
        %dma_wait3A_210 = tpu.memref_slice %arg3[%add3A_208, %dma_wait3A_209] : memref<2560x128xi32, #tpu.memory_space<hbm>> -> memref<1x128xi32, #tpu.memory_space<hbm>>
        %dma_wait3A_211 = tpu.memref_squeeze %dma_wait3A_210 : memref<1x128xi32, #tpu.memory_space<hbm>> -> memref<128xi32, #tpu.memory_space<hbm>>
        %dma_wait3A_212 = arith.constant 0 : i32
        %dma_wait3A_213 = tpu.memref_slice %arg3[%add3A_208, %dma_wait3A_212] : memref<2560x128xi32, #tpu.memory_space<hbm>> -> memref<1x128xi32, #tpu.memory_space<hbm>>
        %dma_wait3A_214 = tpu.memref_squeeze %dma_wait3A_213 : memref<1x128xi32, #tpu.memory_space<hbm>> -> memref<128xi32, #tpu.memory_space<hbm>>
        tpu.wait_dma2 semaphore(%arg14 : memref<!tpu.dma_semaphore, #tpu.memory_space<semaphore_mem>>) src(%dma_wait3A_214 : memref<128xi32, #tpu.memory_space<hbm>>) dst(%arg7 : memref<128xi32, #tpu.memory_space<vmem>>)
        %dma_start3A_215 = arith.constant 0 : i32
        %dma_start3A_216 = arith.constant 0 : i32
        %dma_start3A_217 = tpu.memref_slice %arg2[%dma_start3A_215, %dma_start3A_216] : memref<10240x128xf32, #tpu.memory_space<hbm>> -> memref<10240x128xf32, #tpu.memory_space<hbm>>
        tpu.enqueue_indirect_dma source(%dma_start3A_217 : memref<10240x128xf32, #tpu.memory_space<hbm>>) target(%arg11 : memref<128x128xf32, #tpu.memory_space<vmem>>) offsets(%arg7 : memref<128xi32, #tpu.memory_space<vmem>>) semaphore(%arg18 : memref<!tpu.dma_semaphore, #tpu.memory_space<semaphore_mem>>)
      } else {
      }
      %dma_wait3A_160 = arith.constant 0 : i32
      %dma_wait3A_161 = arith.constant 0 : i32
      %dma_wait3A_162 = tpu.memref_slice %arg2[%dma_wait3A_160, %dma_wait3A_161] : memref<10240x128xf32, #tpu.memory_space<hbm>> -> memref<10240x128xf32, #tpu.memory_space<hbm>>
      tpu.wait_indirect_dma semaphore(%arg19 : memref<!tpu.dma_semaphore, #tpu.memory_space<semaphore_mem>>) src(%dma_wait3A_162 : memref<10240x128xf32, #tpu.memory_space<hbm>>) dst(%arg12 : memref<128x128xf32, #tpu.memory_space<vmem>>)
      %add3A_163 = arith.addi %select_n3A_31, %add3A_124 : i32
      %dma_wait3A_164 = arith.constant 0 : i32
      %dma_wait3A_165 = tpu.memref_slice %arg4[%add3A_163, %dma_wait3A_164] : memref<2560x128xi32, #tpu.memory_space<hbm>> -> memref<1x128xi32, #tpu.memory_space<hbm>>
      %dma_wait3A_166 = tpu.memref_squeeze %dma_wait3A_165 : memref<1x128xi32, #tpu.memory_space<hbm>> -> memref<128xi32, #tpu.memory_space<hbm>>
      %dma_wait3A_167 = arith.constant 0 : i32
      %dma_wait3A_168 = tpu.memref_slice %arg4[%add3A_163, %dma_wait3A_167] : memref<2560x128xi32, #tpu.memory_space<hbm>> -> memref<1x128xi32, #tpu.memory_space<hbm>>
      %dma_wait3A_169 = tpu.memref_squeeze %dma_wait3A_168 : memref<1x128xi32, #tpu.memory_space<hbm>> -> memref<128xi32, #tpu.memory_space<hbm>>
      tpu.wait_dma2 semaphore(%arg17 : memref<!tpu.dma_semaphore, #tpu.memory_space<semaphore_mem>>) src(%dma_wait3A_169 : memref<128xi32, #tpu.memory_space<hbm>>) dst(%arg10 : memref<128xi32, #tpu.memory_space<vmem>>)
      %dma_start3A_170 = arith.constant 0 : i32
      %dma_start3A_171 = arith.constant 0 : i32
      %dma_start3A_172 = tpu.memref_slice %arg22[%dma_start3A_170, %dma_start3A_171] : memref<10240x128xf32, #tpu.memory_space<vmem_shared>> -> memref<10240x128xf32, #tpu.memory_space<vmem_shared>>
      tpu.enqueue_indirect_dma source(%arg12 : memref<128x128xf32, #tpu.memory_space<vmem>>) target(%dma_start3A_172 : memref<10240x128xf32, #tpu.memory_space<vmem_shared>>) offsets(%arg10 : memref<128xi32, #tpu.memory_space<vmem>>) semaphore(%arg21 : memref<!tpu.dma_semaphore, #tpu.memory_space<semaphore_mem>>) {add = true}
      %scan3A_173 = arith.constant 0 : i32
      %scan3A_174 = arith.constant 0 : i32
      %scan3A_175 = arith.constant 8 : i32
      %scan3A_176 = arith.addi %scan3A_174, %scan3A_175 : i32
      %scan3A_177 = arith.constant 1 : i32
      scf.for %scan3A_188 = %scan3A_174 to %scan3A_176 step %scan3A_177  : i32 {
        %mul3A_189 = arith.constant 16 : i32
        %mul3A_190 = arith.muli %scan3A_188, %mul3A_189 : i32
        %get3A = arith.index_cast %mul3A_190 : i32 to index
        %get3A_191 = tpu.vector_load %arg10[%get3A] {strides = array<i32>} : memref<128xi32, #tpu.memory_space<vmem>>, vector<16xi32>,
        %broadcast_in_dim3A = arith.constant true
        %broadcast_in_dim3A_192 = vector.broadcast %broadcast_in_dim3A : i1 to vector<16xi1>
        %unique3A, %unique3A_193 = tpu.scan_count mask(%broadcast_in_dim3A_192 : vector<16xi1>) value(%get3A_191 : vector<16xi32>) : vector<16xi1>, vector<16xi32>
        %convert_element_type3A_194 = arith.sitofp %unique3A_193 : vector<16xi32> to vector<16xf32>
        %shift_right_logical3A = arith.constant 7 : i32
        %shift_right_logical3A_195 = vector.broadcast %shift_right_logical3A : i32 to vector<16xi32>
        %shift_right_logical3A_196 = arith.shrui %get3A_191, %shift_right_logical3A_195 : vector<16xi32>
        %and3A_197 = arith.constant 127 : i32
        %and3A_198 = vector.broadcast %and3A_197 : i32 to vector<16xi32>
        %and3A_199 = arith.andi %get3A_191, %and3A_198 : vector<16xi32>
        tpu.vector_store_idx %arg13[%shift_right_logical3A_196, %and3A_199], %convert_element_type3A_194 masked %unique3A {add = true} : memref<80x128xf32, #tpu.memory_space<vmem>>[vector<16xi32>, vector<16xi32>], vector<16xf32>, vector<16xi1>
      }
      %scan3A_178 = arith.constant 8 : i32
      %dma_wait3A_179 = arith.constant 0 : i32
      %dma_wait3A_180 = arith.constant 0 : i32
      %dma_wait3A_181 = tpu.memref_slice %arg22[%dma_wait3A_179, %dma_wait3A_180] : memref<10240x128xf32, #tpu.memory_space<vmem_shared>> -> memref<10240x128xf32, #tpu.memory_space<vmem_shared>>
      tpu.wait_indirect_dma semaphore(%arg21 : memref<!tpu.dma_semaphore, #tpu.memory_space<semaphore_mem>>) src(%arg12 : memref<128x128xf32, #tpu.memory_space<vmem>>) dst(%dma_wait3A_181 : memref<10240x128xf32, #tpu.memory_space<vmem_shared>>)
      %add3A_182 = arith.constant 2 : i32
      %add3A_183 = arith.addi %add3A_124, %add3A_182 : i32
      %lt3A_184 = arith.cmpi slt, %add3A_183, %select_n3A : i32
      %convert_element_type3A_185 = arith.extui %lt3A_184 : i1 to i32
      %cond3A_186 = arith.constant 0 : i32
      %cond3A_187 = arith.cmpi ne, %convert_element_type3A_185, %cond3A_186 : i32
      scf.if %cond3A_187 {
        %add3A_188 = arith.addi %select_n3A_31, %add3A_124 : i32
        %add3A_189 = arith.constant 2 : i32
        %add3A_190 = arith.addi %add3A_188, %add3A_189 : i32
        %dma_start3A_191 = arith.constant 0 : i32
        %dma_start3A_192 = tpu.memref_slice %arg3[%add3A_190, %dma_start3A_191] : memref<2560x128xi32, #tpu.memory_space<hbm>> -> memref<1x128xi32, #tpu.memory_space<hbm>>
        %dma_start3A_193 = tpu.memref_squeeze %dma_start3A_192 : memref<1x128xi32, #tpu.memory_space<hbm>> -> memref<128xi32, #tpu.memory_space<hbm>>
        %dma_start3A_194 = arith.constant 0 : i32
        %dma_start3A_195 = tpu.memref_slice %arg3[%add3A_190, %dma_start3A_194] : memref<2560x128xi32, #tpu.memory_space<hbm>> -> memref<1x128xi32, #tpu.memory_space<hbm>>
        %dma_start3A_196 = tpu.memref_squeeze %dma_start3A_195 : memref<1x128xi32, #tpu.memory_space<hbm>> -> memref<128xi32, #tpu.memory_space<hbm>>
        tpu.enqueue_dma source(%dma_start3A_196 : memref<128xi32, #tpu.memory_space<hbm>>) target(%arg8 : memref<128xi32, #tpu.memory_space<vmem>>) target_semaphore(%arg15 : memref<!tpu.dma_semaphore, #tpu.memory_space<semaphore_mem>>)
        %add3A_197 = arith.addi %select_n3A_31, %add3A_124 : i32
        %add3A_198 = arith.constant 2 : i32
        %add3A_199 = arith.addi %add3A_197, %add3A_198 : i32
        %dma_start3A_200 = arith.constant 0 : i32
        %dma_start3A_201 = tpu.memref_slice %arg4[%add3A_199, %dma_start3A_200] : memref<2560x128xi32, #tpu.memory_space<hbm>> -> memref<1x128xi32, #tpu.memory_space<hbm>>
        %dma_start3A_202 = tpu.memref_squeeze %dma_start3A_201 : memref<1x128xi32, #tpu.memory_space<hbm>> -> memref<128xi32, #tpu.memory_space<hbm>>
        %dma_start3A_203 = arith.constant 0 : i32
        %dma_start3A_204 = tpu.memref_slice %arg4[%add3A_199, %dma_start3A_203] : memref<2560x128xi32, #tpu.memory_space<hbm>> -> memref<1x128xi32, #tpu.memory_space<hbm>>
        %dma_start3A_205 = tpu.memref_squeeze %dma_start3A_204 : memref<1x128xi32, #tpu.memory_space<hbm>> -> memref<128xi32, #tpu.memory_space<hbm>>
        tpu.enqueue_dma source(%dma_start3A_205 : memref<128xi32, #tpu.memory_space<hbm>>) target(%arg10 : memref<128xi32, #tpu.memory_space<vmem>>) target_semaphore(%arg17 : memref<!tpu.dma_semaphore, #tpu.memory_space<semaphore_mem>>)
      } else {
      }
    }
    %while3A_93 = arith.constant 1 : i32
    scf.for %while3A_118 = %while3A_91 to %while3A_87 step %while3A_93  : i32 {
      %mul3A_119 = arith.constant 2 : i32
      %mul3A_120 = arith.muli %mul3A_119, %while3A_118 : i32
      %mul3A_121 = arith.constant 2 : i32
      %mul3A_122 = arith.muli %mul3A_121, %while3A_118 : i32
      %add3A_123 = arith.constant 1 : i32
      %add3A_124 = arith.addi %mul3A_122, %add3A_123 : i32
      %add3A_125 = arith.addi %select_n3A_31, %add3A_124 : i32
      %dma_wait3A_126 = arith.constant 0 : i32
      %dma_wait3A_127 = tpu.memref_slice %arg3[%add3A_125, %dma_wait3A_126] : memref<2560x128xi32, #tpu.memory_space<hbm>> -> memref<1x128xi32, #tpu.memory_space<hbm>>
      %dma_wait3A_128 = tpu.memref_squeeze %dma_wait3A_127 : memref<1x128xi32, #tpu.memory_space<hbm>> -> memref<128xi32, #tpu.memory_space<hbm>>
      %dma_wait3A_129 = arith.constant 0 : i32
      %dma_wait3A_130 = tpu.memref_slice %arg3[%add3A_125, %dma_wait3A_129] : memref<2560x128xi32, #tpu.memory_space<hbm>> -> memref<1x128xi32, #tpu.memory_space<hbm>>
      %dma_wait3A_131 = tpu.memref_squeeze %dma_wait3A_130 : memref<1x128xi32, #tpu.memory_space<hbm>> -> memref<128xi32, #tpu.memory_space<hbm>>
      tpu.wait_dma2 semaphore(%arg15 : memref<!tpu.dma_semaphore, #tpu.memory_space<semaphore_mem>>) src(%dma_wait3A_131 : memref<128xi32, #tpu.memory_space<hbm>>) dst(%arg8 : memref<128xi32, #tpu.memory_space<vmem>>)
      %dma_start3A_132 = arith.constant 0 : i32
      %dma_start3A_133 = arith.constant 0 : i32
      %dma_start3A_134 = tpu.memref_slice %arg2[%dma_start3A_132, %dma_start3A_133] : memref<10240x128xf32, #tpu.memory_space<hbm>> -> memref<10240x128xf32, #tpu.memory_space<hbm>>
      tpu.enqueue_indirect_dma source(%dma_start3A_134 : memref<10240x128xf32, #tpu.memory_space<hbm>>) target(%arg12 : memref<128x128xf32, #tpu.memory_space<vmem>>) offsets(%arg8 : memref<128xi32, #tpu.memory_space<vmem>>) semaphore(%arg19 : memref<!tpu.dma_semaphore, #tpu.memory_space<semaphore_mem>>)
      %dma_wait3A_135 = arith.constant 0 : i32
      %dma_wait3A_136 = arith.constant 0 : i32
      %dma_wait3A_137 = tpu.memref_slice %arg2[%dma_wait3A_135, %dma_wait3A_136] : memref<10240x128xf32, #tpu.memory_space<hbm>> -> memref<10240x128xf32, #tpu.memory_space<hbm>>
      tpu.wait_indirect_dma semaphore(%arg18 : memref<!tpu.dma_semaphore, #tpu.memory_space<semaphore_mem>>) src(%dma_wait3A_137 : memref<10240x128xf32, #tpu.memory_space<hbm>>) dst(%arg11 : memref<128x128xf32, #tpu.memory_space<vmem>>)
      %add3A_138 = arith.addi %select_n3A_31, %mul3A_120 : i32
      %dma_wait3A_139 = arith.constant 0 : i32
      %dma_wait3A_140 = tpu.memref_slice %arg4[%add3A_138, %dma_wait3A_139] : memref<2560x128xi32, #tpu.memory_space<hbm>> -> memref<1x128xi32, #tpu.memory_space<hbm>>
      %dma_wait3A_141 = tpu.memref_squeeze %dma_wait3A_140 : memref<1x128xi32, #tpu.memory_space<hbm>> -> memref<128xi32, #tpu.memory_space<hbm>>
      %dma_wait3A_142 = arith.constant 0 : i32
      %dma_wait3A_143 = tpu.memref_slice %arg4[%add3A_138, %dma_wait3A_142] : memref<2560x128xi32, #tpu.memory_space<hbm>> -> memref<1x128xi32, #tpu.memory_space<hbm>>
      %dma_wait3A_144 = tpu.memref_squeeze %dma_wait3A_143 : memref<1x128xi32, #tpu.memory_space<hbm>> -> memref<128xi32, #tpu.memory_space<hbm>>
      tpu.wait_dma2 semaphore(%arg16 : memref<!tpu.dma_semaphore, #tpu.memory_space<semaphore_mem>>) src(%dma_wait3A_144 : memref<128xi32, #tpu.memory_space<hbm>>) dst(%arg9 : memref<128xi32, #tpu.memory_space<vmem>>)
      %dma_start3A_145 = arith.constant 0 : i32
      %dma_start3A_146 = arith.constant 0 : i32
      %dma_start3A_147 = tpu.memref_slice %arg22[%dma_start3A_145, %dma_start3A_146] : memref<10240x128xf32, #tpu.memory_space<vmem_shared>> -> memref<10240x128xf32, #tpu.memory_space<vmem_shared>>
      tpu.enqueue_indirect_dma source(%arg11 : memref<128x128xf32, #tpu.memory_space<vmem>>) target(%dma_start3A_147 : memref<10240x128xf32, #tpu.memory_space<vmem_shared>>) offsets(%arg9 : memref<128xi32, #tpu.memory_space<vmem>>) semaphore(%arg20 : memref<!tpu.dma_semaphore, #tpu.memory_space<semaphore_mem>>) {add = true}
      %scan3A_148 = arith.constant 0 : i32
      %scan3A_149 = arith.constant 0 : i32
      %scan3A_150 = arith.constant 8 : i32
      %scan3A_151 = arith.addi %scan3A_149, %scan3A_150 : i32
      %scan3A_152 = arith.constant 1 : i32
      scf.for %scan3A_188 = %scan3A_149 to %scan3A_151 step %scan3A_152  : i32 {
        %mul3A_189 = arith.constant 16 : i32
        %mul3A_190 = arith.muli %scan3A_188, %mul3A_189 : i32
        %get3A = arith.index_cast %mul3A_190 : i32 to index
        %get3A_191 = tpu.vector_load %arg9[%get3A] {strides = array<i32>} : memref<128xi32, #tpu.memory_space<vmem>>, vector<16xi32>,
        %broadcast_in_dim3A = arith.constant true
        %broadcast_in_dim3A_192 = vector.broadcast %broadcast_in_dim3A : i1 to vector<16xi1>
        %unique3A, %unique3A_193 = tpu.scan_count mask(%broadcast_in_dim3A_192 : vector<16xi1>) value(%get3A_191 : vector<16xi32>) : vector<16xi1>, vector<16xi32>
        %convert_element_type3A_194 = arith.sitofp %unique3A_193 : vector<16xi32> to vector<16xf32>
        %shift_right_logical3A = arith.constant 7 : i32
        %shift_right_logical3A_195 = vector.broadcast %shift_right_logical3A : i32 to vector<16xi32>
        %shift_right_logical3A_196 = arith.shrui %get3A_191, %shift_right_logical3A_195 : vector<16xi32>
        %and3A_197 = arith.constant 127 : i32
        %and3A_198 = vector.broadcast %and3A_197 : i32 to vector<16xi32>
        %and3A_199 = arith.andi %get3A_191, %and3A_198 : vector<16xi32>
        tpu.vector_store_idx %arg13[%shift_right_logical3A_196, %and3A_199], %convert_element_type3A_194 masked %unique3A {add = true} : memref<80x128xf32, #tpu.memory_space<vmem>>[vector<16xi32>, vector<16xi32>], vector<16xf32>, vector<16xi1>
      }
      %scan3A_153 = arith.constant 8 : i32
      %dma_wait3A_154 = arith.constant 0 : i32
      %dma_wait3A_155 = arith.constant 0 : i32
      %dma_wait3A_156 = tpu.memref_slice %arg22[%dma_wait3A_154, %dma_wait3A_155] : memref<10240x128xf32, #tpu.memory_space<vmem_shared>> -> memref<10240x128xf32, #tpu.memory_space<vmem_shared>>
      tpu.wait_indirect_dma semaphore(%arg20 : memref<!tpu.dma_semaphore, #tpu.memory_space<semaphore_mem>>) src(%arg11 : memref<128x128xf32, #tpu.memory_space<vmem>>) dst(%dma_wait3A_156 : memref<10240x128xf32, #tpu.memory_space<vmem_shared>>)
      %add3A_157 = arith.constant 2 : i32
      %add3A_158 = arith.addi %mul3A_120, %add3A_157 : i32
      %lt3A = arith.cmpi slt, %add3A_158, %select_n3A : i32
      %convert_element_type3A = arith.extui %lt3A : i1 to i32
      %cond3A = arith.constant 0 : i32
      %cond3A_159 = arith.cmpi ne, %convert_element_type3A, %cond3A : i32
      scf.if %cond3A_159 {
        %add3A_188 = arith.addi %select_n3A_31, %mul3A_120 : i32
        %add3A_189 = arith.constant 2 : i32
        %add3A_190 = arith.addi %add3A_188, %add3A_189 : i32
        %dma_start3A_191 = arith.constant 0 : i32
        %dma_start3A_192 = tpu.memref_slice %arg3[%add3A_190, %dma_start3A_191] : memref<2560x128xi32, #tpu.memory_space<hbm>> -> memref<1x128xi32, #tpu.memory_space<hbm>>
        %dma_start3A_193 = tpu.memref_squeeze %dma_start3A_192 : memref<1x128xi32, #tpu.memory_space<hbm>> -> memref<128xi32, #tpu.memory_space<hbm>>
        %dma_start3A_194 = arith.constant 0 : i32
        %dma_start3A_195 = tpu.memref_slice %arg3[%add3A_190, %dma_start3A_194] : memref<2560x128xi32, #tpu.memory_space<hbm>> -> memref<1x128xi32, #tpu.memory_space<hbm>>
        %dma_start3A_196 = tpu.memref_squeeze %dma_start3A_195 : memref<1x128xi32, #tpu.memory_space<hbm>> -> memref<128xi32, #tpu.memory_space<hbm>>
        tpu.enqueue_dma source(%dma_start3A_196 : memref<128xi32, #tpu.memory_space<hbm>>) target(%arg7 : memref<128xi32, #tpu.memory_space<vmem>>) target_semaphore(%arg14 : memref<!tpu.dma_semaphore, #tpu.memory_space<semaphore_mem>>)
        %add3A_197 = arith.addi %select_n3A_31, %mul3A_120 : i32
        %add3A_198 = arith.constant 2 : i32
        %add3A_199 = arith.addi %add3A_197, %add3A_198 : i32
        %dma_start3A_200 = arith.constant 0 : i32
        %dma_start3A_201 = tpu.memref_slice %arg4[%add3A_199, %dma_start3A_200] : memref<2560x128xi32, #tpu.memory_space<hbm>> -> memref<1x128xi32, #tpu.memory_space<hbm>>
        %dma_start3A_202 = tpu.memref_squeeze %dma_start3A_201 : memref<1x128xi32, #tpu.memory_space<hbm>> -> memref<128xi32, #tpu.memory_space<hbm>>
        %dma_start3A_203 = arith.constant 0 : i32
        %dma_start3A_204 = tpu.memref_slice %arg4[%add3A_199, %dma_start3A_203] : memref<2560x128xi32, #tpu.memory_space<hbm>> -> memref<1x128xi32, #tpu.memory_space<hbm>>
        %dma_start3A_205 = tpu.memref_squeeze %dma_start3A_204 : memref<1x128xi32, #tpu.memory_space<hbm>> -> memref<128xi32, #tpu.memory_space<hbm>>
        tpu.enqueue_dma source(%dma_start3A_205 : memref<128xi32, #tpu.memory_space<hbm>>) target(%arg9 : memref<128xi32, #tpu.memory_space<vmem>>) target_semaphore(%arg16 : memref<!tpu.dma_semaphore, #tpu.memory_space<semaphore_mem>>)
        %add3A_206 = arith.addi %select_n3A_31, %mul3A_120 : i32
        %add3A_207 = arith.constant 2 : i32
        %add3A_208 = arith.addi %add3A_206, %add3A_207 : i32
        %dma_wait3A_209 = arith.constant 0 : i32
        %dma_wait3A_210 = tpu.memref_slice %arg3[%add3A_208, %dma_wait3A_209] : memref<2560x128xi32, #tpu.memory_space<hbm>> -> memref<1x128xi32, #tpu.memory_space<hbm>>
        %dma_wait3A_211 = tpu.memref_squeeze %dma_wait3A_210 : memref<1x128xi32, #tpu.memory_space<hbm>> -> memref<128xi32, #tpu.memory_space<hbm>>
        %dma_wait3A_212 = arith.constant 0 : i32
        %dma_wait3A_213 = tpu.memref_slice %arg3[%add3A_208, %dma_wait3A_212] : memref<2560x128xi32, #tpu.memory_space<hbm>> -> memref<1x128xi32, #tpu.memory_space<hbm>>
        %dma_wait3A_214 = tpu.memref_squeeze %dma_wait3A_213 : memref<1x128xi32, #tpu.memory_space<hbm>> -> memref<128xi32, #tpu.memory_space<hbm>>
        tpu.wait_dma2 semaphore(%arg14 : memref<!tpu.dma_semaphore, #tpu.memory_space<semaphore_mem>>) src(%dma_wait3A_214 : memref<128xi32, #tpu.memory_space<hbm>>) dst(%arg7 : memref<128xi32, #tpu.memory_space<vmem>>)
        %dma_start3A_215 = arith.constant 0 : i32
        %dma_start3A_216 = arith.constant 0 : i32
        %dma_start3A_217 = tpu.memref_slice %arg2[%dma_start3A_215, %dma_start3A_216] : memref<10240x128xf32, #tpu.memory_space<hbm>> -> memref<10240x128xf32, #tpu.memory_space<hbm>>
        tpu.enqueue_indirect_dma source(%dma_start3A_217 : memref<10240x128xf32, #tpu.memory_space<hbm>>) target(%arg11 : memref<128x128xf32, #tpu.memory_space<vmem>>) offsets(%arg7 : memref<128xi32, #tpu.memory_space<vmem>>) semaphore(%arg18 : memref<!tpu.dma_semaphore, #tpu.memory_space<semaphore_mem>>)
      } else {
      }
      %dma_wait3A_160 = arith.constant 0 : i32
      %dma_wait3A_161 = arith.constant 0 : i32
      %dma_wait3A_162 = tpu.memref_slice %arg2[%dma_wait3A_160, %dma_wait3A_161] : memref<10240x128xf32, #tpu.memory_space<hbm>> -> memref<10240x128xf32, #tpu.memory_space<hbm>>
      tpu.wait_indirect_dma semaphore(%arg19 : memref<!tpu.dma_semaphore, #tpu.memory_space<semaphore_mem>>) src(%dma_wait3A_162 : memref<10240x128xf32, #tpu.memory_space<hbm>>) dst(%arg12 : memref<128x128xf32, #tpu.memory_space<vmem>>)
      %add3A_163 = arith.addi %select_n3A_31, %add3A_124 : i32
      %dma_wait3A_164 = arith.constant 0 : i32
      %dma_wait3A_165 = tpu.memref_slice %arg4[%add3A_163, %dma_wait3A_164] : memref<2560x128xi32, #tpu.memory_space<hbm>> -> memref<1x128xi32, #tpu.memory_space<hbm>>
      %dma_wait3A_166 = tpu.memref_squeeze %dma_wait3A_165 : memref<1x128xi32, #tpu.memory_space<hbm>> -> memref<128xi32, #tpu.memory_space<hbm>>
      %dma_wait3A_167 = arith.constant 0 : i32
      %dma_wait3A_168 = tpu.memref_slice %arg4[%add3A_163, %dma_wait3A_167] : memref<2560x128xi32, #tpu.memory_space<hbm>> -> memref<1x128xi32, #tpu.memory_space<hbm>>
      %dma_wait3A_169 = tpu.memref_squeeze %dma_wait3A_168 : memref<1x128xi32, #tpu.memory_space<hbm>> -> memref<128xi32, #tpu.memory_space<hbm>>
      tpu.wait_dma2 semaphore(%arg17 : memref<!tpu.dma_semaphore, #tpu.memory_space<semaphore_mem>>) src(%dma_wait3A_169 : memref<128xi32, #tpu.memory_space<hbm>>) dst(%arg10 : memref<128xi32, #tpu.memory_space<vmem>>)
      %dma_start3A_170 = arith.constant 0 : i32
      %dma_start3A_171 = arith.constant 0 : i32
      %dma_start3A_172 = tpu.memref_slice %arg22[%dma_start3A_170, %dma_start3A_171] : memref<10240x128xf32, #tpu.memory_space<vmem_shared>> -> memref<10240x128xf32, #tpu.memory_space<vmem_shared>>
      tpu.enqueue_indirect_dma source(%arg12 : memref<128x128xf32, #tpu.memory_space<vmem>>) target(%dma_start3A_172 : memref<10240x128xf32, #tpu.memory_space<vmem_shared>>) offsets(%arg10 : memref<128xi32, #tpu.memory_space<vmem>>) semaphore(%arg21 : memref<!tpu.dma_semaphore, #tpu.memory_space<semaphore_mem>>) {add = true}
      %scan3A_173 = arith.constant 0 : i32
      %scan3A_174 = arith.constant 0 : i32
      %scan3A_175 = arith.constant 8 : i32
      %scan3A_176 = arith.addi %scan3A_174, %scan3A_175 : i32
      %scan3A_177 = arith.constant 1 : i32
      scf.for %scan3A_188 = %scan3A_174 to %scan3A_176 step %scan3A_177  : i32 {
        %mul3A_189 = arith.constant 16 : i32
        %mul3A_190 = arith.muli %scan3A_188, %mul3A_189 : i32
        %get3A = arith.index_cast %mul3A_190 : i32 to index
        %get3A_191 = tpu.vector_load %arg10[%get3A] {strides = array<i32>} : memref<128xi32, #tpu.memory_space<vmem>>, vector<16xi32>,
        %broadcast_in_dim3A = arith.constant true
        %broadcast_in_dim3A_192 = vector.broadcast %broadcast_in_dim3A : i1 to vector<16xi1>
        %unique3A, %unique3A_193 = tpu.scan_count mask(%broadcast_in_dim3A_192 : vector<16xi1>) value(%get3A_191 : vector<16xi32>) : vector<16xi1>, vector<16xi32>
        %convert_element_type3A_194 = arith.sitofp %unique3A_193 : vector<16xi32> to vector<16xf32>
        %shift_right_logical3A = arith.constant 7 : i32
        %shift_right_logical3A_195 = vector.broadcast %shift_right_logical3A : i32 to vector<16xi32>
        %shift_right_logical3A_196 = arith.shrui %get3A_191, %shift_right_logical3A_195 : vector<16xi32>
        %and3A_197 = arith.constant 127 : i32
        %and3A_198 = vector.broadcast %and3A_197 : i32 to vector<16xi32>
        %and3A_199 = arith.andi %get3A_191, %and3A_198 : vector<16xi32>
        tpu.vector_store_idx %arg13[%shift_right_logical3A_196, %and3A_199], %convert_element_type3A_194 masked %unique3A {add = true} : memref<80x128xf32, #tpu.memory_space<vmem>>[vector<16xi32>, vector<16xi32>], vector<16xf32>, vector<16xi1>
      }
      %scan3A_178 = arith.constant 8 : i32
      %dma_wait3A_179 = arith.constant 0 : i32
      %dma_wait3A_180 = arith.constant 0 : i32
      %dma_wait3A_181 = tpu.memref_slice %arg22[%dma_wait3A_179, %dma_wait3A_180] : memref<10240x128xf32, #tpu.memory_space<vmem_shared>> -> memref<10240x128xf32, #tpu.memory_space<vmem_shared>>
      tpu.wait_indirect_dma semaphore(%arg21 : memref<!tpu.dma_semaphore, #tpu.memory_space<semaphore_mem>>) src(%arg12 : memref<128x128xf32, #tpu.memory_space<vmem>>) dst(%dma_wait3A_181 : memref<10240x128xf32, #tpu.memory_space<vmem_shared>>)
      %add3A_182 = arith.constant 2 : i32
      %add3A_183 = arith.addi %add3A_124, %add3A_182 : i32
      %lt3A_184 = arith.cmpi slt, %add3A_183, %select_n3A : i32
      %convert_element_type3A_185 = arith.extui %lt3A_184 : i1 to i32
      %cond3A_186 = arith.constant 0 : i32
      %cond3A_187 = arith.cmpi ne, %convert_element_type3A_185, %cond3A_186 : i32
      scf.if %cond3A_187 {
        %add3A_188 = arith.addi %select_n3A_31, %add3A_124 : i32
        %add3A_189 = arith.constant 2 : i32
        %add3A_190 = arith.addi %add3A_188, %add3A_189 : i32
        %dma_start3A_191 = arith.constant 0 : i32
        %dma_start3A_192 = tpu.memref_slice %arg3[%add3A_190, %dma_start3A_191] : memref<2560x128xi32, #tpu.memory_space<hbm>> -> memref<1x128xi32, #tpu.memory_space<hbm>>
        %dma_start3A_193 = tpu.memref_squeeze %dma_start3A_192 : memref<1x128xi32, #tpu.memory_space<hbm>> -> memref<128xi32, #tpu.memory_space<hbm>>
        %dma_start3A_194 = arith.constant 0 : i32
        %dma_start3A_195 = tpu.memref_slice %arg3[%add3A_190, %dma_start3A_194] : memref<2560x128xi32, #tpu.memory_space<hbm>> -> memref<1x128xi32, #tpu.memory_space<hbm>>
        %dma_start3A_196 = tpu.memref_squeeze %dma_start3A_195 : memref<1x128xi32, #tpu.memory_space<hbm>> -> memref<128xi32, #tpu.memory_space<hbm>>
        tpu.enqueue_dma source(%dma_start3A_196 : memref<128xi32, #tpu.memory_space<hbm>>) target(%arg8 : memref<128xi32, #tpu.memory_space<vmem>>) target_semaphore(%arg15 : memref<!tpu.dma_semaphore, #tpu.memory_space<semaphore_mem>>)
        %add3A_197 = arith.addi %select_n3A_31, %add3A_124 : i32
        %add3A_198 = arith.constant 2 : i32
        %add3A_199 = arith.addi %add3A_197, %add3A_198 : i32
        %dma_start3A_200 = arith.constant 0 : i32
        %dma_start3A_201 = tpu.memref_slice %arg4[%add3A_199, %dma_start3A_200] : memref<2560x128xi32, #tpu.memory_space<hbm>> -> memref<1x128xi32, #tpu.memory_space<hbm>>
        %dma_start3A_202 = tpu.memref_squeeze %dma_start3A_201 : memref<1x128xi32, #tpu.memory_space<hbm>> -> memref<128xi32, #tpu.memory_space<hbm>>
        %dma_start3A_203 = arith.constant 0 : i32
        %dma_start3A_204 = tpu.memref_slice %arg4[%add3A_199, %dma_start3A_203] : memref<2560x128xi32, #tpu.memory_space<hbm>> -> memref<1x128xi32, #tpu.memory_space<hbm>>
        %dma_start3A_205 = tpu.memref_squeeze %dma_start3A_204 : memref<1x128xi32, #tpu.memory_space<hbm>> -> memref<128xi32, #tpu.memory_space<hbm>>
        tpu.enqueue_dma source(%dma_start3A_205 : memref<128xi32, #tpu.memory_space<hbm>>) target(%arg10 : memref<128xi32, #tpu.memory_space<vmem>>) target_semaphore(%arg17 : memref<!tpu.dma_semaphore, #tpu.memory_space<semaphore_mem>>)
      } else {
      }
    }
    %barrier3A_94 = arith.constant 0 : index
    tpu.barrier barrier_id(%barrier3A_94)
    %add3A_95 = arith.constant 0 : i32
    %add3A_96 = arith.addi %mul3A_0, %add3A_95 : i32
    "tpu.region"() ({
      %run_scoped3A = tpu.sem_alloc : memref<!tpu.dma_semaphore, #tpu.memory_space<semaphore_mem>>
      %dma_start3A_118 = arith.constant 0 : i32
      %dma_start3A_119 = tpu.memref_slice %arg22[%add3A_96, %dma_start3A_118] : memref<10240x128xf32, #tpu.memory_space<vmem_shared>> -> memref<128x128xf32, #tpu.memory_space<vmem_shared>>
      %dma_start3A_120 = arith.constant 0 : i32
      %dma_start3A_121 = tpu.memref_slice %arg22[%add3A_96, %dma_start3A_120] : memref<10240x128xf32, #tpu.memory_space<vmem_shared>> -> memref<128x128xf32, #tpu.memory_space<vmem_shared>>
      tpu.enqueue_dma source(%dma_start3A_121 : memref<128x128xf32, #tpu.memory_space<vmem_shared>>) target(%arg11 : memref<128x128xf32, #tpu.memory_space<vmem>>) target_semaphore(%run_scoped3A : memref<!tpu.dma_semaphore, #tpu.memory_space<semaphore_mem>>)
      %dma_wait3A_122 = arith.constant 0 : i32
      %dma_wait3A_123 = tpu.memref_slice %arg22[%add3A_96, %dma_wait3A_122] : memref<10240x128xf32, #tpu.memory_space<vmem_shared>> -> memref<128x128xf32, #tpu.memory_space<vmem_shared>>
      %dma_wait3A_124 = arith.constant 0 : i32
      %dma_wait3A_125 = tpu.memref_slice %arg22[%add3A_96, %dma_wait3A_124] : memref<10240x128xf32, #tpu.memory_space<vmem_shared>> -> memref<128x128xf32, #tpu.memory_space<vmem_shared>>
      tpu.wait_dma2 semaphore(%run_scoped3A : memref<!tpu.dma_semaphore, #tpu.memory_space<semaphore_mem>>) src(%dma_wait3A_125 : memref<128x128xf32, #tpu.memory_space<vmem_shared>>) dst(%arg11 : memref<128x128xf32, #tpu.memory_space<vmem>>)
      tpu.yield
    }) : () -> ()
    %add3A_97 = arith.constant 0 : i32
    %add3A_98 = arith.addi %mul3A_0, %add3A_97 : i32
    "tpu.region"() ({
      %run_scoped3A = tpu.sem_alloc : memref<!tpu.dma_semaphore, #tpu.memory_space<semaphore_mem>>
      %dma_start3A_118 = arith.constant 0 : i32
      %dma_start3A_119 = tpu.memref_slice %arg5[%arg0, %add3A_98, %dma_start3A_118] : memref<2x10240x128xf32, #tpu.memory_space<hbm>> -> memref<1x128x128xf32, #tpu.memory_space<hbm>>
      %dma_start3A_120 = tpu.memref_squeeze %dma_start3A_119 : memref<1x128x128xf32, #tpu.memory_space<hbm>> -> memref<128x128xf32, #tpu.memory_space<hbm>>
      %dma_start3A_121 = arith.constant 0 : i32
      %dma_start3A_122 = tpu.memref_slice %arg5[%arg0, %add3A_98, %dma_start3A_121] : memref<2x10240x128xf32, #tpu.memory_space<hbm>> -> memref<1x128x128xf32, #tpu.memory_space<hbm>>
      %dma_start3A_123 = tpu.memref_squeeze %dma_start3A_122 : memref<1x128x128xf32, #tpu.memory_space<hbm>> -> memref<128x128xf32, #tpu.memory_space<hbm>>
      tpu.enqueue_dma source(%arg11 : memref<128x128xf32, #tpu.memory_space<vmem>>) target(%dma_start3A_123 : memref<128x128xf32, #tpu.memory_space<hbm>>) target_semaphore(%run_scoped3A : memref<!tpu.dma_semaphore, #tpu.memory_space<semaphore_mem>>)
      %dma_wait3A_124 = arith.constant 0 : i32
      %dma_wait3A_125 = tpu.memref_slice %arg5[%arg0, %add3A_98, %dma_wait3A_124] : memref<2x10240x128xf32, #tpu.memory_space<hbm>> -> memref<1x128x128xf32, #tpu.memory_space<hbm>>
      %dma_wait3A_126 = tpu.memref_squeeze %dma_wait3A_125 : memref<1x128x128xf32, #tpu.memory_space<hbm>> -> memref<128x128xf32, #tpu.memory_space<hbm>>
      %dma_wait3A_127 = arith.constant 0 : i32
      %dma_wait3A_128 = tpu.memref_slice %arg5[%arg0, %add3A_98, %dma_wait3A_127] : memref<2x10240x128xf32, #tpu.memory_space<hbm>> -> memref<1x128x128xf32, #tpu.memory_space<hbm>>
      %dma_wait3A_129 = tpu.memref_squeeze %dma_wait3A_128 : memref<1x128x128xf32, #tpu.memory_space<hbm>> -> memref<128x128xf32, #tpu.memory_space<hbm>>
      tpu.wait_dma2 semaphore(%run_scoped3A : memref<!tpu.dma_semaphore, #tpu.memory_space<semaphore_mem>>) src(%arg11 : memref<128x128xf32, #tpu.memory_space<vmem>>) dst(%dma_wait3A_129 : memref<128x128xf32, #tpu.memory_space<hbm>>)
      tpu.yield
    }) : () -> ()
    %add3A_99 = arith.constant 128 : i32
    %add3A_100 = arith.addi %mul3A_0, %add3A_99 : i32
    "tpu.region"() ({
      %run_scoped3A = tpu.sem_alloc : memref<!tpu.dma_semaphore, #tpu.memory_space<semaphore_mem>>
      %dma_start3A_118 = arith.constant 0 : i32
      %dma_start3A_119 = tpu.memref_slice %arg22[%add3A_100, %dma_start3A_118] : memref<10240x128xf32, #tpu.memory_space<vmem_shared>> -> memref<128x128xf32, #tpu.memory_space<vmem_shared>>
      %dma_start3A_120 = arith.constant 0 : i32
      %dma_start3A_121 = tpu.memref_slice %arg22[%add3A_100, %dma_start3A_120] : memref<10240x128xf32, #tpu.memory_space<vmem_shared>> -> memref<128x128xf32, #tpu.memory_space<vmem_shared>>
      tpu.enqueue_dma source(%dma_start3A_121 : memref<128x128xf32, #tpu.memory_space<vmem_shared>>) target(%arg12 : memref<128x128xf32, #tpu.memory_space<vmem>>) target_semaphore(%run_scoped3A : memref<!tpu.dma_semaphore, #tpu.memory_space<semaphore_mem>>)
      %dma_wait3A_122 = arith.constant 0 : i32
      %dma_wait3A_123 = tpu.memref_slice %arg22[%add3A_100, %dma_wait3A_122] : memref<10240x128xf32, #tpu.memory_space<vmem_shared>> -> memref<128x128xf32, #tpu.memory_space<vmem_shared>>
      %dma_wait3A_124 = arith.constant 0 : i32
      %dma_wait3A_125 = tpu.memref_slice %arg22[%add3A_100, %dma_wait3A_124] : memref<10240x128xf32, #tpu.memory_space<vmem_shared>> -> memref<128x128xf32, #tpu.memory_space<vmem_shared>>
      tpu.wait_dma2 semaphore(%run_scoped3A : memref<!tpu.dma_semaphore, #tpu.memory_space<semaphore_mem>>) src(%dma_wait3A_125 : memref<128x128xf32, #tpu.memory_space<vmem_shared>>) dst(%arg12 : memref<128x128xf32, #tpu.memory_space<vmem>>)
      tpu.yield
    }) : () -> ()
    %add3A_101 = arith.constant 128 : i32
    %add3A_102 = arith.addi %mul3A_0, %add3A_101 : i32
    "tpu.region"() ({
      %run_scoped3A = tpu.sem_alloc : memref<!tpu.dma_semaphore, #tpu.memory_space<semaphore_mem>>
      %dma_start3A_118 = arith.constant 0 : i32
      %dma_start3A_119 = tpu.memref_slice %arg5[%arg0, %add3A_102, %dma_start3A_118] : memref<2x10240x128xf32, #tpu.memory_space<hbm>> -> memref<1x128x128xf32, #tpu.memory_space<hbm>>
      %dma_start3A_120 = tpu.memref_squeeze %dma_start3A_119 : memref<1x128x128xf32, #tpu.memory_space<hbm>> -> memref<128x128xf32, #tpu.memory_space<hbm>>
      %dma_start3A_121 = arith.constant 0 : i32
      %dma_start3A_122 = tpu.memref_slice %arg5[%arg0, %add3A_102, %dma_start3A_121] : memref<2x10240x128xf32, #tpu.memory_space<hbm>> -> memref<1x128x128xf32, #tpu.memory_space<hbm>>
      %dma_start3A_123 = tpu.memref_squeeze %dma_start3A_122 : memref<1x128x128xf32, #tpu.memory_space<hbm>> -> memref<128x128xf32, #tpu.memory_space<hbm>>
      tpu.enqueue_dma source(%arg12 : memref<128x128xf32, #tpu.memory_space<vmem>>) target(%dma_start3A_123 : memref<128x128xf32, #tpu.memory_space<hbm>>) target_semaphore(%run_scoped3A : memref<!tpu.dma_semaphore, #tpu.memory_space<semaphore_mem>>)
      %dma_wait3A_124 = arith.constant 0 : i32
      %dma_wait3A_125 = tpu.memref_slice %arg5[%arg0, %add3A_102, %dma_wait3A_124] : memref<2x10240x128xf32, #tpu.memory_space<hbm>> -> memref<1x128x128xf32, #tpu.memory_space<hbm>>
      %dma_wait3A_126 = tpu.memref_squeeze %dma_wait3A_125 : memref<1x128x128xf32, #tpu.memory_space<hbm>> -> memref<128x128xf32, #tpu.memory_space<hbm>>
      %dma_wait3A_127 = arith.constant 0 : i32
      %dma_wait3A_128 = tpu.memref_slice %arg5[%arg0, %add3A_102, %dma_wait3A_127] : memref<2x10240x128xf32, #tpu.memory_space<hbm>> -> memref<1x128x128xf32, #tpu.memory_space<hbm>>
      %dma_wait3A_129 = tpu.memref_squeeze %dma_wait3A_128 : memref<1x128x128xf32, #tpu.memory_space<hbm>> -> memref<128x128xf32, #tpu.memory_space<hbm>>
      tpu.wait_dma2 semaphore(%run_scoped3A : memref<!tpu.dma_semaphore, #tpu.memory_space<semaphore_mem>>) src(%arg12 : memref<128x128xf32, #tpu.memory_space<vmem>>) dst(%dma_wait3A_129 : memref<128x128xf32, #tpu.memory_space<hbm>>)
      tpu.yield
    }) : () -> ()
    %add3A_103 = arith.constant 256 : i32
    %add3A_104 = arith.addi %mul3A_0, %add3A_103 : i32
    "tpu.region"() ({
      %run_scoped3A = tpu.sem_alloc : memref<!tpu.dma_semaphore, #tpu.memory_space<semaphore_mem>>
      %dma_start3A_118 = arith.constant 0 : i32
      %dma_start3A_119 = tpu.memref_slice %arg22[%add3A_104, %dma_start3A_118] : memref<10240x128xf32, #tpu.memory_space<vmem_shared>> -> memref<128x128xf32, #tpu.memory_space<vmem_shared>>
      %dma_start3A_120 = arith.constant 0 : i32
      %dma_start3A_121 = tpu.memref_slice %arg22[%add3A_104, %dma_start3A_120] : memref<10240x128xf32, #tpu.memory_space<vmem_shared>> -> memref<128x128xf32, #tpu.memory_space<vmem_shared>>
      tpu.enqueue_dma source(%dma_start3A_121 : memref<128x128xf32, #tpu.memory_space<vmem_shared>>) target(%arg11 : memref<128x128xf32, #tpu.memory_space<vmem>>) target_semaphore(%run_scoped3A : memref<!tpu.dma_semaphore, #tpu.memory_space<semaphore_mem>>)
      %dma_wait3A_122 = arith.constant 0 : i32
      %dma_wait3A_123 = tpu.memref_slice %arg22[%add3A_104, %dma_wait3A_122] : memref<10240x128xf32, #tpu.memory_space<vmem_shared>> -> memref<128x128xf32, #tpu.memory_space<vmem_shared>>
      %dma_wait3A_124 = arith.constant 0 : i32
      %dma_wait3A_125 = tpu.memref_slice %arg22[%add3A_104, %dma_wait3A_124] : memref<10240x128xf32, #tpu.memory_space<vmem_shared>> -> memref<128x128xf32, #tpu.memory_space<vmem_shared>>
      tpu.wait_dma2 semaphore(%run_scoped3A : memref<!tpu.dma_semaphore, #tpu.memory_space<semaphore_mem>>) src(%dma_wait3A_125 : memref<128x128xf32, #tpu.memory_space<vmem_shared>>) dst(%arg11 : memref<128x128xf32, #tpu.memory_space<vmem>>)
      tpu.yield
    }) : () -> ()
    %add3A_105 = arith.constant 256 : i32
    %add3A_106 = arith.addi %mul3A_0, %add3A_105 : i32
    "tpu.region"() ({
      %run_scoped3A = tpu.sem_alloc : memref<!tpu.dma_semaphore, #tpu.memory_space<semaphore_mem>>
      %dma_start3A_118 = arith.constant 0 : i32
      %dma_start3A_119 = tpu.memref_slice %arg5[%arg0, %add3A_106, %dma_start3A_118] : memref<2x10240x128xf32, #tpu.memory_space<hbm>> -> memref<1x128x128xf32, #tpu.memory_space<hbm>>
      %dma_start3A_120 = tpu.memref_squeeze %dma_start3A_119 : memref<1x128x128xf32, #tpu.memory_space<hbm>> -> memref<128x128xf32, #tpu.memory_space<hbm>>
      %dma_start3A_121 = arith.constant 0 : i32
      %dma_start3A_122 = tpu.memref_slice %arg5[%arg0, %add3A_106, %dma_start3A_121] : memref<2x10240x128xf32, #tpu.memory_space<hbm>> -> memref<1x128x128xf32, #tpu.memory_space<hbm>>
      %dma_start3A_123 = tpu.memref_squeeze %dma_start3A_122 : memref<1x128x128xf32, #tpu.memory_space<hbm>> -> memref<128x128xf32, #tpu.memory_space<hbm>>
      tpu.enqueue_dma source(%arg11 : memref<128x128xf32, #tpu.memory_space<vmem>>) target(%dma_start3A_123 : memref<128x128xf32, #tpu.memory_space<hbm>>) target_semaphore(%run_scoped3A : memref<!tpu.dma_semaphore, #tpu.memory_space<semaphore_mem>>)
      %dma_wait3A_124 = arith.constant 0 : i32
      %dma_wait3A_125 = tpu.memref_slice %arg5[%arg0, %add3A_106, %dma_wait3A_124] : memref<2x10240x128xf32, #tpu.memory_space<hbm>> -> memref<1x128x128xf32, #tpu.memory_space<hbm>>
      %dma_wait3A_126 = tpu.memref_squeeze %dma_wait3A_125 : memref<1x128x128xf32, #tpu.memory_space<hbm>> -> memref<128x128xf32, #tpu.memory_space<hbm>>
      %dma_wait3A_127 = arith.constant 0 : i32
      %dma_wait3A_128 = tpu.memref_slice %arg5[%arg0, %add3A_106, %dma_wait3A_127] : memref<2x10240x128xf32, #tpu.memory_space<hbm>> -> memref<1x128x128xf32, #tpu.memory_space<hbm>>
      %dma_wait3A_129 = tpu.memref_squeeze %dma_wait3A_128 : memref<1x128x128xf32, #tpu.memory_space<hbm>> -> memref<128x128xf32, #tpu.memory_space<hbm>>
      tpu.wait_dma2 semaphore(%run_scoped3A : memref<!tpu.dma_semaphore, #tpu.memory_space<semaphore_mem>>) src(%arg11 : memref<128x128xf32, #tpu.memory_space<vmem>>) dst(%dma_wait3A_129 : memref<128x128xf32, #tpu.memory_space<hbm>>)
      tpu.yield
    }) : () -> ()
    %add3A_107 = arith.constant 384 : i32
    %add3A_108 = arith.addi %mul3A_0, %add3A_107 : i32
    "tpu.region"() ({
      %run_scoped3A = tpu.sem_alloc : memref<!tpu.dma_semaphore, #tpu.memory_space<semaphore_mem>>
      %dma_start3A_118 = arith.constant 0 : i32
      %dma_start3A_119 = tpu.memref_slice %arg22[%add3A_108, %dma_start3A_118] : memref<10240x128xf32, #tpu.memory_space<vmem_shared>> -> memref<128x128xf32, #tpu.memory_space<vmem_shared>>
      %dma_start3A_120 = arith.constant 0 : i32
      %dma_start3A_121 = tpu.memref_slice %arg22[%add3A_108, %dma_start3A_120] : memref<10240x128xf32, #tpu.memory_space<vmem_shared>> -> memref<128x128xf32, #tpu.memory_space<vmem_shared>>
      tpu.enqueue_dma source(%dma_start3A_121 : memref<128x128xf32, #tpu.memory_space<vmem_shared>>) target(%arg12 : memref<128x128xf32, #tpu.memory_space<vmem>>) target_semaphore(%run_scoped3A : memref<!tpu.dma_semaphore, #tpu.memory_space<semaphore_mem>>)
      %dma_wait3A_122 = arith.constant 0 : i32
      %dma_wait3A_123 = tpu.memref_slice %arg22[%add3A_108, %dma_wait3A_122] : memref<10240x128xf32, #tpu.memory_space<vmem_shared>> -> memref<128x128xf32, #tpu.memory_space<vmem_shared>>
      %dma_wait3A_124 = arith.constant 0 : i32
      %dma_wait3A_125 = tpu.memref_slice %arg22[%add3A_108, %dma_wait3A_124] : memref<10240x128xf32, #tpu.memory_space<vmem_shared>> -> memref<128x128xf32, #tpu.memory_space<vmem_shared>>
      tpu.wait_dma2 semaphore(%run_scoped3A : memref<!tpu.dma_semaphore, #tpu.memory_space<semaphore_mem>>) src(%dma_wait3A_125 : memref<128x128xf32, #tpu.memory_space<vmem_shared>>) dst(%arg12 : memref<128x128xf32, #tpu.memory_space<vmem>>)
      tpu.yield
    }) : () -> ()
    %add3A_109 = arith.constant 384 : i32
    %add3A_110 = arith.addi %mul3A_0, %add3A_109 : i32
    "tpu.region"() ({
      %run_scoped3A = tpu.sem_alloc : memref<!tpu.dma_semaphore, #tpu.memory_space<semaphore_mem>>
      %dma_start3A_118 = arith.constant 0 : i32
      %dma_start3A_119 = tpu.memref_slice %arg5[%arg0, %add3A_110, %dma_start3A_118] : memref<2x10240x128xf32, #tpu.memory_space<hbm>> -> memref<1x128x128xf32, #tpu.memory_space<hbm>>
      %dma_start3A_120 = tpu.memref_squeeze %dma_start3A_119 : memref<1x128x128xf32, #tpu.memory_space<hbm>> -> memref<128x128xf32, #tpu.memory_space<hbm>>
      %dma_start3A_121 = arith.constant 0 : i32
      %dma_start3A_122 = tpu.memref_slice %arg5[%arg0, %add3A_110, %dma_start3A_121] : memref<2x10240x128xf32, #tpu.memory_space<hbm>> -> memref<1x128x128xf32, #tpu.memory_space<hbm>>
      %dma_start3A_123 = tpu.memref_squeeze %dma_start3A_122 : memref<1x128x128xf32, #tpu.memory_space<hbm>> -> memref<128x128xf32, #tpu.memory_space<hbm>>
      tpu.enqueue_dma source(%arg12 : memref<128x128xf32, #tpu.memory_space<vmem>>) target(%dma_start3A_123 : memref<128x128xf32, #tpu.memory_space<hbm>>) target_semaphore(%run_scoped3A : memref<!tpu.dma_semaphore, #tpu.memory_space<semaphore_mem>>)
      %dma_wait3A_124 = arith.constant 0 : i32
      %dma_wait3A_125 = tpu.memref_slice %arg5[%arg0, %add3A_110, %dma_wait3A_124] : memref<2x10240x128xf32, #tpu.memory_space<hbm>> -> memref<1x128x128xf32, #tpu.memory_space<hbm>>
      %dma_wait3A_126 = tpu.memref_squeeze %dma_wait3A_125 : memref<1x128x128xf32, #tpu.memory_space<hbm>> -> memref<128x128xf32, #tpu.memory_space<hbm>>
      %dma_wait3A_127 = arith.constant 0 : i32
      %dma_wait3A_128 = tpu.memref_slice %arg5[%arg0, %add3A_110, %dma_wait3A_127] : memref<2x10240x128xf32, #tpu.memory_space<hbm>> -> memref<1x128x128xf32, #tpu.memory_space<hbm>>
      %dma_wait3A_129 = tpu.memref_squeeze %dma_wait3A_128 : memref<1x128x128xf32, #tpu.memory_space<hbm>> -> memref<128x128xf32, #tpu.memory_space<hbm>>
      tpu.wait_dma2 semaphore(%run_scoped3A : memref<!tpu.dma_semaphore, #tpu.memory_space<semaphore_mem>>) src(%arg12 : memref<128x128xf32, #tpu.memory_space<vmem>>) dst(%dma_wait3A_129 : memref<128x128xf32, #tpu.memory_space<hbm>>)
      tpu.yield
    }) : () -> ()
    %add3A_111 = arith.constant 512 : i32
    %add3A_112 = arith.addi %mul3A_0, %add3A_111 : i32
    "tpu.region"() ({
      %run_scoped3A = tpu.sem_alloc : memref<!tpu.dma_semaphore, #tpu.memory_space<semaphore_mem>>
      %dma_start3A_118 = arith.constant 0 : i32
      %dma_start3A_119 = tpu.memref_slice %arg22[%add3A_112, %dma_start3A_118] : memref<10240x128xf32, #tpu.memory_space<vmem_shared>> -> memref<128x128xf32, #tpu.memory_space<vmem_shared>>
      %dma_start3A_120 = arith.constant 0 : i32
      %dma_start3A_121 = tpu.memref_slice %arg22[%add3A_112, %dma_start3A_120] : memref<10240x128xf32, #tpu.memory_space<vmem_shared>> -> memref<128x128xf32, #tpu.memory_space<vmem_shared>>
      tpu.enqueue_dma source(%dma_start3A_121 : memref<128x128xf32, #tpu.memory_space<vmem_shared>>) target(%arg11 : memref<128x128xf32, #tpu.memory_space<vmem>>) target_semaphore(%run_scoped3A : memref<!tpu.dma_semaphore, #tpu.memory_space<semaphore_mem>>)
      %dma_wait3A_122 = arith.constant 0 : i32
      %dma_wait3A_123 = tpu.memref_slice %arg22[%add3A_112, %dma_wait3A_122] : memref<10240x128xf32, #tpu.memory_space<vmem_shared>> -> memref<128x128xf32, #tpu.memory_space<vmem_shared>>
      %dma_wait3A_124 = arith.constant 0 : i32
      %dma_wait3A_125 = tpu.memref_slice %arg22[%add3A_112, %dma_wait3A_124] : memref<10240x128xf32, #tpu.memory_space<vmem_shared>> -> memref<128x128xf32, #tpu.memory_space<vmem_shared>>
      tpu.wait_dma2 semaphore(%run_scoped3A : memref<!tpu.dma_semaphore, #tpu.memory_space<semaphore_mem>>) src(%dma_wait3A_125 : memref<128x128xf32, #tpu.memory_space<vmem_shared>>) dst(%arg11 : memref<128x128xf32, #tpu.memory_space<vmem>>)
      tpu.yield
    }) : () -> ()
    %add3A_113 = arith.constant 512 : i32
    %add3A_114 = arith.addi %mul3A_0, %add3A_113 : i32
    "tpu.region"() ({
      %run_scoped3A = tpu.sem_alloc : memref<!tpu.dma_semaphore, #tpu.memory_space<semaphore_mem>>
      %dma_start3A_118 = arith.constant 0 : i32
      %dma_start3A_119 = tpu.memref_slice %arg5[%arg0, %add3A_114, %dma_start3A_118] : memref<2x10240x128xf32, #tpu.memory_space<hbm>> -> memref<1x128x128xf32, #tpu.memory_space<hbm>>
      %dma_start3A_120 = tpu.memref_squeeze %dma_start3A_119 : memref<1x128x128xf32, #tpu.memory_space<hbm>> -> memref<128x128xf32, #tpu.memory_space<hbm>>
      %dma_start3A_121 = arith.constant 0 : i32
      %dma_start3A_122 = tpu.memref_slice %arg5[%arg0, %add3A_114, %dma_start3A_121] : memref<2x10240x128xf32, #tpu.memory_space<hbm>> -> memref<1x128x128xf32, #tpu.memory_space<hbm>>
      %dma_start3A_123 = tpu.memref_squeeze %dma_start3A_122 : memref<1x128x128xf32, #tpu.memory_space<hbm>> -> memref<128x128xf32, #tpu.memory_space<hbm>>
      tpu.enqueue_dma source(%arg11 : memref<128x128xf32, #tpu.memory_space<vmem>>) target(%dma_start3A_123 : memref<128x128xf32, #tpu.memory_space<hbm>>) target_semaphore(%run_scoped3A : memref<!tpu.dma_semaphore, #tpu.memory_space<semaphore_mem>>)
      %dma_wait3A_124 = arith.constant 0 : i32
      %dma_wait3A_125 = tpu.memref_slice %arg5[%arg0, %add3A_114, %dma_wait3A_124] : memref<2x10240x128xf32, #tpu.memory_space<hbm>> -> memref<1x128x128xf32, #tpu.memory_space<hbm>>
      %dma_wait3A_126 = tpu.memref_squeeze %dma_wait3A_125 : memref<1x128x128xf32, #tpu.memory_space<hbm>> -> memref<128x128xf32, #tpu.memory_space<hbm>>
      %dma_wait3A_127 = arith.constant 0 : i32
      %dma_wait3A_128 = tpu.memref_slice %arg5[%arg0, %add3A_114, %dma_wait3A_127] : memref<2x10240x128xf32, #tpu.memory_space<hbm>> -> memref<1x128x128xf32, #tpu.memory_space<hbm>>
      %dma_wait3A_129 = tpu.memref_squeeze %dma_wait3A_128 : memref<1x128x128xf32, #tpu.memory_space<hbm>> -> memref<128x128xf32, #tpu.memory_space<hbm>>
      tpu.wait_dma2 semaphore(%run_scoped3A : memref<!tpu.dma_semaphore, #tpu.memory_space<semaphore_mem>>) src(%arg11 : memref<128x128xf32, #tpu.memory_space<vmem>>) dst(%dma_wait3A_129 : memref<128x128xf32, #tpu.memory_space<hbm>>)
      tpu.yield
    }) : () -> ()
    %mul3A_115 = arith.constant 16 : i32
    %mul3A_116 = arith.muli %arg0, %mul3A_115 : i32
    %add3A_117 = arith.addi %mul3A_116, %arg1 : i32
    "tpu.region"() ({
      %run_scoped3A = tpu.sem_alloc : memref<!tpu.dma_semaphore, #tpu.memory_space<semaphore_mem>>
      %dma_start3A_118 = arith.constant 0 : i32
      %dma_start3A_119 = arith.constant 0 : i32
      %dma_start3A_120 = tpu.memref_slice %arg6[%add3A_117, %dma_start3A_118, %dma_start3A_119] : memref<32x80x128xf32, #tpu.memory_space<hbm>> -> memref<1x80x128xf32, #tpu.memory_space<hbm>>
      %dma_start3A_121 = tpu.memref_squeeze %dma_start3A_120 : memref<1x80x128xf32, #tpu.memory_space<hbm>> -> memref<80x128xf32, #tpu.memory_space<hbm>>
      %dma_start3A_122 = arith.constant 0 : i32
      %dma_start3A_123 = arith.constant 0 : i32
      %dma_start3A_124 = tpu.memref_slice %arg6[%add3A_117, %dma_start3A_122, %dma_start3A_123] : memref<32x80x128xf32, #tpu.memory_space<hbm>> -> memref<1x80x128xf32, #tpu.memory_space<hbm>>
      %dma_start3A_125 = tpu.memref_squeeze %dma_start3A_124 : memref<1x80x128xf32, #tpu.memory_space<hbm>> -> memref<80x128xf32, #tpu.memory_space<hbm>>
      tpu.enqueue_dma source(%arg13 : memref<80x128xf32, #tpu.memory_space<vmem>>) target(%dma_start3A_125 : memref<80x128xf32, #tpu.memory_space<hbm>>) target_semaphore(%run_scoped3A : memref<!tpu.dma_semaphore, #tpu.memory_space<semaphore_mem>>)
      %dma_wait3A_126 = arith.constant 0 : i32
      %dma_wait3A_127 = arith.constant 0 : i32
      %dma_wait3A_128 = tpu.memref_slice %arg6[%add3A_117, %dma_wait3A_126, %dma_wait3A_127] : memref<32x80x128xf32, #tpu.memory_space<hbm>> -> memref<1x80x128xf32, #tpu.memory_space<hbm>>
      %dma_wait3A_129 = tpu.memref_squeeze %dma_wait3A_128 : memref<1x80x128xf32, #tpu.memory_space<hbm>> -> memref<80x128xf32, #tpu.memory_space<hbm>>
      %dma_wait3A_130 = arith.constant 0 : i32
      %dma_wait3A_131 = arith.constant 0 : i32
      %dma_wait3A_132 = tpu.memref_slice %arg6[%add3A_117, %dma_wait3A_130, %dma_wait3A_131] : memref<32x80x128xf32, #tpu.memory_space<hbm>> -> memref<1x80x128xf32, #tpu.memory_space<hbm>>
      %dma_wait3A_133 = tpu.memref_squeeze %dma_wait3A_132 : memref<1x80x128xf32, #tpu.memory_space<hbm>> -> memref<80x128xf32, #tpu.memory_space<hbm>>
      tpu.wait_dma2 semaphore(%run_scoped3A : memref<!tpu.dma_semaphore, #tpu.memory_space<semaphore_mem>>) src(%arg13 : memref<80x128xf32, #tpu.memory_space<vmem>>) dst(%dma_wait3A_133 : memref<80x128xf32, #tpu.memory_space<hbm>>)
      tpu.yield
    }) : () -> ()
    return
  }
}

#map = affine_map<(d0, d1) -> (0)>
#map1 = affine_map<(d0, d1) -> (0, 0)>
module attributes {stable_mosaic.version = 14 : i64} {
  func.func @_sc_agg_scalar_body(%arg0: i32, %arg1: i32, %arg2: memref<10240xf32, #tpu.memory_space<hbm>>, %arg3: memref<2560x128xi32, #tpu.memory_space<hbm>>, %arg4: memref<2560x128xi32, #tpu.memory_space<hbm>>, %arg5: memref<10240xf32, #tpu.memory_space<hbm>>, %arg6: memref<10240xf32, #tpu.memory_space<hbm>>, %arg7: memref<10240xf32, #tpu.memory_space<vmem>>, %arg8: memref<128xi32, #tpu.memory_space<vmem>>, %arg9: memref<128xi32, #tpu.memory_space<vmem>>, %arg10: memref<128xi32, #tpu.memory_space<vmem>>, %arg11: memref<128xi32, #tpu.memory_space<vmem>>, %arg12: memref<128xf32, #tpu.memory_space<vmem>>, %arg13: memref<128xf32, #tpu.memory_space<vmem>>, %arg14: memref<!tpu.dma_semaphore, #tpu.memory_space<semaphore_mem>>, %arg15: memref<!tpu.dma_semaphore, #tpu.memory_space<semaphore_mem>>, %arg16: memref<!tpu.dma_semaphore, #tpu.memory_space<semaphore_mem>>, %arg17: memref<!tpu.dma_semaphore, #tpu.memory_space<semaphore_mem>>, %arg18: memref<!tpu.dma_semaphore, #tpu.memory_space<semaphore_mem>>, %arg19: memref<!tpu.dma_semaphore, #tpu.memory_space<semaphore_mem>>, %arg20: memref<10240xf32, #tpu.memory_space<vmem_shared>>) attributes {dimension_semantics = [#tpu.dimension_semantics<core_parallel>, #tpu.dimension_semantics<subcore_parallel>], iteration_bounds = array<i64: 2, 16>, scalar_prefetch = 0 : i64, scratch_operands = 14 : i64, tpu.core_type = #tpu.core_type<sc_vector_subcore>, window_params = [{transform_indices = #map}, {transform_indices = #map1}, {transform_indices = #map1}, {transform_indices = #map}, {transform_indices = #map}]} {
    %mul3A = arith.constant 640 : i32
    %mul3A_0 = arith.muli %arg1, %mul3A : i32
    %scan3A = arith.constant 0 : i32
    %scan3A_1 = arith.constant 0 : i32
    %scan3A_2 = arith.constant 8 : i32
    %scan3A_3 = arith.addi %scan3A_1, %scan3A_2 : i32
    %scan3A_4 = arith.constant 1 : i32
    scf.for %scan3A_89 = %scan3A_1 to %scan3A_3 step %scan3A_4  : i32 {
      %broadcast_in_dim3A = arith.constant 0.000000e+00 : f32
      %broadcast_in_dim3A_90 = vector.broadcast %broadcast_in_dim3A : f32 to vector<16xf32>
      %mul3A_91 = arith.constant 16 : i32
      %mul3A_92 = arith.muli %scan3A_89, %mul3A_91 : i32
      %swap3A = arith.index_cast %mul3A_92 : i32 to index
      %swap3A_93 = tpu.vector_load %arg12[%swap3A] {strides = array<i32>} : memref<128xf32, #tpu.memory_space<vmem>>, vector<16xf32>,
      tpu.vector_store %arg12[%swap3A], %broadcast_in_dim3A_90 {strides = array<i32>} : memref<128xf32, #tpu.memory_space<vmem>>, vector<16xf32>,
    }
    %scan3A_5 = arith.constant 8 : i32
    %add3A = arith.constant 0 : i32
    %add3A_6 = arith.addi %mul3A_0, %add3A : i32
    "tpu.region"() ({
      %run_scoped3A = tpu.sem_alloc : memref<!tpu.dma_semaphore, #tpu.memory_space<semaphore_mem>>
      %dma_start3A_89 = tpu.memref_slice %arg20[%add3A_6] : memref<10240xf32, #tpu.memory_space<vmem_shared>> -> memref<128xf32, #tpu.memory_space<vmem_shared>>
      %dma_start3A_90 = tpu.memref_slice %arg20[%add3A_6] : memref<10240xf32, #tpu.memory_space<vmem_shared>> -> memref<128xf32, #tpu.memory_space<vmem_shared>>
      tpu.enqueue_dma source(%arg12 : memref<128xf32, #tpu.memory_space<vmem>>) target(%dma_start3A_90 : memref<128xf32, #tpu.memory_space<vmem_shared>>) target_semaphore(%run_scoped3A : memref<!tpu.dma_semaphore, #tpu.memory_space<semaphore_mem>>)
      %dma_wait3A = tpu.memref_slice %arg20[%add3A_6] : memref<10240xf32, #tpu.memory_space<vmem_shared>> -> memref<128xf32, #tpu.memory_space<vmem_shared>>
      %dma_wait3A_91 = tpu.memref_slice %arg20[%add3A_6] : memref<10240xf32, #tpu.memory_space<vmem_shared>> -> memref<128xf32, #tpu.memory_space<vmem_shared>>
      tpu.wait_dma2 semaphore(%run_scoped3A : memref<!tpu.dma_semaphore, #tpu.memory_space<semaphore_mem>>) src(%arg12 : memref<128xf32, #tpu.memory_space<vmem>>) dst(%dma_wait3A_91 : memref<128xf32, #tpu.memory_space<vmem_shared>>)
      tpu.yield
    }) : () -> ()
    %add3A_7 = arith.constant 128 : i32
    %add3A_8 = arith.addi %mul3A_0, %add3A_7 : i32
    "tpu.region"() ({
      %run_scoped3A = tpu.sem_alloc : memref<!tpu.dma_semaphore, #tpu.memory_space<semaphore_mem>>
      %dma_start3A_89 = tpu.memref_slice %arg20[%add3A_8] : memref<10240xf32, #tpu.memory_space<vmem_shared>> -> memref<128xf32, #tpu.memory_space<vmem_shared>>
      %dma_start3A_90 = tpu.memref_slice %arg20[%add3A_8] : memref<10240xf32, #tpu.memory_space<vmem_shared>> -> memref<128xf32, #tpu.memory_space<vmem_shared>>
      tpu.enqueue_dma source(%arg12 : memref<128xf32, #tpu.memory_space<vmem>>) target(%dma_start3A_90 : memref<128xf32, #tpu.memory_space<vmem_shared>>) target_semaphore(%run_scoped3A : memref<!tpu.dma_semaphore, #tpu.memory_space<semaphore_mem>>)
      %dma_wait3A = tpu.memref_slice %arg20[%add3A_8] : memref<10240xf32, #tpu.memory_space<vmem_shared>> -> memref<128xf32, #tpu.memory_space<vmem_shared>>
      %dma_wait3A_91 = tpu.memref_slice %arg20[%add3A_8] : memref<10240xf32, #tpu.memory_space<vmem_shared>> -> memref<128xf32, #tpu.memory_space<vmem_shared>>
      tpu.wait_dma2 semaphore(%run_scoped3A : memref<!tpu.dma_semaphore, #tpu.memory_space<semaphore_mem>>) src(%arg12 : memref<128xf32, #tpu.memory_space<vmem>>) dst(%dma_wait3A_91 : memref<128xf32, #tpu.memory_space<vmem_shared>>)
      tpu.yield
    }) : () -> ()
    %add3A_9 = arith.constant 256 : i32
    %add3A_10 = arith.addi %mul3A_0, %add3A_9 : i32
    "tpu.region"() ({
      %run_scoped3A = tpu.sem_alloc : memref<!tpu.dma_semaphore, #tpu.memory_space<semaphore_mem>>
      %dma_start3A_89 = tpu.memref_slice %arg20[%add3A_10] : memref<10240xf32, #tpu.memory_space<vmem_shared>> -> memref<128xf32, #tpu.memory_space<vmem_shared>>
      %dma_start3A_90 = tpu.memref_slice %arg20[%add3A_10] : memref<10240xf32, #tpu.memory_space<vmem_shared>> -> memref<128xf32, #tpu.memory_space<vmem_shared>>
      tpu.enqueue_dma source(%arg12 : memref<128xf32, #tpu.memory_space<vmem>>) target(%dma_start3A_90 : memref<128xf32, #tpu.memory_space<vmem_shared>>) target_semaphore(%run_scoped3A : memref<!tpu.dma_semaphore, #tpu.memory_space<semaphore_mem>>)
      %dma_wait3A = tpu.memref_slice %arg20[%add3A_10] : memref<10240xf32, #tpu.memory_space<vmem_shared>> -> memref<128xf32, #tpu.memory_space<vmem_shared>>
      %dma_wait3A_91 = tpu.memref_slice %arg20[%add3A_10] : memref<10240xf32, #tpu.memory_space<vmem_shared>> -> memref<128xf32, #tpu.memory_space<vmem_shared>>
      tpu.wait_dma2 semaphore(%run_scoped3A : memref<!tpu.dma_semaphore, #tpu.memory_space<semaphore_mem>>) src(%arg12 : memref<128xf32, #tpu.memory_space<vmem>>) dst(%dma_wait3A_91 : memref<128xf32, #tpu.memory_space<vmem_shared>>)
      tpu.yield
    }) : () -> ()
    %add3A_11 = arith.constant 384 : i32
    %add3A_12 = arith.addi %mul3A_0, %add3A_11 : i32
    "tpu.region"() ({
      %run_scoped3A = tpu.sem_alloc : memref<!tpu.dma_semaphore, #tpu.memory_space<semaphore_mem>>
      %dma_start3A_89 = tpu.memref_slice %arg20[%add3A_12] : memref<10240xf32, #tpu.memory_space<vmem_shared>> -> memref<128xf32, #tpu.memory_space<vmem_shared>>
      %dma_start3A_90 = tpu.memref_slice %arg20[%add3A_12] : memref<10240xf32, #tpu.memory_space<vmem_shared>> -> memref<128xf32, #tpu.memory_space<vmem_shared>>
      tpu.enqueue_dma source(%arg12 : memref<128xf32, #tpu.memory_space<vmem>>) target(%dma_start3A_90 : memref<128xf32, #tpu.memory_space<vmem_shared>>) target_semaphore(%run_scoped3A : memref<!tpu.dma_semaphore, #tpu.memory_space<semaphore_mem>>)
      %dma_wait3A = tpu.memref_slice %arg20[%add3A_12] : memref<10240xf32, #tpu.memory_space<vmem_shared>> -> memref<128xf32, #tpu.memory_space<vmem_shared>>
      %dma_wait3A_91 = tpu.memref_slice %arg20[%add3A_12] : memref<10240xf32, #tpu.memory_space<vmem_shared>> -> memref<128xf32, #tpu.memory_space<vmem_shared>>
      tpu.wait_dma2 semaphore(%run_scoped3A : memref<!tpu.dma_semaphore, #tpu.memory_space<semaphore_mem>>) src(%arg12 : memref<128xf32, #tpu.memory_space<vmem>>) dst(%dma_wait3A_91 : memref<128xf32, #tpu.memory_space<vmem_shared>>)
      tpu.yield
    }) : () -> ()
    %add3A_13 = arith.constant 512 : i32
    %add3A_14 = arith.addi %mul3A_0, %add3A_13 : i32
    "tpu.region"() ({
      %run_scoped3A = tpu.sem_alloc : memref<!tpu.dma_semaphore, #tpu.memory_space<semaphore_mem>>
      %dma_start3A_89 = tpu.memref_slice %arg20[%add3A_14] : memref<10240xf32, #tpu.memory_space<vmem_shared>> -> memref<128xf32, #tpu.memory_space<vmem_shared>>
      %dma_start3A_90 = tpu.memref_slice %arg20[%add3A_14] : memref<10240xf32, #tpu.memory_space<vmem_shared>> -> memref<128xf32, #tpu.memory_space<vmem_shared>>
      tpu.enqueue_dma source(%arg12 : memref<128xf32, #tpu.memory_space<vmem>>) target(%dma_start3A_90 : memref<128xf32, #tpu.memory_space<vmem_shared>>) target_semaphore(%run_scoped3A : memref<!tpu.dma_semaphore, #tpu.memory_space<semaphore_mem>>)
      %dma_wait3A = tpu.memref_slice %arg20[%add3A_14] : memref<10240xf32, #tpu.memory_space<vmem_shared>> -> memref<128xf32, #tpu.memory_space<vmem_shared>>
      %dma_wait3A_91 = tpu.memref_slice %arg20[%add3A_14] : memref<10240xf32, #tpu.memory_space<vmem_shared>> -> memref<128xf32, #tpu.memory_space<vmem_shared>>
      tpu.wait_dma2 semaphore(%run_scoped3A : memref<!tpu.dma_semaphore, #tpu.memory_space<semaphore_mem>>) src(%arg12 : memref<128xf32, #tpu.memory_space<vmem>>) dst(%dma_wait3A_91 : memref<128xf32, #tpu.memory_space<vmem_shared>>)
      tpu.yield
    }) : () -> ()
    "tpu.region"() ({
      %run_scoped3A = tpu.sem_alloc : memref<!tpu.dma_semaphore, #tpu.memory_space<semaphore_mem>>
      tpu.enqueue_dma source(%arg2 : memref<10240xf32, #tpu.memory_space<hbm>>) target(%arg7 : memref<10240xf32, #tpu.memory_space<vmem>>) target_semaphore(%run_scoped3A : memref<!tpu.dma_semaphore, #tpu.memory_space<semaphore_mem>>)
      tpu.wait_dma2 semaphore(%run_scoped3A : memref<!tpu.dma_semaphore, #tpu.memory_space<semaphore_mem>>) src(%arg2 : memref<10240xf32, #tpu.memory_space<hbm>>) dst(%arg7 : memref<10240xf32, #tpu.memory_space<vmem>>)
      tpu.yield
    }) : () -> ()
    %eq3A = arith.constant 0 : i32
    %eq3A_15 = arith.cmpi eq, %arg0, %eq3A : i32
    %jit3A = arith.constant 80 : i32
    %jit3A_16 = arith.constant 80 : i32
    %select_n3A = arith.select %eq3A_15, %jit3A, %jit3A_16 : i32
    %eq3A_17 = arith.constant 0 : i32
    %eq3A_18 = arith.cmpi eq, %arg0, %eq3A_17 : i32
    %mul3A_19 = arith.constant 80 : i32
    %mul3A_20 = arith.muli %arg1, %mul3A_19 : i32
    %mul3A_21 = arith.constant 80 : i32
    %mul3A_22 = arith.muli %arg1, %mul3A_21 : i32
    %add3A_23 = arith.constant 1280 : i32
    %add3A_24 = arith.addi %add3A_23, %mul3A_22 : i32
    %select_n3A_25 = arith.select %eq3A_18, %mul3A_20, %add3A_24 : i32
    %barrier3A = arith.constant 0 : index
    tpu.barrier barrier_id(%barrier3A)
    %dma_start3A = arith.constant 0 : i32
    %dma_start3A_26 = tpu.memref_slice %arg3[%select_n3A_25, %dma_start3A] : memref<2560x128xi32, #tpu.memory_space<hbm>> -> memref<1x128xi32, #tpu.memory_space<hbm>>
    %dma_start3A_27 = tpu.memref_squeeze %dma_start3A_26 : memref<1x128xi32, #tpu.memory_space<hbm>> -> memref<128xi32, #tpu.memory_space<hbm>>
    %dma_start3A_28 = arith.constant 0 : i32
    %dma_start3A_29 = tpu.memref_slice %arg3[%select_n3A_25, %dma_start3A_28] : memref<2560x128xi32, #tpu.memory_space<hbm>> -> memref<1x128xi32, #tpu.memory_space<hbm>>
    %dma_start3A_30 = tpu.memref_squeeze %dma_start3A_29 : memref<1x128xi32, #tpu.memory_space<hbm>> -> memref<128xi32, #tpu.memory_space<hbm>>
    tpu.enqueue_dma source(%dma_start3A_30 : memref<128xi32, #tpu.memory_space<hbm>>) target(%arg8 : memref<128xi32, #tpu.memory_space<vmem>>) target_semaphore(%arg14 : memref<!tpu.dma_semaphore, #tpu.memory_space<semaphore_mem>>)
    %dma_start3A_31 = arith.constant 0 : i32
    %dma_start3A_32 = tpu.memref_slice %arg4[%select_n3A_25, %dma_start3A_31] : memref<2560x128xi32, #tpu.memory_space<hbm>> -> memref<1x128xi32, #tpu.memory_space<hbm>>
    %dma_start3A_33 = tpu.memref_squeeze %dma_start3A_32 : memref<1x128xi32, #tpu.memory_space<hbm>> -> memref<128xi32, #tpu.memory_space<hbm>>
    %dma_start3A_34 = arith.constant 0 : i32
    %dma_start3A_35 = tpu.memref_slice %arg4[%select_n3A_25, %dma_start3A_34] : memref<2560x128xi32, #tpu.memory_space<hbm>> -> memref<1x128xi32, #tpu.memory_space<hbm>>
    %dma_start3A_36 = tpu.memref_squeeze %dma_start3A_35 : memref<1x128xi32, #tpu.memory_space<hbm>> -> memref<128xi32, #tpu.memory_space<hbm>>
    tpu.enqueue_dma source(%dma_start3A_36 : memref<128xi32, #tpu.memory_space<hbm>>) target(%arg10 : memref<128xi32, #tpu.memory_space<vmem>>) target_semaphore(%arg16 : memref<!tpu.dma_semaphore, #tpu.memory_space<semaphore_mem>>)
    %add3A_37 = arith.constant 1 : i32
    %add3A_38 = arith.addi %select_n3A_25, %add3A_37 : i32
    %dma_start3A_39 = arith.constant 0 : i32
    %dma_start3A_40 = tpu.memref_slice %arg3[%add3A_38, %dma_start3A_39] : memref<2560x128xi32, #tpu.memory_space<hbm>> -> memref<1x128xi32, #tpu.memory_space<hbm>>
    %dma_start3A_41 = tpu.memref_squeeze %dma_start3A_40 : memref<1x128xi32, #tpu.memory_space<hbm>> -> memref<128xi32, #tpu.memory_space<hbm>>
    %dma_start3A_42 = arith.constant 0 : i32
    %dma_start3A_43 = tpu.memref_slice %arg3[%add3A_38, %dma_start3A_42] : memref<2560x128xi32, #tpu.memory_space<hbm>> -> memref<1x128xi32, #tpu.memory_space<hbm>>
    %dma_start3A_44 = tpu.memref_squeeze %dma_start3A_43 : memref<1x128xi32, #tpu.memory_space<hbm>> -> memref<128xi32, #tpu.memory_space<hbm>>
    tpu.enqueue_dma source(%dma_start3A_44 : memref<128xi32, #tpu.memory_space<hbm>>) target(%arg9 : memref<128xi32, #tpu.memory_space<vmem>>) target_semaphore(%arg15 : memref<!tpu.dma_semaphore, #tpu.memory_space<semaphore_mem>>)
    %add3A_45 = arith.constant 1 : i32
    %add3A_46 = arith.addi %select_n3A_25, %add3A_45 : i32
    %dma_start3A_47 = arith.constant 0 : i32
    %dma_start3A_48 = tpu.memref_slice %arg4[%add3A_46, %dma_start3A_47] : memref<2560x128xi32, #tpu.memory_space<hbm>> -> memref<1x128xi32, #tpu.memory_space<hbm>>
    %dma_start3A_49 = tpu.memref_squeeze %dma_start3A_48 : memref<1x128xi32, #tpu.memory_space<hbm>> -> memref<128xi32, #tpu.memory_space<hbm>>
    %dma_start3A_50 = arith.constant 0 : i32
    %dma_start3A_51 = tpu.memref_slice %arg4[%add3A_46, %dma_start3A_50] : memref<2560x128xi32, #tpu.memory_space<hbm>> -> memref<1x128xi32, #tpu.memory_space<hbm>>
    %dma_start3A_52 = tpu.memref_squeeze %dma_start3A_51 : memref<1x128xi32, #tpu.memory_space<hbm>> -> memref<128xi32, #tpu.memory_space<hbm>>
    tpu.enqueue_dma source(%dma_start3A_52 : memref<128xi32, #tpu.memory_space<hbm>>) target(%arg11 : memref<128xi32, #tpu.memory_space<vmem>>) target_semaphore(%arg17 : memref<!tpu.dma_semaphore, #tpu.memory_space<semaphore_mem>>)
    %jit3A_53 = arith.constant 2 : i32
    %div3A = arith.divsi %select_n3A, %jit3A_53 : i32
    %sign3A = arith.constant 0 : i32
    %sign3A_54 = arith.cmpi sgt, %select_n3A, %sign3A : i32
    %sign3A_55 = arith.extui %sign3A_54 : i1 to i32
    %sign3A_56 = arith.constant 0 : i32
    %sign3A_57 = arith.cmpi slt, %select_n3A, %sign3A_56 : i32
    %sign3A_58 = arith.extui %sign3A_57 : i1 to i32
    %sign3A_59 = arith.subi %sign3A_55, %sign3A_58 : i32
    %sign3A_60 = arith.constant 0 : i32
    %sign3A_61 = arith.cmpi sgt, %jit3A_53, %sign3A_60 : i32
    %sign3A_62 = arith.extui %sign3A_61 : i1 to i32
    %sign3A_63 = arith.constant 0 : i32
    %sign3A_64 = arith.cmpi slt, %jit3A_53, %sign3A_63 : i32
    %sign3A_65 = arith.extui %sign3A_64 : i1 to i32
    %sign3A_66 = arith.subi %sign3A_62, %sign3A_65 : i32
    %ne3A = arith.cmpi ne, %sign3A_59, %sign3A_66 : i32
    %rem3A = arith.remsi %select_n3A, %jit3A_53 : i32
    %ne3A_67 = arith.constant 0 : i32
    %ne3A_68 = arith.cmpi ne, %rem3A, %ne3A_67 : i32
    %and3A = arith.andi %ne3A, %ne3A_68 : i1
    %sub3A = arith.constant 1 : i32
    %sub3A_69 = arith.subi %div3A, %sub3A : i32
    %select_n3A_70 = arith.select %and3A, %sub3A_69, %div3A : i32
    %while3A = arith.constant 0 : i32
    %while3A_71 = arith.constant 0 : i32
    %while3A_72 = arith.subi %select_n3A_70, %while3A_71 : i32
    %while3A_73 = arith.addi %while3A_71, %while3A_72 : i32
    %while3A_74 = arith.constant 1 : i32
    %while3A_75 = arith.divsi %while3A_72, %while3A_74 : i32
    %while3A_76 = arith.muli %while3A_75, %while3A_74 : i32
    %while3A_77 = arith.addi %while3A_71, %while3A_76 : i32
    %while3A_78 = arith.constant 1 : i32
    scf.for %while3A_89 = %while3A_71 to %while3A_77 step %while3A_78  : i32 {
      %mul3A_90 = arith.constant 2 : i32
      %mul3A_91 = arith.muli %mul3A_90, %while3A_89 : i32
      %mul3A_92 = arith.constant 2 : i32
      %mul3A_93 = arith.muli %mul3A_92, %while3A_89 : i32
      %add3A_94 = arith.constant 1 : i32
      %add3A_95 = arith.addi %mul3A_93, %add3A_94 : i32
      %add3A_96 = arith.addi %select_n3A_25, %mul3A_91 : i32
      %dma_wait3A = arith.constant 0 : i32
      %dma_wait3A_97 = tpu.memref_slice %arg3[%add3A_96, %dma_wait3A] : memref<2560x128xi32, #tpu.memory_space<hbm>> -> memref<1x128xi32, #tpu.memory_space<hbm>>
      %dma_wait3A_98 = tpu.memref_squeeze %dma_wait3A_97 : memref<1x128xi32, #tpu.memory_space<hbm>> -> memref<128xi32, #tpu.memory_space<hbm>>
      %dma_wait3A_99 = arith.constant 0 : i32
      %dma_wait3A_100 = tpu.memref_slice %arg3[%add3A_96, %dma_wait3A_99] : memref<2560x128xi32, #tpu.memory_space<hbm>> -> memref<1x128xi32, #tpu.memory_space<hbm>>
      %dma_wait3A_101 = tpu.memref_squeeze %dma_wait3A_100 : memref<1x128xi32, #tpu.memory_space<hbm>> -> memref<128xi32, #tpu.memory_space<hbm>>
      tpu.wait_dma2 semaphore(%arg14 : memref<!tpu.dma_semaphore, #tpu.memory_space<semaphore_mem>>) src(%dma_wait3A_101 : memref<128xi32, #tpu.memory_space<hbm>>) dst(%arg8 : memref<128xi32, #tpu.memory_space<vmem>>)
      %scan3A_102 = arith.constant 0 : i32
      %scan3A_103 = arith.constant 0 : i32
      %scan3A_104 = arith.constant 8 : i32
      %scan3A_105 = arith.addi %scan3A_103, %scan3A_104 : i32
      %scan3A_106 = arith.constant 1 : i32
      scf.for %scan3A_154 = %scan3A_103 to %scan3A_105 step %scan3A_106  : i32 {
        %mul3A_155 = arith.constant 16 : i32
        %mul3A_156 = arith.muli %scan3A_154, %mul3A_155 : i32
        %get3A = arith.index_cast %mul3A_156 : i32 to index
        %get3A_157 = tpu.vector_load %arg8[%get3A] {strides = array<i32>} : memref<128xi32, #tpu.memory_space<vmem>>, vector<16xi32>,
        %gather3A = tpu.vector_load_idx %arg7[%get3A_157] : memref<10240xf32, #tpu.memory_space<vmem>>[vector<16xi32>], vector<16xf32>,
        %mul3A_158 = arith.constant 16 : i32
        %mul3A_159 = arith.muli %scan3A_154, %mul3A_158 : i32
        %swap3A = arith.index_cast %mul3A_159 : i32 to index
        %swap3A_160 = tpu.vector_load %arg12[%swap3A] {strides = array<i32>} : memref<128xf32, #tpu.memory_space<vmem>>, vector<16xf32>,
        tpu.vector_store %arg12[%swap3A], %gather3A {strides = array<i32>} : memref<128xf32, #tpu.memory_space<vmem>>, vector<16xf32>,
      }
      %scan3A_107 = arith.constant 8 : i32
      %add3A_108 = arith.addi %select_n3A_25, %mul3A_91 : i32
      %dma_wait3A_109 = arith.constant 0 : i32
      %dma_wait3A_110 = tpu.memref_slice %arg4[%add3A_108, %dma_wait3A_109] : memref<2560x128xi32, #tpu.memory_space<hbm>> -> memref<1x128xi32, #tpu.memory_space<hbm>>
      %dma_wait3A_111 = tpu.memref_squeeze %dma_wait3A_110 : memref<1x128xi32, #tpu.memory_space<hbm>> -> memref<128xi32, #tpu.memory_space<hbm>>
      %dma_wait3A_112 = arith.constant 0 : i32
      %dma_wait3A_113 = tpu.memref_slice %arg4[%add3A_108, %dma_wait3A_112] : memref<2560x128xi32, #tpu.memory_space<hbm>> -> memref<1x128xi32, #tpu.memory_space<hbm>>
      %dma_wait3A_114 = tpu.memref_squeeze %dma_wait3A_113 : memref<1x128xi32, #tpu.memory_space<hbm>> -> memref<128xi32, #tpu.memory_space<hbm>>
      tpu.wait_dma2 semaphore(%arg16 : memref<!tpu.dma_semaphore, #tpu.memory_space<semaphore_mem>>) src(%dma_wait3A_114 : memref<128xi32, #tpu.memory_space<hbm>>) dst(%arg10 : memref<128xi32, #tpu.memory_space<vmem>>)
      %dma_start3A_115 = arith.constant 0 : i32
      %dma_start3A_116 = tpu.memref_slice %arg20[%dma_start3A_115] : memref<10240xf32, #tpu.memory_space<vmem_shared>> -> memref<10240xf32, #tpu.memory_space<vmem_shared>>
      tpu.enqueue_indirect_dma source(%arg12 : memref<128xf32, #tpu.memory_space<vmem>>) target(%dma_start3A_116 : memref<10240xf32, #tpu.memory_space<vmem_shared>>) offsets(%arg10 : memref<128xi32, #tpu.memory_space<vmem>>) semaphore(%arg18 : memref<!tpu.dma_semaphore, #tpu.memory_space<semaphore_mem>>) {add = true}
      %add3A_117 = arith.addi %select_n3A_25, %add3A_95 : i32
      %dma_wait3A_118 = arith.constant 0 : i32
      %dma_wait3A_119 = tpu.memref_slice %arg3[%add3A_117, %dma_wait3A_118] : memref<2560x128xi32, #tpu.memory_space<hbm>> -> memref<1x128xi32, #tpu.memory_space<hbm>>
      %dma_wait3A_120 = tpu.memref_squeeze %dma_wait3A_119 : memref<1x128xi32, #tpu.memory_space<hbm>> -> memref<128xi32, #tpu.memory_space<hbm>>
      %dma_wait3A_121 = arith.constant 0 : i32
      %dma_wait3A_122 = tpu.memref_slice %arg3[%add3A_117, %dma_wait3A_121] : memref<2560x128xi32, #tpu.memory_space<hbm>> -> memref<1x128xi32, #tpu.memory_space<hbm>>
      %dma_wait3A_123 = tpu.memref_squeeze %dma_wait3A_122 : memref<1x128xi32, #tpu.memory_space<hbm>> -> memref<128xi32, #tpu.memory_space<hbm>>
      tpu.wait_dma2 semaphore(%arg15 : memref<!tpu.dma_semaphore, #tpu.memory_space<semaphore_mem>>) src(%dma_wait3A_123 : memref<128xi32, #tpu.memory_space<hbm>>) dst(%arg9 : memref<128xi32, #tpu.memory_space<vmem>>)
      %scan3A_124 = arith.constant 0 : i32
      %scan3A_125 = arith.constant 0 : i32
      %scan3A_126 = arith.constant 8 : i32
      %scan3A_127 = arith.addi %scan3A_125, %scan3A_126 : i32
      %scan3A_128 = arith.constant 1 : i32
      scf.for %scan3A_154 = %scan3A_125 to %scan3A_127 step %scan3A_128  : i32 {
        %mul3A_155 = arith.constant 16 : i32
        %mul3A_156 = arith.muli %scan3A_154, %mul3A_155 : i32
        %get3A = arith.index_cast %mul3A_156 : i32 to index
        %get3A_157 = tpu.vector_load %arg9[%get3A] {strides = array<i32>} : memref<128xi32, #tpu.memory_space<vmem>>, vector<16xi32>,
        %gather3A = tpu.vector_load_idx %arg7[%get3A_157] : memref<10240xf32, #tpu.memory_space<vmem>>[vector<16xi32>], vector<16xf32>,
        %mul3A_158 = arith.constant 16 : i32
        %mul3A_159 = arith.muli %scan3A_154, %mul3A_158 : i32
        %swap3A = arith.index_cast %mul3A_159 : i32 to index
        %swap3A_160 = tpu.vector_load %arg13[%swap3A] {strides = array<i32>} : memref<128xf32, #tpu.memory_space<vmem>>, vector<16xf32>,
        tpu.vector_store %arg13[%swap3A], %gather3A {strides = array<i32>} : memref<128xf32, #tpu.memory_space<vmem>>, vector<16xf32>,
      }
      %scan3A_129 = arith.constant 8 : i32
      %dma_wait3A_130 = arith.constant 0 : i32
      %dma_wait3A_131 = tpu.memref_slice %arg20[%dma_wait3A_130] : memref<10240xf32, #tpu.memory_space<vmem_shared>> -> memref<10240xf32, #tpu.memory_space<vmem_shared>>
      tpu.wait_indirect_dma semaphore(%arg18 : memref<!tpu.dma_semaphore, #tpu.memory_space<semaphore_mem>>) src(%arg12 : memref<128xf32, #tpu.memory_space<vmem>>) dst(%dma_wait3A_131 : memref<10240xf32, #tpu.memory_space<vmem_shared>>)
      %add3A_132 = arith.constant 2 : i32
      %add3A_133 = arith.addi %mul3A_91, %add3A_132 : i32
      %lt3A = arith.cmpi slt, %add3A_133, %select_n3A : i32
      %convert_element_type3A_134 = arith.extui %lt3A : i1 to i32
      %cond3A_135 = arith.constant 0 : i32
      %cond3A_136 = arith.cmpi ne, %convert_element_type3A_134, %cond3A_135 : i32
      scf.if %cond3A_136 {
        %add3A_154 = arith.addi %select_n3A_25, %mul3A_91 : i32
        %add3A_155 = arith.constant 2 : i32
        %add3A_156 = arith.addi %add3A_154, %add3A_155 : i32
        %dma_start3A_157 = arith.constant 0 : i32
        %dma_start3A_158 = tpu.memref_slice %arg3[%add3A_156, %dma_start3A_157] : memref<2560x128xi32, #tpu.memory_space<hbm>> -> memref<1x128xi32, #tpu.memory_space<hbm>>
        %dma_start3A_159 = tpu.memref_squeeze %dma_start3A_158 : memref<1x128xi32, #tpu.memory_space<hbm>> -> memref<128xi32, #tpu.memory_space<hbm>>
        %dma_start3A_160 = arith.constant 0 : i32
        %dma_start3A_161 = tpu.memref_slice %arg3[%add3A_156, %dma_start3A_160] : memref<2560x128xi32, #tpu.memory_space<hbm>> -> memref<1x128xi32, #tpu.memory_space<hbm>>
        %dma_start3A_162 = tpu.memref_squeeze %dma_start3A_161 : memref<1x128xi32, #tpu.memory_space<hbm>> -> memref<128xi32, #tpu.memory_space<hbm>>
        tpu.enqueue_dma source(%dma_start3A_162 : memref<128xi32, #tpu.memory_space<hbm>>) target(%arg8 : memref<128xi32, #tpu.memory_space<vmem>>) target_semaphore(%arg14 : memref<!tpu.dma_semaphore, #tpu.memory_space<semaphore_mem>>)
        %add3A_163 = arith.addi %select_n3A_25, %mul3A_91 : i32
        %add3A_164 = arith.constant 2 : i32
        %add3A_165 = arith.addi %add3A_163, %add3A_164 : i32
        %dma_start3A_166 = arith.constant 0 : i32
        %dma_start3A_167 = tpu.memref_slice %arg4[%add3A_165, %dma_start3A_166] : memref<2560x128xi32, #tpu.memory_space<hbm>> -> memref<1x128xi32, #tpu.memory_space<hbm>>
        %dma_start3A_168 = tpu.memref_squeeze %dma_start3A_167 : memref<1x128xi32, #tpu.memory_space<hbm>> -> memref<128xi32, #tpu.memory_space<hbm>>
        %dma_start3A_169 = arith.constant 0 : i32
        %dma_start3A_170 = tpu.memref_slice %arg4[%add3A_165, %dma_start3A_169] : memref<2560x128xi32, #tpu.memory_space<hbm>> -> memref<1x128xi32, #tpu.memory_space<hbm>>
        %dma_start3A_171 = tpu.memref_squeeze %dma_start3A_170 : memref<1x128xi32, #tpu.memory_space<hbm>> -> memref<128xi32, #tpu.memory_space<hbm>>
        tpu.enqueue_dma source(%dma_start3A_171 : memref<128xi32, #tpu.memory_space<hbm>>) target(%arg10 : memref<128xi32, #tpu.memory_space<vmem>>) target_semaphore(%arg16 : memref<!tpu.dma_semaphore, #tpu.memory_space<semaphore_mem>>)
      } else {
      }
      %add3A_137 = arith.addi %select_n3A_25, %add3A_95 : i32
      %dma_wait3A_138 = arith.constant 0 : i32
      %dma_wait3A_139 = tpu.memref_slice %arg4[%add3A_137, %dma_wait3A_138] : memref<2560x128xi32, #tpu.memory_space<hbm>> -> memref<1x128xi32, #tpu.memory_space<hbm>>
      %dma_wait3A_140 = tpu.memref_squeeze %dma_wait3A_139 : memref<1x128xi32, #tpu.memory_space<hbm>> -> memref<128xi32, #tpu.memory_space<hbm>>
      %dma_wait3A_141 = arith.constant 0 : i32
      %dma_wait3A_142 = tpu.memref_slice %arg4[%add3A_137, %dma_wait3A_141] : memref<2560x128xi32, #tpu.memory_space<hbm>> -> memref<1x128xi32, #tpu.memory_space<hbm>>
      %dma_wait3A_143 = tpu.memref_squeeze %dma_wait3A_142 : memref<1x128xi32, #tpu.memory_space<hbm>> -> memref<128xi32, #tpu.memory_space<hbm>>
      tpu.wait_dma2 semaphore(%arg17 : memref<!tpu.dma_semaphore, #tpu.memory_space<semaphore_mem>>) src(%dma_wait3A_143 : memref<128xi32, #tpu.memory_space<hbm>>) dst(%arg11 : memref<128xi32, #tpu.memory_space<vmem>>)
      %dma_start3A_144 = arith.constant 0 : i32
      %dma_start3A_145 = tpu.memref_slice %arg20[%dma_start3A_144] : memref<10240xf32, #tpu.memory_space<vmem_shared>> -> memref<10240xf32, #tpu.memory_space<vmem_shared>>
      tpu.enqueue_indirect_dma source(%arg13 : memref<128xf32, #tpu.memory_space<vmem>>) target(%dma_start3A_145 : memref<10240xf32, #tpu.memory_space<vmem_shared>>) offsets(%arg11 : memref<128xi32, #tpu.memory_space<vmem>>) semaphore(%arg19 : memref<!tpu.dma_semaphore, #tpu.memory_space<semaphore_mem>>) {add = true}
      %dma_wait3A_146 = arith.constant 0 : i32
      %dma_wait3A_147 = tpu.memref_slice %arg20[%dma_wait3A_146] : memref<10240xf32, #tpu.memory_space<vmem_shared>> -> memref<10240xf32, #tpu.memory_space<vmem_shared>>
      tpu.wait_indirect_dma semaphore(%arg19 : memref<!tpu.dma_semaphore, #tpu.memory_space<semaphore_mem>>) src(%arg13 : memref<128xf32, #tpu.memory_space<vmem>>) dst(%dma_wait3A_147 : memref<10240xf32, #tpu.memory_space<vmem_shared>>)
      %add3A_148 = arith.constant 2 : i32
      %add3A_149 = arith.addi %add3A_95, %add3A_148 : i32
      %lt3A_150 = arith.cmpi slt, %add3A_149, %select_n3A : i32
      %convert_element_type3A_151 = arith.extui %lt3A_150 : i1 to i32
      %cond3A_152 = arith.constant 0 : i32
      %cond3A_153 = arith.cmpi ne, %convert_element_type3A_151, %cond3A_152 : i32
      scf.if %cond3A_153 {
        %add3A_154 = arith.addi %select_n3A_25, %add3A_95 : i32
        %add3A_155 = arith.constant 2 : i32
        %add3A_156 = arith.addi %add3A_154, %add3A_155 : i32
        %dma_start3A_157 = arith.constant 0 : i32
        %dma_start3A_158 = tpu.memref_slice %arg3[%add3A_156, %dma_start3A_157] : memref<2560x128xi32, #tpu.memory_space<hbm>> -> memref<1x128xi32, #tpu.memory_space<hbm>>
        %dma_start3A_159 = tpu.memref_squeeze %dma_start3A_158 : memref<1x128xi32, #tpu.memory_space<hbm>> -> memref<128xi32, #tpu.memory_space<hbm>>
        %dma_start3A_160 = arith.constant 0 : i32
        %dma_start3A_161 = tpu.memref_slice %arg3[%add3A_156, %dma_start3A_160] : memref<2560x128xi32, #tpu.memory_space<hbm>> -> memref<1x128xi32, #tpu.memory_space<hbm>>
        %dma_start3A_162 = tpu.memref_squeeze %dma_start3A_161 : memref<1x128xi32, #tpu.memory_space<hbm>> -> memref<128xi32, #tpu.memory_space<hbm>>
        tpu.enqueue_dma source(%dma_start3A_162 : memref<128xi32, #tpu.memory_space<hbm>>) target(%arg9 : memref<128xi32, #tpu.memory_space<vmem>>) target_semaphore(%arg15 : memref<!tpu.dma_semaphore, #tpu.memory_space<semaphore_mem>>)
        %add3A_163 = arith.addi %select_n3A_25, %add3A_95 : i32
        %add3A_164 = arith.constant 2 : i32
        %add3A_165 = arith.addi %add3A_163, %add3A_164 : i32
        %dma_start3A_166 = arith.constant 0 : i32
        %dma_start3A_167 = tpu.memref_slice %arg4[%add3A_165, %dma_start3A_166] : memref<2560x128xi32, #tpu.memory_space<hbm>> -> memref<1x128xi32, #tpu.memory_space<hbm>>
        %dma_start3A_168 = tpu.memref_squeeze %dma_start3A_167 : memref<1x128xi32, #tpu.memory_space<hbm>> -> memref<128xi32, #tpu.memory_space<hbm>>
        %dma_start3A_169 = arith.constant 0 : i32
        %dma_start3A_170 = tpu.memref_slice %arg4[%add3A_165, %dma_start3A_169] : memref<2560x128xi32, #tpu.memory_space<hbm>> -> memref<1x128xi32, #tpu.memory_space<hbm>>
        %dma_start3A_171 = tpu.memref_squeeze %dma_start3A_170 : memref<1x128xi32, #tpu.memory_space<hbm>> -> memref<128xi32, #tpu.memory_space<hbm>>
        tpu.enqueue_dma source(%dma_start3A_171 : memref<128xi32, #tpu.memory_space<hbm>>) target(%arg11 : memref<128xi32, #tpu.memory_space<vmem>>) target_semaphore(%arg17 : memref<!tpu.dma_semaphore, #tpu.memory_space<semaphore_mem>>)
      } else {
      }
    }
    %while3A_79 = arith.constant 1 : i32
    scf.for %while3A_89 = %while3A_77 to %while3A_73 step %while3A_79  : i32 {
      %mul3A_90 = arith.constant 2 : i32
      %mul3A_91 = arith.muli %mul3A_90, %while3A_89 : i32
      %mul3A_92 = arith.constant 2 : i32
      %mul3A_93 = arith.muli %mul3A_92, %while3A_89 : i32
      %add3A_94 = arith.constant 1 : i32
      %add3A_95 = arith.addi %mul3A_93, %add3A_94 : i32
      %add3A_96 = arith.addi %select_n3A_25, %mul3A_91 : i32
      %dma_wait3A = arith.constant 0 : i32
      %dma_wait3A_97 = tpu.memref_slice %arg3[%add3A_96, %dma_wait3A] : memref<2560x128xi32, #tpu.memory_space<hbm>> -> memref<1x128xi32, #tpu.memory_space<hbm>>
      %dma_wait3A_98 = tpu.memref_squeeze %dma_wait3A_97 : memref<1x128xi32, #tpu.memory_space<hbm>> -> memref<128xi32, #tpu.memory_space<hbm>>
      %dma_wait3A_99 = arith.constant 0 : i32
      %dma_wait3A_100 = tpu.memref_slice %arg3[%add3A_96, %dma_wait3A_99] : memref<2560x128xi32, #tpu.memory_space<hbm>> -> memref<1x128xi32, #tpu.memory_space<hbm>>
      %dma_wait3A_101 = tpu.memref_squeeze %dma_wait3A_100 : memref<1x128xi32, #tpu.memory_space<hbm>> -> memref<128xi32, #tpu.memory_space<hbm>>
      tpu.wait_dma2 semaphore(%arg14 : memref<!tpu.dma_semaphore, #tpu.memory_space<semaphore_mem>>) src(%dma_wait3A_101 : memref<128xi32, #tpu.memory_space<hbm>>) dst(%arg8 : memref<128xi32, #tpu.memory_space<vmem>>)
      %scan3A_102 = arith.constant 0 : i32
      %scan3A_103 = arith.constant 0 : i32
      %scan3A_104 = arith.constant 8 : i32
      %scan3A_105 = arith.addi %scan3A_103, %scan3A_104 : i32
      %scan3A_106 = arith.constant 1 : i32
      scf.for %scan3A_154 = %scan3A_103 to %scan3A_105 step %scan3A_106  : i32 {
        %mul3A_155 = arith.constant 16 : i32
        %mul3A_156 = arith.muli %scan3A_154, %mul3A_155 : i32
        %get3A = arith.index_cast %mul3A_156 : i32 to index
        %get3A_157 = tpu.vector_load %arg8[%get3A] {strides = array<i32>} : memref<128xi32, #tpu.memory_space<vmem>>, vector<16xi32>,
        %gather3A = tpu.vector_load_idx %arg7[%get3A_157] : memref<10240xf32, #tpu.memory_space<vmem>>[vector<16xi32>], vector<16xf32>,
        %mul3A_158 = arith.constant 16 : i32
        %mul3A_159 = arith.muli %scan3A_154, %mul3A_158 : i32
        %swap3A = arith.index_cast %mul3A_159 : i32 to index
        %swap3A_160 = tpu.vector_load %arg12[%swap3A] {strides = array<i32>} : memref<128xf32, #tpu.memory_space<vmem>>, vector<16xf32>,
        tpu.vector_store %arg12[%swap3A], %gather3A {strides = array<i32>} : memref<128xf32, #tpu.memory_space<vmem>>, vector<16xf32>,
      }
      %scan3A_107 = arith.constant 8 : i32
      %add3A_108 = arith.addi %select_n3A_25, %mul3A_91 : i32
      %dma_wait3A_109 = arith.constant 0 : i32
      %dma_wait3A_110 = tpu.memref_slice %arg4[%add3A_108, %dma_wait3A_109] : memref<2560x128xi32, #tpu.memory_space<hbm>> -> memref<1x128xi32, #tpu.memory_space<hbm>>
      %dma_wait3A_111 = tpu.memref_squeeze %dma_wait3A_110 : memref<1x128xi32, #tpu.memory_space<hbm>> -> memref<128xi32, #tpu.memory_space<hbm>>
      %dma_wait3A_112 = arith.constant 0 : i32
      %dma_wait3A_113 = tpu.memref_slice %arg4[%add3A_108, %dma_wait3A_112] : memref<2560x128xi32, #tpu.memory_space<hbm>> -> memref<1x128xi32, #tpu.memory_space<hbm>>
      %dma_wait3A_114 = tpu.memref_squeeze %dma_wait3A_113 : memref<1x128xi32, #tpu.memory_space<hbm>> -> memref<128xi32, #tpu.memory_space<hbm>>
      tpu.wait_dma2 semaphore(%arg16 : memref<!tpu.dma_semaphore, #tpu.memory_space<semaphore_mem>>) src(%dma_wait3A_114 : memref<128xi32, #tpu.memory_space<hbm>>) dst(%arg10 : memref<128xi32, #tpu.memory_space<vmem>>)
      %dma_start3A_115 = arith.constant 0 : i32
      %dma_start3A_116 = tpu.memref_slice %arg20[%dma_start3A_115] : memref<10240xf32, #tpu.memory_space<vmem_shared>> -> memref<10240xf32, #tpu.memory_space<vmem_shared>>
      tpu.enqueue_indirect_dma source(%arg12 : memref<128xf32, #tpu.memory_space<vmem>>) target(%dma_start3A_116 : memref<10240xf32, #tpu.memory_space<vmem_shared>>) offsets(%arg10 : memref<128xi32, #tpu.memory_space<vmem>>) semaphore(%arg18 : memref<!tpu.dma_semaphore, #tpu.memory_space<semaphore_mem>>) {add = true}
      %add3A_117 = arith.addi %select_n3A_25, %add3A_95 : i32
      %dma_wait3A_118 = arith.constant 0 : i32
      %dma_wait3A_119 = tpu.memref_slice %arg3[%add3A_117, %dma_wait3A_118] : memref<2560x128xi32, #tpu.memory_space<hbm>> -> memref<1x128xi32, #tpu.memory_space<hbm>>
      %dma_wait3A_120 = tpu.memref_squeeze %dma_wait3A_119 : memref<1x128xi32, #tpu.memory_space<hbm>> -> memref<128xi32, #tpu.memory_space<hbm>>
      %dma_wait3A_121 = arith.constant 0 : i32
      %dma_wait3A_122 = tpu.memref_slice %arg3[%add3A_117, %dma_wait3A_121] : memref<2560x128xi32, #tpu.memory_space<hbm>> -> memref<1x128xi32, #tpu.memory_space<hbm>>
      %dma_wait3A_123 = tpu.memref_squeeze %dma_wait3A_122 : memref<1x128xi32, #tpu.memory_space<hbm>> -> memref<128xi32, #tpu.memory_space<hbm>>
      tpu.wait_dma2 semaphore(%arg15 : memref<!tpu.dma_semaphore, #tpu.memory_space<semaphore_mem>>) src(%dma_wait3A_123 : memref<128xi32, #tpu.memory_space<hbm>>) dst(%arg9 : memref<128xi32, #tpu.memory_space<vmem>>)
      %scan3A_124 = arith.constant 0 : i32
      %scan3A_125 = arith.constant 0 : i32
      %scan3A_126 = arith.constant 8 : i32
      %scan3A_127 = arith.addi %scan3A_125, %scan3A_126 : i32
      %scan3A_128 = arith.constant 1 : i32
      scf.for %scan3A_154 = %scan3A_125 to %scan3A_127 step %scan3A_128  : i32 {
        %mul3A_155 = arith.constant 16 : i32
        %mul3A_156 = arith.muli %scan3A_154, %mul3A_155 : i32
        %get3A = arith.index_cast %mul3A_156 : i32 to index
        %get3A_157 = tpu.vector_load %arg9[%get3A] {strides = array<i32>} : memref<128xi32, #tpu.memory_space<vmem>>, vector<16xi32>,
        %gather3A = tpu.vector_load_idx %arg7[%get3A_157] : memref<10240xf32, #tpu.memory_space<vmem>>[vector<16xi32>], vector<16xf32>,
        %mul3A_158 = arith.constant 16 : i32
        %mul3A_159 = arith.muli %scan3A_154, %mul3A_158 : i32
        %swap3A = arith.index_cast %mul3A_159 : i32 to index
        %swap3A_160 = tpu.vector_load %arg13[%swap3A] {strides = array<i32>} : memref<128xf32, #tpu.memory_space<vmem>>, vector<16xf32>,
        tpu.vector_store %arg13[%swap3A], %gather3A {strides = array<i32>} : memref<128xf32, #tpu.memory_space<vmem>>, vector<16xf32>,
      }
      %scan3A_129 = arith.constant 8 : i32
      %dma_wait3A_130 = arith.constant 0 : i32
      %dma_wait3A_131 = tpu.memref_slice %arg20[%dma_wait3A_130] : memref<10240xf32, #tpu.memory_space<vmem_shared>> -> memref<10240xf32, #tpu.memory_space<vmem_shared>>
      tpu.wait_indirect_dma semaphore(%arg18 : memref<!tpu.dma_semaphore, #tpu.memory_space<semaphore_mem>>) src(%arg12 : memref<128xf32, #tpu.memory_space<vmem>>) dst(%dma_wait3A_131 : memref<10240xf32, #tpu.memory_space<vmem_shared>>)
      %add3A_132 = arith.constant 2 : i32
      %add3A_133 = arith.addi %mul3A_91, %add3A_132 : i32
      %lt3A = arith.cmpi slt, %add3A_133, %select_n3A : i32
      %convert_element_type3A_134 = arith.extui %lt3A : i1 to i32
      %cond3A_135 = arith.constant 0 : i32
      %cond3A_136 = arith.cmpi ne, %convert_element_type3A_134, %cond3A_135 : i32
      scf.if %cond3A_136 {
        %add3A_154 = arith.addi %select_n3A_25, %mul3A_91 : i32
        %add3A_155 = arith.constant 2 : i32
        %add3A_156 = arith.addi %add3A_154, %add3A_155 : i32
        %dma_start3A_157 = arith.constant 0 : i32
        %dma_start3A_158 = tpu.memref_slice %arg3[%add3A_156, %dma_start3A_157] : memref<2560x128xi32, #tpu.memory_space<hbm>> -> memref<1x128xi32, #tpu.memory_space<hbm>>
        %dma_start3A_159 = tpu.memref_squeeze %dma_start3A_158 : memref<1x128xi32, #tpu.memory_space<hbm>> -> memref<128xi32, #tpu.memory_space<hbm>>
        %dma_start3A_160 = arith.constant 0 : i32
        %dma_start3A_161 = tpu.memref_slice %arg3[%add3A_156, %dma_start3A_160] : memref<2560x128xi32, #tpu.memory_space<hbm>> -> memref<1x128xi32, #tpu.memory_space<hbm>>
        %dma_start3A_162 = tpu.memref_squeeze %dma_start3A_161 : memref<1x128xi32, #tpu.memory_space<hbm>> -> memref<128xi32, #tpu.memory_space<hbm>>
        tpu.enqueue_dma source(%dma_start3A_162 : memref<128xi32, #tpu.memory_space<hbm>>) target(%arg8 : memref<128xi32, #tpu.memory_space<vmem>>) target_semaphore(%arg14 : memref<!tpu.dma_semaphore, #tpu.memory_space<semaphore_mem>>)
        %add3A_163 = arith.addi %select_n3A_25, %mul3A_91 : i32
        %add3A_164 = arith.constant 2 : i32
        %add3A_165 = arith.addi %add3A_163, %add3A_164 : i32
        %dma_start3A_166 = arith.constant 0 : i32
        %dma_start3A_167 = tpu.memref_slice %arg4[%add3A_165, %dma_start3A_166] : memref<2560x128xi32, #tpu.memory_space<hbm>> -> memref<1x128xi32, #tpu.memory_space<hbm>>
        %dma_start3A_168 = tpu.memref_squeeze %dma_start3A_167 : memref<1x128xi32, #tpu.memory_space<hbm>> -> memref<128xi32, #tpu.memory_space<hbm>>
        %dma_start3A_169 = arith.constant 0 : i32
        %dma_start3A_170 = tpu.memref_slice %arg4[%add3A_165, %dma_start3A_169] : memref<2560x128xi32, #tpu.memory_space<hbm>> -> memref<1x128xi32, #tpu.memory_space<hbm>>
        %dma_start3A_171 = tpu.memref_squeeze %dma_start3A_170 : memref<1x128xi32, #tpu.memory_space<hbm>> -> memref<128xi32, #tpu.memory_space<hbm>>
        tpu.enqueue_dma source(%dma_start3A_171 : memref<128xi32, #tpu.memory_space<hbm>>) target(%arg10 : memref<128xi32, #tpu.memory_space<vmem>>) target_semaphore(%arg16 : memref<!tpu.dma_semaphore, #tpu.memory_space<semaphore_mem>>)
      } else {
      }
      %add3A_137 = arith.addi %select_n3A_25, %add3A_95 : i32
      %dma_wait3A_138 = arith.constant 0 : i32
      %dma_wait3A_139 = tpu.memref_slice %arg4[%add3A_137, %dma_wait3A_138] : memref<2560x128xi32, #tpu.memory_space<hbm>> -> memref<1x128xi32, #tpu.memory_space<hbm>>
      %dma_wait3A_140 = tpu.memref_squeeze %dma_wait3A_139 : memref<1x128xi32, #tpu.memory_space<hbm>> -> memref<128xi32, #tpu.memory_space<hbm>>
      %dma_wait3A_141 = arith.constant 0 : i32
      %dma_wait3A_142 = tpu.memref_slice %arg4[%add3A_137, %dma_wait3A_141] : memref<2560x128xi32, #tpu.memory_space<hbm>> -> memref<1x128xi32, #tpu.memory_space<hbm>>
      %dma_wait3A_143 = tpu.memref_squeeze %dma_wait3A_142 : memref<1x128xi32, #tpu.memory_space<hbm>> -> memref<128xi32, #tpu.memory_space<hbm>>
      tpu.wait_dma2 semaphore(%arg17 : memref<!tpu.dma_semaphore, #tpu.memory_space<semaphore_mem>>) src(%dma_wait3A_143 : memref<128xi32, #tpu.memory_space<hbm>>) dst(%arg11 : memref<128xi32, #tpu.memory_space<vmem>>)
      %dma_start3A_144 = arith.constant 0 : i32
      %dma_start3A_145 = tpu.memref_slice %arg20[%dma_start3A_144] : memref<10240xf32, #tpu.memory_space<vmem_shared>> -> memref<10240xf32, #tpu.memory_space<vmem_shared>>
      tpu.enqueue_indirect_dma source(%arg13 : memref<128xf32, #tpu.memory_space<vmem>>) target(%dma_start3A_145 : memref<10240xf32, #tpu.memory_space<vmem_shared>>) offsets(%arg11 : memref<128xi32, #tpu.memory_space<vmem>>) semaphore(%arg19 : memref<!tpu.dma_semaphore, #tpu.memory_space<semaphore_mem>>) {add = true}
      %dma_wait3A_146 = arith.constant 0 : i32
      %dma_wait3A_147 = tpu.memref_slice %arg20[%dma_wait3A_146] : memref<10240xf32, #tpu.memory_space<vmem_shared>> -> memref<10240xf32, #tpu.memory_space<vmem_shared>>
      tpu.wait_indirect_dma semaphore(%arg19 : memref<!tpu.dma_semaphore, #tpu.memory_space<semaphore_mem>>) src(%arg13 : memref<128xf32, #tpu.memory_space<vmem>>) dst(%dma_wait3A_147 : memref<10240xf32, #tpu.memory_space<vmem_shared>>)
      %add3A_148 = arith.constant 2 : i32
      %add3A_149 = arith.addi %add3A_95, %add3A_148 : i32
      %lt3A_150 = arith.cmpi slt, %add3A_149, %select_n3A : i32
      %convert_element_type3A_151 = arith.extui %lt3A_150 : i1 to i32
      %cond3A_152 = arith.constant 0 : i32
      %cond3A_153 = arith.cmpi ne, %convert_element_type3A_151, %cond3A_152 : i32
      scf.if %cond3A_153 {
        %add3A_154 = arith.addi %select_n3A_25, %add3A_95 : i32
        %add3A_155 = arith.constant 2 : i32
        %add3A_156 = arith.addi %add3A_154, %add3A_155 : i32
        %dma_start3A_157 = arith.constant 0 : i32
        %dma_start3A_158 = tpu.memref_slice %arg3[%add3A_156, %dma_start3A_157] : memref<2560x128xi32, #tpu.memory_space<hbm>> -> memref<1x128xi32, #tpu.memory_space<hbm>>
        %dma_start3A_159 = tpu.memref_squeeze %dma_start3A_158 : memref<1x128xi32, #tpu.memory_space<hbm>> -> memref<128xi32, #tpu.memory_space<hbm>>
        %dma_start3A_160 = arith.constant 0 : i32
        %dma_start3A_161 = tpu.memref_slice %arg3[%add3A_156, %dma_start3A_160] : memref<2560x128xi32, #tpu.memory_space<hbm>> -> memref<1x128xi32, #tpu.memory_space<hbm>>
        %dma_start3A_162 = tpu.memref_squeeze %dma_start3A_161 : memref<1x128xi32, #tpu.memory_space<hbm>> -> memref<128xi32, #tpu.memory_space<hbm>>
        tpu.enqueue_dma source(%dma_start3A_162 : memref<128xi32, #tpu.memory_space<hbm>>) target(%arg9 : memref<128xi32, #tpu.memory_space<vmem>>) target_semaphore(%arg15 : memref<!tpu.dma_semaphore, #tpu.memory_space<semaphore_mem>>)
        %add3A_163 = arith.addi %select_n3A_25, %add3A_95 : i32
        %add3A_164 = arith.constant 2 : i32
        %add3A_165 = arith.addi %add3A_163, %add3A_164 : i32
        %dma_start3A_166 = arith.constant 0 : i32
        %dma_start3A_167 = tpu.memref_slice %arg4[%add3A_165, %dma_start3A_166] : memref<2560x128xi32, #tpu.memory_space<hbm>> -> memref<1x128xi32, #tpu.memory_space<hbm>>
        %dma_start3A_168 = tpu.memref_squeeze %dma_start3A_167 : memref<1x128xi32, #tpu.memory_space<hbm>> -> memref<128xi32, #tpu.memory_space<hbm>>
        %dma_start3A_169 = arith.constant 0 : i32
        %dma_start3A_170 = tpu.memref_slice %arg4[%add3A_165, %dma_start3A_169] : memref<2560x128xi32, #tpu.memory_space<hbm>> -> memref<1x128xi32, #tpu.memory_space<hbm>>
        %dma_start3A_171 = tpu.memref_squeeze %dma_start3A_170 : memref<1x128xi32, #tpu.memory_space<hbm>> -> memref<128xi32, #tpu.memory_space<hbm>>
        tpu.enqueue_dma source(%dma_start3A_171 : memref<128xi32, #tpu.memory_space<hbm>>) target(%arg11 : memref<128xi32, #tpu.memory_space<vmem>>) target_semaphore(%arg17 : memref<!tpu.dma_semaphore, #tpu.memory_space<semaphore_mem>>)
      } else {
      }
    }
    %barrier3A_80 = arith.constant 0 : index
    tpu.barrier barrier_id(%barrier3A_80)
    %eq3A_81 = arith.constant 0 : i32
    %eq3A_82 = arith.cmpi eq, %arg0, %eq3A_81 : i32
    %convert_element_type3A = arith.extui %eq3A_82 : i1 to i32
    %cond3A = arith.constant 0 : i32
    %cond3A_83 = arith.cmpi ne, %convert_element_type3A, %cond3A : i32
    scf.if %cond3A_83 {
      "tpu.region"() ({
        %run_scoped3A = tpu.sem_alloc : memref<!tpu.dma_semaphore, #tpu.memory_space<semaphore_mem>>
        %dma_start3A_89 = tpu.memref_slice %arg5[%mul3A_0] : memref<10240xf32, #tpu.memory_space<hbm>> -> memref<640xf32, #tpu.memory_space<hbm>>
        %dma_start3A_90 = tpu.memref_slice %arg20[%mul3A_0] : memref<10240xf32, #tpu.memory_space<vmem_shared>> -> memref<640xf32, #tpu.memory_space<vmem_shared>>
        tpu.enqueue_dma source(%dma_start3A_90 : memref<640xf32, #tpu.memory_space<vmem_shared>>) target(%dma_start3A_89 : memref<640xf32, #tpu.memory_space<hbm>>) target_semaphore(%run_scoped3A : memref<!tpu.dma_semaphore, #tpu.memory_space<semaphore_mem>>)
        %dma_wait3A = tpu.memref_slice %arg5[%mul3A_0] : memref<10240xf32, #tpu.memory_space<hbm>> -> memref<640xf32, #tpu.memory_space<hbm>>
        %dma_wait3A_91 = tpu.memref_slice %arg20[%mul3A_0] : memref<10240xf32, #tpu.memory_space<vmem_shared>> -> memref<640xf32, #tpu.memory_space<vmem_shared>>
        tpu.wait_dma2 semaphore(%run_scoped3A : memref<!tpu.dma_semaphore, #tpu.memory_space<semaphore_mem>>) src(%dma_wait3A_91 : memref<640xf32, #tpu.memory_space<vmem_shared>>) dst(%dma_wait3A : memref<640xf32, #tpu.memory_space<hbm>>)
        tpu.yield
      }) : () -> ()
    } else {
    }
    %eq3A_84 = arith.constant 1 : i32
    %eq3A_85 = arith.cmpi eq, %arg0, %eq3A_84 : i32
    %convert_element_type3A_86 = arith.extui %eq3A_85 : i1 to i32
    %cond3A_87 = arith.constant 0 : i32
    %cond3A_88 = arith.cmpi ne, %convert_element_type3A_86, %cond3A_87 : i32
    scf.if %cond3A_88 {
      "tpu.region"() ({
        %run_scoped3A = tpu.sem_alloc : memref<!tpu.dma_semaphore, #tpu.memory_space<semaphore_mem>>
        %dma_start3A_89 = tpu.memref_slice %arg6[%mul3A_0] : memref<10240xf32, #tpu.memory_space<hbm>> -> memref<640xf32, #tpu.memory_space<hbm>>
        %dma_start3A_90 = tpu.memref_slice %arg20[%mul3A_0] : memref<10240xf32, #tpu.memory_space<vmem_shared>> -> memref<640xf32, #tpu.memory_space<vmem_shared>>
        tpu.enqueue_dma source(%dma_start3A_90 : memref<640xf32, #tpu.memory_space<vmem_shared>>) target(%dma_start3A_89 : memref<640xf32, #tpu.memory_space<hbm>>) target_semaphore(%run_scoped3A : memref<!tpu.dma_semaphore, #tpu.memory_space<semaphore_mem>>)
        %dma_wait3A = tpu.memref_slice %arg6[%mul3A_0] : memref<10240xf32, #tpu.memory_space<hbm>> -> memref<640xf32, #tpu.memory_space<hbm>>
        %dma_wait3A_91 = tpu.memref_slice %arg20[%mul3A_0] : memref<10240xf32, #tpu.memory_space<vmem_shared>> -> memref<640xf32, #tpu.memory_space<vmem_shared>>
        tpu.wait_dma2 semaphore(%run_scoped3A : memref<!tpu.dma_semaphore, #tpu.memory_space<semaphore_mem>>) src(%dma_wait3A_91 : memref<640xf32, #tpu.memory_space<vmem_shared>>) dst(%dma_wait3A : memref<640xf32, #tpu.memory_space<hbm>>)
        tpu.yield
      }) : () -> ()
    } else {
    }
    return
  }
}

module attributes {stable_mosaic.version = 14 : i64} {
  func.func @_tc_cntsum_body(%arg0: i32, %arg1: memref<32x80x128xf32, #tpu.memory_space<vmem>>, %arg2: memref<80x128xf32, #tpu.memory_space<vmem>>) attributes {dimension_semantics = [#tpu.dimension_semantics<arbitrary>], iteration_bounds = array<i64: 1>, scalar_prefetch = 0 : i64, scratch_operands = 0 : i64, tpu.core_type = #tpu.core_type<tc>, window_params = [{pipeline_mode = #tpu.pipeline_mode<synchronous>, transform_indices = @transform_0, window_bounds = array<i64: 32, 80, 128>}, {pipeline_mode = #tpu.pipeline_mode<synchronous>, transform_indices = @transform_1, window_bounds = array<i64: 80, 128>}]} {
    %get3A = arith.constant 0 : index
    %get3A_0 = arith.constant 0 : index
    %get3A_1 = arith.constant 0 : index
    %get3A_2 = vector.load %arg1[%get3A, %get3A_0, %get3A_1] : memref<32x80x128xf32, #tpu.memory_space<vmem>>, vector<32x80x128xf32>
    %reduce_sum3A = arith.constant dense<0.000000e+00> : vector<80x128xf32>
    %reduce_sum3A_3 = vector.multi_reduction <add>, %get3A_2, %reduce_sum3A [0] : vector<32x80x128xf32> to vector<80x128xf32>
    %swap3A = arith.constant 0 : index
    %swap3A_4 = arith.constant 0 : index
    %swap3A_5 = vector.load %arg2[%swap3A, %swap3A_4] : memref<80x128xf32, #tpu.memory_space<vmem>>, vector<80x128xf32>
    tpu.vector_store %arg2[%swap3A, %swap3A_4], %reduce_sum3A_3 {strides = array<i32>} : memref<80x128xf32, #tpu.memory_space<vmem>>, vector<80x128xf32>,
    return
  }
  func.func @transform_0(%arg0: i32) -> (i32, i32, i32) {
    %c0_i32 = arith.constant 0 : i32
    %c0_i32_0 = arith.constant 0 : i32
    %c0_i32_1 = arith.constant 0 : i32
    %c0_i32_2 = arith.constant 0 : i32
    return %c0_i32, %c0_i32_0, %c0_i32_1 : i32, i32, i32
  }
  func.func @transform_1(%arg0: i32) -> (i32, i32) {
    %c0_i32 = arith.constant 0 : i32
    %c0_i32_0 = arith.constant 0 : i32
    %c0_i32_1 = arith.constant 0 : i32
    return %c0_i32, %c0_i32_0 : i32, i32
  }
}

module attributes {stable_mosaic.version = 14 : i64} {
  func.func @_tc_dense_body(%arg0: i32, %arg1: memref<2x1024x128xf32, #tpu.memory_space<vmem>>, %arg2: memref<1024x1xf32, #tpu.memory_space<vmem>>, %arg3: memref<1024x128xf32, #tpu.memory_space<vmem>>, %arg4: memref<128x128xf32, #tpu.memory_space<vmem>>, %arg5: memref<128x128xf32, #tpu.memory_space<vmem>>, %arg6: memref<1x128xf32, #tpu.memory_space<vmem>>, %arg7: memref<128x128xf32, #tpu.memory_space<vmem>>, %arg8: memref<128x128xf32, #tpu.memory_space<vmem>>, %arg9: memref<128x1xf32, #tpu.memory_space<vmem>>, %arg10: memref<1x128xf32, #tpu.memory_space<vmem>>, %arg11: memref<1x1xf32, #tpu.memory_space<vmem>>, %arg12: memref<1024x1xf32, #tpu.memory_space<vmem>>, %arg13: memref<1024x1xf32, #tpu.memory_space<vmem>>, %arg14: memref<1024x1xf32, #tpu.memory_space<vmem>>) attributes {dimension_semantics = [#tpu.dimension_semantics<arbitrary>], iteration_bounds = array<i64: 10>, scalar_prefetch = 0 : i64, scratch_operands = 0 : i64, tpu.core_type = #tpu.core_type<tc>, window_params = [{transform_indices = @transform_0, window_bounds = array<i64: 2, 1024, 128>}, {transform_indices = @transform_1, window_bounds = array<i64: 1024, 1>}, {transform_indices = @transform_2, window_bounds = array<i64: 1024, 128>}, {pipeline_mode = #tpu.pipeline_mode<synchronous>, transform_indices = @transform_3, window_bounds = array<i64: 128, 128>}, {pipeline_mode = #tpu.pipeline_mode<synchronous>, transform_indices = @transform_4, window_bounds = array<i64: 128, 128>}, {pipeline_mode = #tpu.pipeline_mode<synchronous>, transform_indices = @transform_5, window_bounds = array<i64: 1, 128>}, {pipeline_mode = #tpu.pipeline_mode<synchronous>, transform_indices = @transform_6, window_bounds = array<i64: 128, 128>}, {pipeline_mode = #tpu.pipeline_mode<synchronous>, transform_indices = @transform_7, window_bounds = array<i64: 128, 128>}, {pipeline_mode = #tpu.pipeline_mode<synchronous>, transform_indices = @transform_8, window_bounds = array<i64: 128, 1>}, {pipeline_mode = #tpu.pipeline_mode<synchronous>, transform_indices = @transform_9, window_bounds = array<i64: 1, 128>}, {pipeline_mode = #tpu.pipeline_mode<synchronous>, transform_indices = @transform_10, window_bounds = array<i64: 1, 1>}, {transform_indices = @transform_11, window_bounds = array<i64: 1024, 1>}, {transform_indices = @transform_12, window_bounds = array<i64: 1024, 1>}, {transform_indices = @transform_13, window_bounds = array<i64: 1024, 1>}]} {
    %get3A = arith.constant 0 : index
    %get3A_0 = arith.constant 0 : index
    %get3A_1 = arith.constant 0 : index
    %get3A_2 = vector.load %arg1[%get3A, %get3A_0, %get3A_1] : memref<2x1024x128xf32, #tpu.memory_space<vmem>>, vector<1x1024x128xf32>
    %get3A_3 = vector.shape_cast %get3A_2 : vector<1x1024x128xf32> to vector<1024x128xf32>
    %get3A_4 = arith.constant 1 : index
    %get3A_5 = arith.constant 0 : index
    %get3A_6 = arith.constant 0 : index
    %get3A_7 = vector.load %arg1[%get3A_4, %get3A_5, %get3A_6] : memref<2x1024x128xf32, #tpu.memory_space<vmem>>, vector<1x1024x128xf32>
    %get3A_8 = vector.shape_cast %get3A_7 : vector<1x1024x128xf32> to vector<1024x128xf32>
    %add3A = arith.addf %get3A_3, %get3A_8 : vector<1024x128xf32>
    %get3A_9 = arith.constant 0 : index
    %get3A_10 = arith.constant 0 : index
    %get3A_11 = vector.load %arg2[%get3A_9, %get3A_10] : memref<1024x1xf32, #tpu.memory_space<vmem>>, vector<1024x1xf32>
    %max3A = arith.constant 1.000000e+00 : f32
    %max3A_12 = vector.broadcast %max3A : f32 to vector<1024x1xf32>
    %max3A_13 = arith.maximumf %get3A_11, %max3A_12 : vector<1024x1xf32>
    %div3A = vector.broadcast %max3A_13 : vector<1024x1xf32> to vector<1024x128xf32>
    %div3A_14 = arith.divf %add3A, %div3A : vector<1024x128xf32>
    %get3A_15 = arith.constant 0 : index
    %get3A_16 = arith.constant 0 : index
    %get3A_17 = vector.load %arg4[%get3A_15, %get3A_16] : memref<128x128xf32, #tpu.memory_space<vmem>>, vector<128x128xf32>
    %dot_general3A = arith.constant dense<0.000000e+00> : vector<1024x128xf32>
    %dot_general3A_18 = tpu.matmul %div3A_14, %get3A_17, %dot_general3A {dimension_numbers = #tpu.dot_dimension_numbers<[1], [0], [0], [1], [0, 0, 1, 1], [], []>, transpose_lhs_hint = false} : vector<1024x128xf32>, vector<128x128xf32>, vector<1024x128xf32> -> vector<1024x128xf32>
    %get3A_19 = arith.constant 0 : index
    %get3A_20 = arith.constant 0 : index
    %get3A_21 = vector.load %arg3[%get3A_19, %get3A_20] : memref<1024x128xf32, #tpu.memory_space<vmem>>, vector<1024x128xf32>
    %get3A_22 = arith.constant 0 : index
    %get3A_23 = arith.constant 0 : index
    %get3A_24 = vector.load %arg5[%get3A_22, %get3A_23] : memref<128x128xf32, #tpu.memory_space<vmem>>, vector<128x128xf32>
    %dot_general3A_25 = arith.constant dense<0.000000e+00> : vector<1024x128xf32>
    %dot_general3A_26 = tpu.matmul %get3A_21, %get3A_24, %dot_general3A_25 {dimension_numbers = #tpu.dot_dimension_numbers<[1], [0], [0], [1], [0, 0, 1, 1], [], []>, transpose_lhs_hint = false} : vector<1024x128xf32>, vector<128x128xf32>, vector<1024x128xf32> -> vector<1024x128xf32>
    %add3A_27 = arith.addf %dot_general3A_18, %dot_general3A_26 : vector<1024x128xf32>
    %get3A_28 = arith.constant 0 : index
    %get3A_29 = arith.constant 0 : index
    %get3A_30 = vector.load %arg6[%get3A_28, %get3A_29] : memref<1x128xf32, #tpu.memory_space<vmem>>, vector<1x128xf32>
    %add3A_31 = vector.broadcast %get3A_30 : vector<1x128xf32> to vector<1024x128xf32>
    %add3A_32 = arith.addf %add3A_27, %add3A_31 : vector<1024x128xf32>
    %max3A_33 = arith.constant 0.000000e+00 : f32
    %max3A_34 = vector.broadcast %max3A_33 : f32 to vector<1024x128xf32>
    %max3A_35 = arith.maximumf %add3A_32, %max3A_34 : vector<1024x128xf32>
    %get3A_36 = arith.constant 0 : index
    %get3A_37 = arith.constant 0 : index
    %get3A_38 = vector.load %arg7[%get3A_36, %get3A_37] : memref<128x128xf32, #tpu.memory_space<vmem>>, vector<128x128xf32>
    %get3A_39 = arith.constant 0 : index
    %get3A_40 = arith.constant 0 : index
    %get3A_41 = vector.load %arg9[%get3A_39, %get3A_40] : memref<128x1xf32, #tpu.memory_space<vmem>>, vector<128x1xf32>
    %dot_general3A_42 = arith.constant dense<0.000000e+00> : vector<128x1xf32>
    %dot_general3A_43 = tpu.matmul %get3A_38, %get3A_41, %dot_general3A_42 {dimension_numbers = #tpu.dot_dimension_numbers<[1], [0], [0], [1], [0, 0, 1, 1], [], []>, transpose_lhs_hint = false} : vector<128x128xf32>, vector<128x1xf32>, vector<128x1xf32> -> vector<128x1xf32>
    %get3A_44 = arith.constant 0 : index
    %get3A_45 = arith.constant 0 : index
    %get3A_46 = vector.load %arg8[%get3A_44, %get3A_45] : memref<128x128xf32, #tpu.memory_space<vmem>>, vector<128x128xf32>
    %get3A_47 = arith.constant 0 : index
    %get3A_48 = arith.constant 0 : index
    %get3A_49 = vector.load %arg9[%get3A_47, %get3A_48] : memref<128x1xf32, #tpu.memory_space<vmem>>, vector<128x1xf32>
    %dot_general3A_50 = arith.constant dense<0.000000e+00> : vector<128x1xf32>
    %dot_general3A_51 = tpu.matmul %get3A_46, %get3A_49, %dot_general3A_50 {dimension_numbers = #tpu.dot_dimension_numbers<[1], [0], [0], [1], [0, 0, 1, 1], [], []>, transpose_lhs_hint = false} : vector<128x128xf32>, vector<128x1xf32>, vector<128x1xf32> -> vector<128x1xf32>
    %get3A_52 = arith.constant 0 : index
    %get3A_53 = arith.constant 0 : index
    %get3A_54 = vector.load %arg10[%get3A_52, %get3A_53] : memref<1x128xf32, #tpu.memory_space<vmem>>, vector<1x128xf32>
    %get3A_55 = arith.constant 0 : index
    %get3A_56 = arith.constant 0 : index
    %get3A_57 = vector.load %arg9[%get3A_55, %get3A_56] : memref<128x1xf32, #tpu.memory_space<vmem>>, vector<128x1xf32>
    %dot_general3A_58 = arith.constant dense<0.000000e+00> : vector<1x1xf32>
    %dot_general3A_59 = tpu.matmul %get3A_54, %get3A_57, %dot_general3A_58 {dimension_numbers = #tpu.dot_dimension_numbers<[1], [0], [0], [1], [0, 0, 1, 1], [], []>, transpose_lhs_hint = false} : vector<1x128xf32>, vector<128x1xf32>, vector<1x1xf32> -> vector<1x1xf32>
    %dot_general3A_60 = arith.constant dense<0.000000e+00> : vector<1024x1xf32>
    %dot_general3A_61 = tpu.matmul %max3A_35, %dot_general3A_43, %dot_general3A_60 {dimension_numbers = #tpu.dot_dimension_numbers<[1], [0], [0], [1], [0, 0, 1, 1], [], []>, transpose_lhs_hint = false} : vector<1024x128xf32>, vector<128x1xf32>, vector<1024x1xf32> -> vector<1024x1xf32>
    %swap3A = arith.constant 0 : index
    %swap3A_62 = arith.constant 0 : index
    %swap3A_63 = vector.load %arg12[%swap3A, %swap3A_62] : memref<1024x1xf32, #tpu.memory_space<vmem>>, vector<1024x1xf32>
    tpu.vector_store %arg12[%swap3A, %swap3A_62], %dot_general3A_61 {strides = array<i32>} : memref<1024x1xf32, #tpu.memory_space<vmem>>, vector<1024x1xf32>,
    %dot_general3A_64 = arith.constant dense<0.000000e+00> : vector<1024x1xf32>
    %dot_general3A_65 = tpu.matmul %max3A_35, %dot_general3A_51, %dot_general3A_64 {dimension_numbers = #tpu.dot_dimension_numbers<[1], [0], [0], [1], [0, 0, 1, 1], [], []>, transpose_lhs_hint = false} : vector<1024x128xf32>, vector<128x1xf32>, vector<1024x1xf32> -> vector<1024x1xf32>
    %add3A_66 = vector.broadcast %dot_general3A_59 : vector<1x1xf32> to vector<1024x1xf32>
    %add3A_67 = arith.addf %dot_general3A_65, %add3A_66 : vector<1024x1xf32>
    %get3A_68 = arith.constant 0 : index
    %get3A_69 = arith.constant 0 : index
    %get3A_70 = vector.load %arg11[%get3A_68, %get3A_69] : memref<1x1xf32, #tpu.memory_space<vmem>>, vector<1x1xf32>
    %add3A_71 = vector.broadcast %get3A_70 : vector<1x1xf32> to vector<1024x1xf32>
    %add3A_72 = arith.addf %add3A_67, %add3A_71 : vector<1024x1xf32>
    %swap3A_73 = arith.constant 0 : index
    %swap3A_74 = arith.constant 0 : index
    %swap3A_75 = vector.load %arg13[%swap3A_73, %swap3A_74] : memref<1024x1xf32, #tpu.memory_space<vmem>>, vector<1024x1xf32>
    tpu.vector_store %arg13[%swap3A_73, %swap3A_74], %add3A_72 {strides = array<i32>} : memref<1024x1xf32, #tpu.memory_space<vmem>>, vector<1024x1xf32>,
    %swap3A_76 = arith.constant 0 : index
    %swap3A_77 = arith.constant 0 : index
    %swap3A_78 = vector.load %arg14[%swap3A_76, %swap3A_77] : memref<1024x1xf32, #tpu.memory_space<vmem>>, vector<1024x1xf32>
    tpu.vector_store %arg14[%swap3A_76, %swap3A_77], %max3A_13 {strides = array<i32>} : memref<1024x1xf32, #tpu.memory_space<vmem>>, vector<1024x1xf32>,
    return
  }
  func.func @transform_0(%arg0: i32) -> (i32, i32, i32) {
    %c0_i32 = arith.constant 0 : i32
    %c0_i32_0 = arith.constant 0 : i32
    %c0_i32_1 = arith.constant 0 : i32
    return %c0_i32, %arg0, %c0_i32_0 : i32, i32, i32
  }
  func.func @transform_1(%arg0: i32) -> (i32, i32) {
    %c0_i32 = arith.constant 0 : i32
    %c0_i32_0 = arith.constant 0 : i32
    return %arg0, %c0_i32 : i32, i32
  }
  func.func @transform_2(%arg0: i32) -> (i32, i32) {
    %c0_i32 = arith.constant 0 : i32
    %c0_i32_0 = arith.constant 0 : i32
    return %arg0, %c0_i32 : i32, i32
  }
  func.func @transform_3(%arg0: i32) -> (i32, i32) {
    %c0_i32 = arith.constant 0 : i32
    %c0_i32_0 = arith.constant 0 : i32
    %c0_i32_1 = arith.constant 0 : i32
    return %c0_i32, %c0_i32_0 : i32, i32
  }
  func.func @transform_4(%arg0: i32) -> (i32, i32) {
    %c0_i32 = arith.constant 0 : i32
    %c0_i32_0 = arith.constant 0 : i32
    %c0_i32_1 = arith.constant 0 : i32
    return %c0_i32, %c0_i32_0 : i32, i32
  }
  func.func @transform_5(%arg0: i32) -> (i32, i32) {
    %c0_i32 = arith.constant 0 : i32
    %c0_i32_0 = arith.constant 0 : i32
    %c0_i32_1 = arith.constant 0 : i32
    return %c0_i32, %c0_i32_0 : i32, i32
  }
  func.func @transform_6(%arg0: i32) -> (i32, i32) {
    %c0_i32 = arith.constant 0 : i32
    %c0_i32_0 = arith.constant 0 : i32
    %c0_i32_1 = arith.constant 0 : i32
    return %c0_i32, %c0_i32_0 : i32, i32
  }
  func.func @transform_7(%arg0: i32) -> (i32, i32) {
    %c0_i32 = arith.constant 0 : i32
    %c0_i32_0 = arith.constant 0 : i32
    %c0_i32_1 = arith.constant 0 : i32
    return %c0_i32, %c0_i32_0 : i32, i32
  }
  func.func @transform_8(%arg0: i32) -> (i32, i32) {
    %c0_i32 = arith.constant 0 : i32
    %c0_i32_0 = arith.constant 0 : i32
    %c0_i32_1 = arith.constant 0 : i32
    return %c0_i32, %c0_i32_0 : i32, i32
  }
  func.func @transform_9(%arg0: i32) -> (i32, i32) {
    %c0_i32 = arith.constant 0 : i32
    %c0_i32_0 = arith.constant 0 : i32
    %c0_i32_1 = arith.constant 0 : i32
    return %c0_i32, %c0_i32_0 : i32, i32
  }
  func.func @transform_10(%arg0: i32) -> (i32, i32) {
    %c0_i32 = arith.constant 0 : i32
    %c0_i32_0 = arith.constant 0 : i32
    %c0_i32_1 = arith.constant 0 : i32
    return %c0_i32, %c0_i32_0 : i32, i32
  }
  func.func @transform_11(%arg0: i32) -> (i32, i32) {
    %c0_i32 = arith.constant 0 : i32
    %c0_i32_0 = arith.constant 0 : i32
    return %arg0, %c0_i32 : i32, i32
  }
  func.func @transform_12(%arg0: i32) -> (i32, i32) {
    %c0_i32 = arith.constant 0 : i32
    %c0_i32_0 = arith.constant 0 : i32
    return %arg0, %c0_i32 : i32, i32
  }
  func.func @transform_13(%arg0: i32) -> (i32, i32) {
    %c0_i32 = arith.constant 0 : i32
    %c0_i32_0 = arith.constant 0 : i32
    return %arg0, %c0_i32 : i32, i32
  }
}

module attributes {stable_mosaic.version = 14 : i64} {
  func.func @_tc_final_body(%arg0: i32, %arg1: memref<80x128xf32, #tpu.memory_space<vmem>>, %arg2: memref<80x128xf32, #tpu.memory_space<vmem>>, %arg3: memref<80x128xf32, #tpu.memory_space<vmem>>, %arg4: memref<80x128xf32, #tpu.memory_space<vmem>>, %arg5: memref<80x128xf32, #tpu.memory_space<vmem>>) attributes {dimension_semantics = [#tpu.dimension_semantics<arbitrary>], iteration_bounds = array<i64: 1>, scalar_prefetch = 0 : i64, scratch_operands = 0 : i64, tpu.core_type = #tpu.core_type<tc>, window_params = [{pipeline_mode = #tpu.pipeline_mode<synchronous>, transform_indices = @transform_0, window_bounds = array<i64: 80, 128>}, {pipeline_mode = #tpu.pipeline_mode<synchronous>, transform_indices = @transform_1, window_bounds = array<i64: 80, 128>}, {pipeline_mode = #tpu.pipeline_mode<synchronous>, transform_indices = @transform_2, window_bounds = array<i64: 80, 128>}, {pipeline_mode = #tpu.pipeline_mode<synchronous>, transform_indices = @transform_3, window_bounds = array<i64: 80, 128>}, {pipeline_mode = #tpu.pipeline_mode<synchronous>, transform_indices = @transform_4, window_bounds = array<i64: 80, 128>}]} {
    %get3A = arith.constant 0 : index
    %get3A_0 = arith.constant 0 : index
    %get3A_1 = vector.load %arg1[%get3A, %get3A_0] : memref<80x128xf32, #tpu.memory_space<vmem>>, vector<80x128xf32>
    %get3A_2 = arith.constant 0 : index
    %get3A_3 = arith.constant 0 : index
    %get3A_4 = vector.load %arg2[%get3A_2, %get3A_3] : memref<80x128xf32, #tpu.memory_space<vmem>>, vector<80x128xf32>
    %add3A = arith.addf %get3A_1, %get3A_4 : vector<80x128xf32>
    %get3A_5 = arith.constant 0 : index
    %get3A_6 = arith.constant 0 : index
    %get3A_7 = vector.load %arg3[%get3A_5, %get3A_6] : memref<80x128xf32, #tpu.memory_space<vmem>>, vector<80x128xf32>
    %div3A = arith.divf %add3A, %get3A_7 : vector<80x128xf32>
    %get3A_8 = arith.constant 0 : index
    %get3A_9 = arith.constant 0 : index
    %get3A_10 = vector.load %arg4[%get3A_8, %get3A_9] : memref<80x128xf32, #tpu.memory_space<vmem>>, vector<80x128xf32>
    %add3A_11 = arith.addf %div3A, %get3A_10 : vector<80x128xf32>
    %swap3A = arith.constant 0 : index
    %swap3A_12 = arith.constant 0 : index
    %swap3A_13 = vector.load %arg5[%swap3A, %swap3A_12] : memref<80x128xf32, #tpu.memory_space<vmem>>, vector<80x128xf32>
    tpu.vector_store %arg5[%swap3A, %swap3A_12], %add3A_11 {strides = array<i32>} : memref<80x128xf32, #tpu.memory_space<vmem>>, vector<80x128xf32>,
    return
  }
  func.func @transform_0(%arg0: i32) -> (i32, i32) {
    %c0_i32 = arith.constant 0 : i32
    %c0_i32_0 = arith.constant 0 : i32
    %c0_i32_1 = arith.constant 0 : i32
    return %c0_i32, %c0_i32_0 : i32, i32
  }
  func.func @transform_1(%arg0: i32) -> (i32, i32) {
    %c0_i32 = arith.constant 0 : i32
    %c0_i32_0 = arith.constant 0 : i32
    %c0_i32_1 = arith.constant 0 : i32
    return %c0_i32, %c0_i32_0 : i32, i32
  }
  func.func @transform_2(%arg0: i32) -> (i32, i32) {
    %c0_i32 = arith.constant 0 : i32
    %c0_i32_0 = arith.constant 0 : i32
    %c0_i32_1 = arith.constant 0 : i32
    return %c0_i32, %c0_i32_0 : i32, i32
  }
  func.func @transform_3(%arg0: i32) -> (i32, i32) {
    %c0_i32 = arith.constant 0 : i32
    %c0_i32_0 = arith.constant 0 : i32
    %c0_i32_1 = arith.constant 0 : i32
    return %c0_i32, %c0_i32_0 : i32, i32
  }
  func.func @transform_4(%arg0: i32) -> (i32, i32) {
    %c0_i32 = arith.constant 0 : i32
    %c0_i32_0 = arith.constant 0 : i32
    %c0_i32_1 = arith.constant 0 : i32
    return %c0_i32, %c0_i32_0 : i32, i32
  }
}

</mosaic_0001>

<sc_bundles>
// kernel: kernel.10.cloned.1.call-start
scs
__scs_entry_jumppad:
0x0: {  	(pc) =	sbr.rel $0x88, $3  }
0x1: {  	(tag) =	ssettag $0x0;
	lr =	simm.s32 $0x1  }
0x2: {  	[smem:$0x3F97] =	sst lr;
	_ =	strace $0xD0000000  }
0x3: {  	_ = 	snop  }
0x4: {  	_ = 	snop  }
0x5: {  	_ = 	snop  }
0x6: {  	_ = 	snop  }
0x7: {  	_ = 	snop  }
__scs_overlays_trampoline_lowered:
0x8: {  	[smem:$0x3FA6] =	sst s0  }
0x9: {  	[smem:$0x3FA7] =	sst s1  }
0xa: {  	[smem:$0x3FA8] =	sst s2  }
0xb: {  	[smem:$0x3FA9] =	sst s3  }
0xc: {  	[smem:$0x3FAA] =	sst s4  }
0xd: {  	[smem:$0x3FAB] =	sst s5  }
0xe: {  	[smem:$0x3FAC] =	sst s6  }
0xf: {  	[smem:$0x3FAD] =	sst s7  }
0x10: {  	[smem:$0x3FAE] =	sst s8  }
0x11: {  	[smem:$0x3FAF] =	sst s9;
	s0 =	simm.s32 @!p0 $0x0  }
0x12: {  	s1 =	sld [smem:$0x3F95];
	s0 =	simm.s32 @p0 $0x1  }
0x13: {  	[smem:$0x3FB0] =	sst s0;
	s0 =	simm.s32 @!p1 $0x0  }
0x14: {  	s2 =	sld [smem:$0x3F94];
	s0 =	simm.s32 @p1 $0x1  }
0x15: {  	[smem:$0x3FB1] =	sst s0;
	s0 =	simm.s32 @!p2 $0x0  }
0x16: {  	s3 =	sld [smem:$0x3FDB];
	s0 =	simm.s32 @p2 $0x1  }
0x17: {  	s4 =	simm.s32 $0x1BF5;
	[smem:$0x3FB3] =	sst s0  }
0x18: {  	s0 =	sld [smem:$0x3F96];
	_ =	swait.ge [sflag:s4], $0x0  }
0x19: {  	s7 =	sld [smem:$0x3F97]  }
0x1a: {  	s8 =	sadd.s32 $0xFFFFE003, lr  }
0x1b: {  	s9 =	sadd.s32 $0xFFFFFEF7, lr;
	s5 =	simm.s32 $0xFFFFFFFF;
	p2 =	slt.u32 s8, $0xFFFFF086  }
0x1c: {  	p1 =	slt.u32 s9, $0xF7A;
	s5 =	simm.s32 @!p2 $0x0  }
0x1d: {  	s5 =	simm.s32 @p1 $0x1;
	p0 =	seq.s32 s7, s2  }
0x1e: {  	s7 =	smul.u32 @!p0 $0xF7A, s2;
	p2 =	seq.s32 @!p0 s5, $0x0  }
0x1f: {  	s9 =	smul.u32 $0xF7A, s1;
	s8 =	simm.s32 @!p0 $0x1BF5;
	p2 =	por !p2, p0  }
0x20: {  	[sflag:s8] =	ssyncset.s32 @!p0 $0xFFFFF086;
	s6 =	sadd.s32 @!p0 s3, s7;
	s7 =	simm.s32 @!p0 $0x108  }
0x21: {  	s3 =	sadd.s32 s3, s9;
	s6 =	sadd.s32 @!p0 $0x88, s6;
	s7 =	simm.s32 @p2 $0x1082  }
0x22: {  	[simem:s7], [sflag:s8] =	dma.local @!p0 [hbm:s6], $0xF7A  }
0x23: {  	s9 =	sor.u32 $0xD0000000, s2;
	s6 =	simm.s32 $0x108;
	_ =	swait.ge @!p0 [sflag:s8], $0x0  }
0x24: {  	s3 =	sadd.s32 $0x88, s3;
	s6 =	simm.s32 @!p1 $0x1082;
	[sflag:s4] =	ssyncset.s32 $0xFFFFF086  }
0x25: {  	[simem:s6], [sflag:s4] =	dma.local [hbm:s3], $0xF7A  }
0x26: {  	[smem:$0x3F97] =	sst s1;
	(tag) =	ssettag s2;
	_ =	strace s9  }
0x27: {  	s1 =	sld [smem:$0x3FA7]  }
0x28: {  	s2 =	sld [smem:$0x3FA8]  }
0x29: {  	s4 =	sld [smem:$0x3FAA]  }
0x2a: {  	p0 =	seq.s32 s5, $0x0;
	s5 =	sld [smem:$0x3FAB]  }
0x2b: {  	s6 =	sld [smem:$0x3FAC]  }
0x2c: {  	s7 =	sld [smem:$0x3FAD]  }
0x2d: {  	s3 =	simm.s32 $0x108;
	s8 =	sld [smem:$0x3FAE]  }
0x2e: {  	s3 =	simm.s32 @!p0 $0x1082;
	s9 =	sld [smem:$0x3FAF]  }
0x2f: {  	lr =	sadd.s32 s0, s3;
	s0 =	sld [smem:$0x3FA6]  }
0x30: {  	s3 =	sld [smem:$0x3FA9]  }
0x31: {  	[smem:$0x3FB2] =	sst s10  }
0x32: {  	s10 =	sld [smem:$0x3FB0];
	_ =	sdelay $0x3  }
0x33: {  	p0 =	seq.s32 s10, $0x1;
	s10 =	sld [smem:$0x3FB2];
	_ =	sdelay $0x3  }
0x34: {  	[smem:$0x3FB2] =	sst s10  }
0x35: {  	s10 =	sld [smem:$0x3FB1];
	_ =	sdelay $0x3  }
0x36: {  	p1 =	seq.s32 s10, $0x1;
	s10 =	sld [smem:$0x3FB2];
	_ =	sdelay $0x3  }
0x37: {  	[smem:$0x3FB2] =	sst s10  }
0x38: {  	s10 =	sld [smem:$0x3FB3]  }
0x39: {  	_ = 	snop;
	(pc) =	sbr.ind lr, $3  }
0x3a: {  	_ = 	snop  }
0x3b: {  	_ = 	snop  }
0x3c: {  	p2 =	seq.s32 s10, $0x1;
	s10 =	sld [smem:$0x3FB2]  }
0x3d: {  	_ =	shalt  }
0x3e: {  	_ =	shalt  }
0x3f: {  	_ =	shalt  }
0x40: {  	_ =	shalt  }
0x41: {  	_ =	shalt  }
0x42: {  	_ =	shalt  }
0x43: {  	_ =	shalt  }
0x44: {  	_ =	shalt  }
0x45: {  	_ =	shalt  }
0x46: {  	_ =	shalt  }
0x47: {  	_ =	shalt  }
0x48: {  	_ =	shalt  }
0x49: {  	_ =	shalt  }
0x4a: {  	_ =	shalt  }
0x4b: {  	_ =	shalt  }
0x4c: {  	_ =	shalt  }
0x4d: {  	_ =	shalt  }
0x4e: {  	_ =	shalt  }
0x4f: {  	_ =	shalt  }
0x50: {  	_ =	shalt  }
0x51: {  	_ =	shalt  }
0x52: {  	_ =	shalt  }
0x53: {  	_ =	shalt  }
0x54: {  	_ =	shalt  }
0x55: {  	_ =	shalt  }
0x56: {  	_ =	shalt  }
0x57: {  	_ =	shalt  }
0x58: {  	_ =	shalt  }
0x59: {  	_ =	shalt  }
0x5a: {  	_ =	shalt  }
0x5b: {  	_ =	shalt  }
0x5c: {  	_ =	shalt  }
0x5d: {  	_ =	shalt  }
0x5e: {  	_ =	shalt  }
0x5f: {  	_ =	shalt  }
0x60: {  	_ =	shalt  }
0x61: {  	_ =	shalt  }
0x62: {  	_ =	shalt  }
0x63: {  	_ =	shalt  }
0x64: {  	_ =	shalt  }
0x65: {  	_ =	shalt  }
0x66: {  	_ =	shalt  }
0x67: {  	_ =	shalt  }
0x68: {  	_ =	shalt  }
0x69: {  	_ =	shalt  }
0x6a: {  	_ =	shalt  }
0x6b: {  	_ =	shalt  }
0x6c: {  	_ =	shalt  }
0x6d: {  	_ =	shalt  }
0x6e: {  	_ =	shalt  }
0x6f: {  	_ =	shalt  }
0x70: {  	_ =	shalt  }
0x71: {  	_ =	shalt  }
0x72: {  	_ =	shalt  }
0x73: {  	_ =	shalt  }
0x74: {  	_ =	shalt  }
0x75: {  	_ =	shalt  }
0x76: {  	_ =	shalt  }
0x77: {  	_ =	shalt  }
0x78: {  	_ =	shalt  }
0x79: {  	_ =	shalt  }
0x7a: {  	_ =	shalt  }
0x7b: {  	_ =	shalt  }
0x7c: {  	_ =	shalt  }
0x7d: {  	_ =	shalt  }
0x7e: {  	_ =	shalt  }
0x7f: {  	_ =	shalt  }
0x80: {  	_ =	shalt  }
0x81: {  	_ =	shalt  }
0x82: {  	_ =	shalt  }
0x83: {  	_ =	shalt  }
0x84: {  	_ =	shalt  }
0x85: {  	_ =	shalt  }
0x86: {  	_ =	shalt  }
0x87: {  	_ =	shalt  }
.Lfunc_end0:
.L_simem_size_0:
called_computation.1_lowered:
.L_overlay_start_0:
0x88: {  	s2 =	sld [smem:$0x3FD9]  }
0x89: {  	s3 =	sld [smem:$0x3FFE];
	_ =	sdelay $0x1  }
0x8a: {  	s1 =	srdreg.scid  }
0x8b: {  	s0 =	sand.u32 $0x1, s1  }
0x8c: {  	s17 =	sshll.u32 s0, $0xA;
	s2 =	sadd.s32 s3, s2  }
0x8d: {  	s2 =	sadd.s32 s2, s17  }
0x8e: {  	[smem:$0x3FBE] =	sst s2  }
0x8f: {  	_ = 	snop  }
0x90: {  	s2 =	sld [smem:$0x3FD0];
	(tm) =	ssettm $0x1  }
0x91: {  	s18 =	sld [smem:$0x3FFB];
	_ =	sdelay $0x3  }
0x92: {  	_ =	strace s18  }
0x93: {  	s3 =	sld [smem:$0x3FFC];
	_ =	sdelay $0x3  }
0x94: {  	_ =	strace s3  }
0x95: {  	s3 =	sld [smem:$0x3FFD];
	_ =	sdelay $0x3  }
0x96: {  	_ =	strace s3  }
0x97: {  	_ =	strace $0x8FFFFFFF  }
0x98: {  	s19 =	sld [smem:$0x3FDB];
	_ =	sdelay $0x1  }
0x99: {  	s4 =	simm.s32 $_scs_section_size  }
0x9a: {  	s5 =	simm.s32 $_size__tile_overlayer_lowered;
	s6 =	simm.s32 $_tile_overlayer_lowered  }
0x9b: {  	s22 =	simm.s32 $0x1BFF;
	s21 =	sshll.u32 s6, $0x1;
	s3 =	sadd.s32 s4, s19  }
0x9c: {  	s7 =	simm.s32 $0x0;
	s20 =	sshll.u32 s5, $0x1;
	s5 =	sadd.s32 s21, s3  }
0x9d: {  	[timem:s7], [sflag:s22] =	dma.local [hbm:s5], s20  }
0x9e: {  	_ =	swait.ge [sflag:s22], s20  }
0x9f: {  	s4 =	ssub.s32 $0x0, s20;
	[sflag:s22] =	ssyncset.done $0x0  }
0xa0: {  	[sflag:s22] =	ssyncadd.s32 s4;
	_ =	sdelay $0x1  }
0xa1: {  	s23 =	simm.s32 $0x1B8B  }
0xa2: {  	_ =	swait.ge [sflag:s23], $0x1  }
0xa3: {  	[sflag:s23] =	ssyncset.done $0x0  }
0xa4: {  	s25 =	simm.s32 $0x1B8E;
	s24 =	sld [smem:$0x3FFE];
	[sflag:s23] =	ssyncadd.s32 $0xFFFFFFFF  }
0xa5: {  	s26 =	simm.s32 $execute0_lowered;
	[smem:$0x3FD2] =	sst s25  }
0xa6: {  	s5 =	sshll.u32 s26, $0x1;
	_ =	strace $0x80000049;
	[dreg:$0x1] =	wrdreg $0xFFFFFFFF  }
0xa7: {  	s28 =	simm.s32 $_size_execute0_lowered;
	s3 =	sadd.s32 s3, s5;
	[dreg:$0x0] =	wrdreg $0x0  }
0xa8: {  	s5 =	sshll.u32 s28, $0x1;
	[dreg:$0x2] =	wrdreg s3  }
0xa9: {  	[dreg:$0x3] =	wrdreg s5  }
0xaa: {  	[dreg:$0x4] =	wrdreg $0xC0  }
0xab: {  	_ =	task [dreg:s7], $0x5FFFF  }
0xac: {  	[dreg:$0x1] =	wrdreg $0xFFFFFFFF  }
0xad: {  	[dreg:$0x0] =	wrdreg $0x60  }
0xae: {  	[dreg:$0x2] =	wrdreg s2  }
0xaf: {  	[dreg:$0x3] =	wrdreg s24  }
0xb0: {  	[dreg:$0x4] =	wrdreg $0x2B000  }
0xb1: {  	[dreg:$0x5] =	wrdreg $0x9  }
0xb2: {  	_ =	task.clear_ibuf [dreg:s7], $0x6FFFF;
	_ =	strace $0x90000049  }
0xb3: {  	s29 =	simm.s32 $0x9;
	_ =	strace $0x8000004B  }
0xb4: {  	_ =	swait.ge [sflag:s29], $0x1  }
0xb5: {  	[sflag:s29] =	ssyncadd.s32 $0xFFFFFFFF  }
0xb6: {  	_ =	strace $0x9000004B  }
0xb7: {  	_ =	sfence  }
0xb8: {  	s30 =	sld [smem:$0x0];
	_ =	sdelay $0x2  }
0xb9: {  	s31 =	sshll.u32 s1, $0xD;
	s1 =	sshrl.u32 s1, $0x2  }
0xba: {  	s3 =	sand.u32 $0x4000, s31;
	s1 =	sadd.s32 s1, s30  }
0xbb: {  	s0 =	sor.u32 s3, s0;
	s1 =	sshll.u32 s1, $0x11  }
0xbc: {  	s0 =	sor.u32 s1, s0  }
0xbd: {  	s0 =	sadd.s32 $0x8F2B, s0  }
0xbe: {  	[sflag:s0] =	ssyncadd.remote.s32 $0x1  }
0xbf: {  	_ =	sfence.sel $0xFFFF  }
0xc0: {  	[dreg:$0x0] =	wrdreg $0xFFFFFFFF;
	(pc) =	sbr.abs _section_cstart, $3  }
0xc1: {  	[dreg:$0x1] =	wrdreg $0xFFFFFFFF  }
0xc2: {  	_ =	task.clear_ibuf [dreg:s7], $0x2FFFF;
	_ =	strace $0x9FFFFFFF  }
0xc3: {  	(tm) =	ssettm $0x7FFFFFFF  }
tec
execute0_lowered:
.L_overlay_start_1:
0x0: {  	(tag) =	ssettag $0x1  }
0x1: {  	s0 =	rddreg [dreg:$0x1]  }
0x2: {  	s2 =	rddreg [dreg:$0x2];
	s4 =	simm.s32 $0x0;
	s5 =	srdreg.scid  }
0x3: {  	s1 =	stileid.u32;
	s19 =	simm.s32 $0x2900;
	s20 =	simm.s32 $0x2880  }
0x4: {  	s21 =	simm.s32 $0x2980;
	s22 =	simm.s32 $0x1;
	s23 =	simm.s32 $0x3  }
0x5: {  	s24 =	simm.s32 $0x80;
	s25 =	simm.s32 $0x2;
	s28 =	simm.s32 $0x4  }
0x6: {  	s29 =	simm.s32 $0x2A80;
	s30 =	simm.s32 $0x6;
	s31 =	simm.s32 $0x0  }
0x7: {  	[smem:$0x7FF] =	sst s4;
	s6 =	sand.u32 $0x1, s5;
	s13 =	smul.u32 $0x280, s1  }
0x8: {  	s12 =	sadd.s32 $0xB000, s0;
	s14 =	sadd.s32 $0x1000, s0;
	s8 =	smul.u32 $0x50, s1  }
0x9: {  	s15 =	sadd.s32 $0x15000, s0;
	s0 =	sadd.s32 $0x15600, s0;
	s5 =	ssub.s32 $0x2, s6  }
0xa: {  	_ =	strace $0x8000004A;
	p0 =	seq.s32 s6, $0x0;
	s7 =	sshrl.u32 s5, $0x1  }
0xb: {  	s10 =	sadd.s32 $0x500, s8;
	s18 =	sshrl.u32 s13, $0x3;
	s0 =	smov.u32 @p0 s15  }
0xc: {  	s16 =	ssub.s32 s5, s7;
	s5 =	sadd.s32 s13, s2;
	s10 =	smov.u32 @p0 s8  }
0xd: {  	s15 =	sadd.s32 s0, s18;
	s18 =	simm.s32 $0x2800;
	s26 =	sadd.s32 $0x80, s5  }
.Ltmp0:
0xe: {  	s7 =	sadd.s32 $0x100, s5;
	s8 =	sadd.s32 $0x180, s5;
	(pc) =	sbr.rel .LBB2_1-.Ltmp0, $4  }
0xf: {  	s9 =	sadd.s32 $0x200, s5;
	s17 =	sshll.u32 s10, $0x4;
	[dreg:$0x4] =	wrdreg s26  }
0x10: {  	s10 =	sadd.s32 s12, s17;
	s11 =	sadd.s32 s14, s17;
	s17 =	sor.u32 $0x10, s17  }
0x11: {  	s26 =	simm.s32 $0x5;
	s12 =	sadd.s32 s12, s17;
	s13 =	sadd.s32 s14, s17  }
0x12: {  	v0 =	vimm.f32 $0.0e+00;
	s14 =	smax.u32 s16, $0x1;
	s16 =	simm.s32 $0x2A00;
	s17 =	simm.s32 $0x7  }
.LBB2_4:
0x13: {  	_ =	swait.ge [sflag:s28], $0x80  }
0x14: {  	[sflag:s28] =	ssyncset.done $0x0  }
0x15: {  	[sflag:s28] =	ssyncadd.s32 $0xFFFFFF80  }
0x16: {  	[spmem:s2] =	stream.indirect.scatter.add.f32 [tilespmem:s29], [sflag:$0x6], $0x1, s21, s24, $0xb8;
	[tilespmem:$0x2D80] =	vst v63  }
0x17: {  	s0 =	stileid.u32;
	_ =	swait.ge [sflag:s30], $0x80  }
0x18: {  	s1 =	sshrl.u32 s5, $0x3;
	s31 =	sadd.s32 $0x1, s31;
	[sflag:s30] =	ssyncset.done $0x0  }
0x19: {  	s0 =	sshll.u32 s0, $0x6;
	p0 =	sne.s32 s31, s14;
	[sflag:s30] =	ssyncadd.s32 $0xFFFFFF80  }
.Ltmp1:
0x1a: {  	s0 =	sor.u32 $0x1C07, s0;
	[bflag:$0x0] =	sbarrier.arrive $0xFFFF;
	(pc) =	sbr.rel @!p0 .LBB2_5-.Ltmp1, $4  }
0x1b: {  	[hbm:s15], [sflag:s0] =	dma.local [spmem:s1], $0x50  }
0x1c: {  	_ =	swait.ge [sflag:s17], $0x50  }
0x1d: {  	[sflag:s17] =	ssyncset.done $0x0  }
0x1e: {  	[sflag:s17] =	ssyncadd.s32 $0xFFFFFFB0  }
.LBB2_1:
0x1f: {  	[tilespmem:$0x2A00] =	vst v0  }
0x20: {  	[tilespmem:$0x2A10] =	vst v0  }
0x21: {  	[tilespmem:$0x2A20] =	vst v0  }
0x22: {  	[tilespmem:$0x2A30] =	vst v0  }
0x23: {  	[tilespmem:$0x2A40] =	vst v0  }
0x24: {  	[tilespmem:$0x2A50] =	vst v0  }
0x25: {  	[tilespmem:$0x2A60] =	vst v0  }
0x26: {  	[tilespmem:$0x2A70] =	vst v0  }
0x27: {  	[spmem:s5] =	stream.linear.scatter [tilespmem:s16], [sflag:$0x7], $0x80, $0x38;
	[tilespmem:$0x2D80] =	vst v63  }
0x28: {  	_ =	swait.ge [sflag:s17], $0x80  }
0x29: {  	[sflag:s17] =	ssyncset.done $0x0  }
0x2a: {  	s0 =	rddreg [dreg:$0x4];
	[sflag:s17] =	ssyncadd.s32 $0xFFFFFF80  }
0x2b: {  	[spmem:s0] =	stream.linear.scatter [tilespmem:s16], [sflag:$0x7], $0x80, $0x38;
	[tilespmem:$0x2D80] =	vst v63  }
0x2c: {  	_ =	swait.ge [sflag:s17], $0x80  }
0x2d: {  	[sflag:s17] =	ssyncset.done $0x0  }
0x2e: {  	[sflag:s17] =	ssyncadd.s32 $0xFFFFFF80  }
0x2f: {  	[spmem:s7] =	stream.linear.scatter [tilespmem:s16], [sflag:$0x7], $0x80, $0x38;
	[tilespmem:$0x2D80] =	vst v63  }
0x30: {  	_ =	swait.ge [sflag:s17], $0x80  }
0x31: {  	[sflag:s17] =	ssyncset.done $0x0  }
0x32: {  	[sflag:s17] =	ssyncadd.s32 $0xFFFFFF80  }
0x33: {  	[spmem:s8] =	stream.linear.scatter [tilespmem:s16], [sflag:$0x7], $0x80, $0x38;
	[tilespmem:$0x2D80] =	vst v63  }
0x34: {  	_ =	swait.ge [sflag:s17], $0x80  }
0x35: {  	[sflag:s17] =	ssyncset.done $0x0  }
0x36: {  	[sflag:s17] =	ssyncadd.s32 $0xFFFFFF80  }
0x37: {  	[spmem:s9] =	stream.linear.scatter [tilespmem:s16], [sflag:$0x7], $0x80, $0x38;
	[tilespmem:$0x2D80] =	vst v63  }
0x38: {  	_ =	swait.ge [sflag:s17], $0x80  }
0x39: {  	[sflag:s17] =	ssyncset.done $0x0  }
0x3a: {  	[sflag:s17] =	ssyncadd.s32 $0xFFFFFF80  }
0x3b: {  	s6 =	rddreg [dreg:$0x0]  }
0x3c: {  	[tilespmem:s4], [sflag:$0x7] =	stream.linear.gather [hbm4b:s6+s4], $0x2800, $0x38;
	[tilespmem:$0x2D80] =	vst v63  }
0x3d: {  	_ =	swait.ge [sflag:s17], $0x2800  }
0x3e: {  	[sflag:s17] =	ssyncset.done $0x0  }
0x3f: {  	[sflag:s17] =	ssyncadd.s32 $0xFFFFD800  }
0x40: {  	[bflag:$0x0] =	sbarrier.arrive $0xFFFF  }
0x41: {  	[tilespmem:s18], [sflag:$0x1] =	stream.linear.gather [hbm4b:s10+s4], $0x80, $0x38;
	[tilespmem:$0x2D80] =	vst v63  }
0x42: {  	_ = 	snop  }
0x43: {  	[tilespmem:s19], [sflag:$0x3] =	stream.linear.gather [hbm4b:s11+s4], $0x80, $0x38;
	[tilespmem:$0x2D80] =	vst v63  }
0x44: {  	_ = 	snop  }
0x45: {  	[tilespmem:s20], [sflag:$0x2] =	stream.linear.gather [hbm4b:s12+s4], $0x80, $0x38;
	[tilespmem:$0x2D80] =	vst v63  }
0x46: {  	s0 =	simm.s32 $0xFFFFFB20  }
0x47: {  	[tilespmem:s21], [sflag:$0x4] =	stream.linear.gather [hbm4b:s13+s4], $0x80, $0x38;
	[tilespmem:$0x2D80] =	vst v63  }
.LBB2_2:
0x48: {  	_ =	swait.ge [sflag:s22], $0x80  }
0x49: {  	[sflag:s22] =	ssyncset.done $0x0  }
0x4a: {  	[sflag:s22] =	ssyncadd.s32 $0xFFFFFF80  }
0x4b: {  	v1 =	vld [tilespmem:$0x2800];
	_ =	sdelay $0x5  }
0x4c: {  	v2 =	vld [tilespmem:$0x2810];
	_ =	sdelay $0x1  }
0x4d: {  	v1 =	vld.idx.msk [tilespmem:v1+s4+$0x0], $0xffff;
	_ =	sdelay $0x3  }
0x4e: {  	v3 =	vld [tilespmem:$0x2820]  }
0x4f: {  	[tilespmem:$0x2A00] =	vst v1  }
0x50: {  	v1 =	vld.idx.msk [tilespmem:v2+s4+$0x0], $0xffff;
	_ =	sdelay $0x3  }
0x51: {  	v2 =	vld [tilespmem:$0x2830]  }
0x52: {  	[tilespmem:$0x2A10] =	vst v1  }
0x53: {  	v1 =	vld.idx.msk [tilespmem:v3+s4+$0x0], $0xffff;
	_ =	sdelay $0x3  }
0x54: {  	v3 =	vld [tilespmem:$0x2840]  }
0x55: {  	[tilespmem:$0x2A20] =	vst v1  }
0x56: {  	v1 =	vld.idx.msk [tilespmem:v2+s4+$0x0], $0xffff;
	_ =	sdelay $0x3  }
0x57: {  	v2 =	vld [tilespmem:$0x2850]  }
0x58: {  	[tilespmem:$0x2A30] =	vst v1  }
0x59: {  	v1 =	vld.idx.msk [tilespmem:v3+s4+$0x0], $0xffff;
	_ =	sdelay $0x3  }
0x5a: {  	v3 =	vld [tilespmem:$0x2860]  }
0x5b: {  	[tilespmem:$0x2A40] =	vst v1  }
0x5c: {  	v1 =	vld.idx.msk [tilespmem:v2+s4+$0x0], $0xffff;
	_ =	sdelay $0x3  }
0x5d: {  	v2 =	vld [tilespmem:$0x2870]  }
0x5e: {  	[tilespmem:$0x2A50] =	vst v1  }
0x5f: {  	v1 =	vld.idx.msk [tilespmem:v3+s4+$0x0], $0xffff;
	_ =	sdelay $0x4  }
0x60: {  	[tilespmem:$0x2A60] =	vst v1  }
0x61: {  	v1 =	vld.idx.msk [tilespmem:v2+s4+$0x0], $0xffff;
	_ =	sdelay $0x4  }
0x62: {  	[tilespmem:$0x2A70] =	vst v1  }
0x63: {  	_ =	swait.ge [sflag:s23], $0x80  }
0x64: {  	[sflag:s23] =	ssyncset.done $0x0  }
0x65: {  	[sflag:s23] =	ssyncadd.s32 $0xFFFFFF80  }
0x66: {  	[spmem:s2] =	stream.indirect.scatter.add.f32 [tilespmem:s16], [sflag:$0x5], $0x1, s19, s24, $0xb8;
	[tilespmem:$0x2D80] =	vst v63  }
0x67: {  	_ =	swait.ge [sflag:s25], $0x80  }
0x68: {  	[sflag:s25] =	ssyncset.done $0x0  }
0x69: {  	[sflag:s25] =	ssyncadd.s32 $0xFFFFFF80  }
0x6a: {  	v1 =	vld [tilespmem:$0x2880];
	_ =	sdelay $0x5  }
0x6b: {  	v2 =	vld [tilespmem:$0x2890];
	_ =	sdelay $0x1  }
0x6c: {  	v1 =	vld.idx.msk [tilespmem:v1+s4+$0x0], $0xffff;
	_ =	sdelay $0x3  }
0x6d: {  	v3 =	vld [tilespmem:$0x28A0]  }
0x6e: {  	[tilespmem:$0x2A80] =	vst v1  }
0x6f: {  	v1 =	vld.idx.msk [tilespmem:v2+s4+$0x0], $0xffff;
	_ =	sdelay $0x3  }
0x70: {  	v2 =	vld [tilespmem:$0x28B0]  }
0x71: {  	[tilespmem:$0x2A90] =	vst v1  }
0x72: {  	v1 =	vld.idx.msk [tilespmem:v3+s4+$0x0], $0xffff;
	_ =	sdelay $0x3  }
0x73: {  	v3 =	vld [tilespmem:$0x28C0]  }
0x74: {  	[tilespmem:$0x2AA0] =	vst v1  }
0x75: {  	v1 =	vld.idx.msk [tilespmem:v2+s4+$0x0], $0xffff;
	_ =	sdelay $0x3  }
0x76: {  	v2 =	vld [tilespmem:$0x28D0]  }
0x77: {  	[tilespmem:$0x2AB0] =	vst v1  }
0x78: {  	v1 =	vld.idx.msk [tilespmem:v3+s4+$0x0], $0xffff;
	_ =	sdelay $0x3  }
0x79: {  	v3 =	vld [tilespmem:$0x28E0]  }
0x7a: {  	[tilespmem:$0x2AC0] =	vst v1  }
0x7b: {  	v1 =	vld.idx.msk [tilespmem:v2+s4+$0x0], $0xffff;
	_ =	sdelay $0x3  }
0x7c: {  	v2 =	vld [tilespmem:$0x28F0]  }
0x7d: {  	[tilespmem:$0x2AD0] =	vst v1  }
0x7e: {  	v1 =	vld.idx.msk [tilespmem:v3+s4+$0x0], $0xffff;
	_ =	sdelay $0x4  }
0x7f: {  	[tilespmem:$0x2AE0] =	vst v1  }
0x80: {  	v1 =	vld.idx.msk [tilespmem:v2+s4+$0x0], $0xffff;
	_ =	sdelay $0x2  }
0x81: {  	p0 =	seq.s32 s0, $0x0  }
.Ltmp2:
0x82: {  	_ = 	snop;
	(pc) =	sbr.rel @p0 .LBB2_4-.Ltmp2, $4  }
0x83: {  	[tilespmem:$0x2AF0] =	vst v1  }
0x84: {  	_ =	swait.ge [sflag:s26], $0x80  }
0x85: {  	[sflag:s26] =	ssyncset.done $0x0  }
0x86: {  	[sflag:s26] =	ssyncadd.s32 $0xFFFFFF80  }
0x87: {  	s1 =	sadd.s32 s0, s10  }
0x88: {  	s3 =	sadd.s32 $0x500, s1  }
0x89: {  	[tilespmem:s18], [sflag:$0x1] =	stream.linear.gather [hbm4b:s3+s4], $0x80, $0x38;
	[tilespmem:$0x2D80] =	vst v63  }
0x8a: {  	s3 =	sadd.s32 s0, s11  }
0x8b: {  	s6 =	sadd.s32 $0x500, s3  }
0x8c: {  	[tilespmem:s19], [sflag:$0x3] =	stream.linear.gather [hbm4b:s6+s4], $0x80, $0x38;
	[tilespmem:$0x2D80] =	vst v63  }
0x8d: {  	_ =	swait.ge [sflag:s28], $0x80  }
0x8e: {  	[sflag:s28] =	ssyncset.done $0x0  }
0x8f: {  	[sflag:s28] =	ssyncadd.s32 $0xFFFFFF80  }
0x90: {  	[spmem:s2] =	stream.indirect.scatter.add.f32 [tilespmem:s29], [sflag:$0x6], $0x1, s21, s24, $0xb8;
	[tilespmem:$0x2D80] =	vst v63  }
0x91: {  	_ =	swait.ge [sflag:s30], $0x80  }
.Ltmp3:
0x92: {  	[sflag:s30] =	ssyncset.done $0x0;
	(pc) =	sbr.rel .LBB2_2-.Ltmp3, $4  }
0x93: {  	s1 =	sadd.s32 $0x510, s1;
	[sflag:s30] =	ssyncadd.s32 $0xFFFFFF80  }
0x94: {  	[tilespmem:s20], [sflag:$0x2] =	stream.linear.gather [hbm4b:s1+s4], $0x80, $0x38;
	[tilespmem:$0x2D80] =	vst v63  }
0x95: {  	s0 =	sadd.s32 $0x20, s0;
	s6 =	sadd.s32 $0x510, s3  }
0x96: {  	[tilespmem:s21], [sflag:$0x4] =	stream.linear.gather [hbm4b:s6+s4], $0x80, $0x38;
	[tilespmem:$0x2D80] =	vst v63  }
.LBB2_5:
0x97: {  	_ =	sfence.sel $0x180000  }
0x98: {  	[bflag:$0x0] =	sbarrier.arrive $0xFFFF  }
0x99: {  	_ =	strace $0x9000004A  }
0x9a: {  	s0 =	stileid.u32;
	[bflag:$0x2] =	sbarrier.arrive $0xFFFF  }
0x9b: {  	p0 =	sne.s32 s0, $0x0;
	s0 =	rddreg [dreg:$0x3]  }
0x9c: {  	s0 =	sadd.s32 @!p0 $0x100000, s0  }
0x9d: {  	[sflag:s0] =	ssyncadd.tile.s32 @!p0 $0x1;
	_ =	shalt  }
.Lfunc_end2:
_tile_overlayer_lowered:
.L_overlay_start_2:
0x9e: {  	(tag) =	ssettag $0x2  }
0x9f: {  	s0 =	rddreg [dreg:$0x0];
	s2 =	stileid.u32  }
0xa0: {  	s1 =	rddreg [dreg:$0x1];
	p0 =	sne.s32 s2, $0x0  }
0xa1: {  	s3 =	rddreg [dreg:$0x2];
	[bflag:$0x3] =	sbarrier.arrive $0xFFFF;
	s2 =	simm.s32 @!p0 $0x1C07  }
0xa2: {  	[timem:s3], [sflag:s2] =	dma.local @!p0 [hbm:s0], s1  }
0xa3: {  	s0 =	simm.s32 @!p0 $0x7  }
0xa4: {  	_ =	swait.ge @!p0 [sflag:s0], s1  }
0xa5: {  	s1 =	ssub.s32 @!p0 $0x0, s1;
	[sflag:s0] =	ssyncset.done @!p0 $0x0  }
0xa6: {  	[sflag:s0] =	ssyncadd.s32 @!p0 s1  }
0xa7: {  	[bflag:$0x3] =	sbarrier.arrive $0xFFFF  }
0xa8: {  	_ =	shalt  }

// kernel: kernel.7.cloned.1.call-start
scs
__scs_entry_jumppad:
0x0: {  	(pc) =	sbr.rel $0x88, $3  }
0x1: {  	(tag) =	ssettag $0x0;
	lr =	simm.s32 $0x1  }
0x2: {  	[smem:$0x3F97] =	sst lr;
	_ =	strace $0xD0000000  }
0x3: {  	_ = 	snop  }
0x4: {  	_ = 	snop  }
0x5: {  	_ = 	snop  }
0x6: {  	_ = 	snop  }
0x7: {  	_ = 	snop  }
__scs_overlays_trampoline_lowered:
0x8: {  	[smem:$0x3FA6] =	sst s0  }
0x9: {  	[smem:$0x3FA7] =	sst s1  }
0xa: {  	[smem:$0x3FA8] =	sst s2  }
0xb: {  	[smem:$0x3FA9] =	sst s3  }
0xc: {  	[smem:$0x3FAA] =	sst s4  }
0xd: {  	[smem:$0x3FAB] =	sst s5  }
0xe: {  	[smem:$0x3FAC] =	sst s6  }
0xf: {  	[smem:$0x3FAD] =	sst s7  }
0x10: {  	[smem:$0x3FAE] =	sst s8  }
0x11: {  	[smem:$0x3FAF] =	sst s9;
	s0 =	simm.s32 @!p0 $0x0  }
0x12: {  	s1 =	sld [smem:$0x3F95];
	s0 =	simm.s32 @p0 $0x1  }
0x13: {  	[smem:$0x3FB0] =	sst s0;
	s0 =	simm.s32 @!p1 $0x0  }
0x14: {  	s2 =	sld [smem:$0x3F94];
	s0 =	simm.s32 @p1 $0x1  }
0x15: {  	[smem:$0x3FB1] =	sst s0;
	s0 =	simm.s32 @!p2 $0x0  }
0x16: {  	s3 =	sld [smem:$0x3FDB];
	s0 =	simm.s32 @p2 $0x1  }
0x17: {  	s4 =	simm.s32 $0x1BF5;
	[smem:$0x3FB3] =	sst s0  }
0x18: {  	s0 =	sld [smem:$0x3F96];
	_ =	swait.ge [sflag:s4], $0x0  }
0x19: {  	s7 =	sld [smem:$0x3F97]  }
0x1a: {  	s8 =	sadd.s32 $0xFFFFE003, lr  }
0x1b: {  	s9 =	sadd.s32 $0xFFFFFEF7, lr;
	s5 =	simm.s32 $0xFFFFFFFF;
	p2 =	slt.u32 s8, $0xFFFFF086  }
0x1c: {  	p1 =	slt.u32 s9, $0xF7A;
	s5 =	simm.s32 @!p2 $0x0  }
0x1d: {  	s5 =	simm.s32 @p1 $0x1;
	p0 =	seq.s32 s7, s2  }
0x1e: {  	s7 =	smul.u32 @!p0 $0xF7A, s2;
	p2 =	seq.s32 @!p0 s5, $0x0  }
0x1f: {  	s9 =	smul.u32 $0xF7A, s1;
	s8 =	simm.s32 @!p0 $0x1BF5;
	p2 =	por !p2, p0  }
0x20: {  	[sflag:s8] =	ssyncset.s32 @!p0 $0xFFFFF086;
	s6 =	sadd.s32 @!p0 s3, s7;
	s7 =	simm.s32 @!p0 $0x108  }
0x21: {  	s3 =	sadd.s32 s3, s9;
	s6 =	sadd.s32 @!p0 $0x88, s6;
	s7 =	simm.s32 @p2 $0x1082  }
0x22: {  	[simem:s7], [sflag:s8] =	dma.local @!p0 [hbm:s6], $0xF7A  }
0x23: {  	s9 =	sor.u32 $0xD0000000, s2;
	s6 =	simm.s32 $0x108;
	_ =	swait.ge @!p0 [sflag:s8], $0x0  }
0x24: {  	s3 =	sadd.s32 $0x88, s3;
	s6 =	simm.s32 @!p1 $0x1082;
	[sflag:s4] =	ssyncset.s32 $0xFFFFF086  }
0x25: {  	[simem:s6], [sflag:s4] =	dma.local [hbm:s3], $0xF7A  }
0x26: {  	[smem:$0x3F97] =	sst s1;
	(tag) =	ssettag s2;
	_ =	strace s9  }
0x27: {  	s1 =	sld [smem:$0x3FA7]  }
0x28: {  	s2 =	sld [smem:$0x3FA8]  }
0x29: {  	s4 =	sld [smem:$0x3FAA]  }
0x2a: {  	p0 =	seq.s32 s5, $0x0;
	s5 =	sld [smem:$0x3FAB]  }
0x2b: {  	s6 =	sld [smem:$0x3FAC]  }
0x2c: {  	s7 =	sld [smem:$0x3FAD]  }
0x2d: {  	s3 =	simm.s32 $0x108;
	s8 =	sld [smem:$0x3FAE]  }
0x2e: {  	s3 =	simm.s32 @!p0 $0x1082;
	s9 =	sld [smem:$0x3FAF]  }
0x2f: {  	lr =	sadd.s32 s0, s3;
	s0 =	sld [smem:$0x3FA6]  }
0x30: {  	s3 =	sld [smem:$0x3FA9]  }
0x31: {  	[smem:$0x3FB2] =	sst s10  }
0x32: {  	s10 =	sld [smem:$0x3FB0];
	_ =	sdelay $0x3  }
0x33: {  	p0 =	seq.s32 s10, $0x1;
	s10 =	sld [smem:$0x3FB2];
	_ =	sdelay $0x3  }
0x34: {  	[smem:$0x3FB2] =	sst s10  }
0x35: {  	s10 =	sld [smem:$0x3FB1];
	_ =	sdelay $0x3  }
0x36: {  	p1 =	seq.s32 s10, $0x1;
	s10 =	sld [smem:$0x3FB2];
	_ =	sdelay $0x3  }
0x37: {  	[smem:$0x3FB2] =	sst s10  }
0x38: {  	s10 =	sld [smem:$0x3FB3]  }
0x39: {  	_ = 	snop;
	(pc) =	sbr.ind lr, $3  }
0x3a: {  	_ = 	snop  }
0x3b: {  	_ = 	snop  }
0x3c: {  	p2 =	seq.s32 s10, $0x1;
	s10 =	sld [smem:$0x3FB2]  }
0x3d: {  	_ =	shalt  }
0x3e: {  	_ =	shalt  }
0x3f: {  	_ =	shalt  }
0x40: {  	_ =	shalt  }
0x41: {  	_ =	shalt  }
0x42: {  	_ =	shalt  }
0x43: {  	_ =	shalt  }
0x44: {  	_ =	shalt  }
0x45: {  	_ =	shalt  }
0x46: {  	_ =	shalt  }
0x47: {  	_ =	shalt  }
0x48: {  	_ =	shalt  }
0x49: {  	_ =	shalt  }
0x4a: {  	_ =	shalt  }
0x4b: {  	_ =	shalt  }
0x4c: {  	_ =	shalt  }
0x4d: {  	_ =	shalt  }
0x4e: {  	_ =	shalt  }
0x4f: {  	_ =	shalt  }
0x50: {  	_ =	shalt  }
0x51: {  	_ =	shalt  }
0x52: {  	_ =	shalt  }
0x53: {  	_ =	shalt  }
0x54: {  	_ =	shalt  }
0x55: {  	_ =	shalt  }
0x56: {  	_ =	shalt  }
0x57: {  	_ =	shalt  }
0x58: {  	_ =	shalt  }
0x59: {  	_ =	shalt  }
0x5a: {  	_ =	shalt  }
0x5b: {  	_ =	shalt  }
0x5c: {  	_ =	shalt  }
0x5d: {  	_ =	shalt  }
0x5e: {  	_ =	shalt  }
0x5f: {  	_ =	shalt  }
0x60: {  	_ =	shalt  }
0x61: {  	_ =	shalt  }
0x62: {  	_ =	shalt  }
0x63: {  	_ =	shalt  }
0x64: {  	_ =	shalt  }
0x65: {  	_ =	shalt  }
0x66: {  	_ =	shalt  }
0x67: {  	_ =	shalt  }
0x68: {  	_ =	shalt  }
0x69: {  	_ =	shalt  }
0x6a: {  	_ =	shalt  }
0x6b: {  	_ =	shalt  }
0x6c: {  	_ =	shalt  }
0x6d: {  	_ =	shalt  }
0x6e: {  	_ =	shalt  }
0x6f: {  	_ =	shalt  }
0x70: {  	_ =	shalt  }
0x71: {  	_ =	shalt  }
0x72: {  	_ =	shalt  }
0x73: {  	_ =	shalt  }
0x74: {  	_ =	shalt  }
0x75: {  	_ =	shalt  }
0x76: {  	_ =	shalt  }
0x77: {  	_ =	shalt  }
0x78: {  	_ =	shalt  }
0x79: {  	_ =	shalt  }
0x7a: {  	_ =	shalt  }
0x7b: {  	_ =	shalt  }
0x7c: {  	_ =	shalt  }
0x7d: {  	_ =	shalt  }
0x7e: {  	_ =	shalt  }
0x7f: {  	_ =	shalt  }
0x80: {  	_ =	shalt  }
0x81: {  	_ =	shalt  }
0x82: {  	_ =	shalt  }
0x83: {  	_ =	shalt  }
0x84: {  	_ =	shalt  }
0x85: {  	_ =	shalt  }
0x86: {  	_ =	shalt  }
0x87: {  	_ =	shalt  }
.Lfunc_end0:
.L_simem_size_0:
called_computation_lowered:
.L_overlay_start_0:
0x88: {  	s2 =	sld [smem:$0x3FD9]  }
0x89: {  	s3 =	sld [smem:$0x3FFE];
	_ =	sdelay $0x1  }
0x8a: {  	s1 =	srdreg.scid  }
0x8b: {  	s0 =	sand.u32 $0x1, s1  }
0x8c: {  	s16 =	sshll.u32 s0, $0xA;
	s2 =	sadd.s32 s3, s2  }
0x8d: {  	s2 =	sadd.s32 s2, s16  }
0x8e: {  	[smem:$0x3FBE] =	sst s2  }
0x8f: {  	_ = 	snop  }
0x90: {  	(tm) =	ssettm $0x1  }
0x91: {  	s17 =	sld [smem:$0x3FFB];
	_ =	sdelay $0x3  }
0x92: {  	_ =	strace s17  }
0x93: {  	s2 =	sld [smem:$0x3FFC];
	_ =	sdelay $0x3  }
0x94: {  	_ =	strace s2  }
0x95: {  	s2 =	sld [smem:$0x3FFD];
	_ =	sdelay $0x3  }
0x96: {  	_ =	strace s2  }
0x97: {  	_ =	strace $0x8FFFFFFF  }
0x98: {  	s18 =	sld [smem:$0x3FDB];
	_ =	sdelay $0x1  }
0x99: {  	s19 =	simm.s32 $_scs_section_size  }
0x9a: {  	s4 =	simm.s32 $_size__tile_overlayer_lowered;
	s5 =	simm.s32 $_tile_overlayer_lowered  }
0x9b: {  	s22 =	simm.s32 $0x1BFF;
	s21 =	sshll.u32 s5, $0x1;
	s2 =	sadd.s32 s19, s18  }
0x9c: {  	s6 =	simm.s32 $0x0;
	s20 =	sshll.u32 s4, $0x1;
	s4 =	sadd.s32 s21, s2  }
0x9d: {  	[timem:s6], [sflag:s22] =	dma.local [hbm:s4], s20  }
0x9e: {  	_ =	swait.ge [sflag:s22], s20  }
0x9f: {  	s3 =	ssub.s32 $0x0, s20;
	[sflag:s22] =	ssyncset.done $0x0  }
0xa0: {  	[sflag:s22] =	ssyncadd.s32 s3;
	_ =	sdelay $0x1  }
0xa1: {  	s23 =	simm.s32 $0x1B8B  }
0xa2: {  	_ =	swait.ge [sflag:s23], $0x1  }
0xa3: {  	[sflag:s23] =	ssyncset.done $0x0  }
0xa4: {  	s25 =	simm.s32 $0x1B8E;
	s24 =	sld [smem:$0x3FFE];
	[sflag:s23] =	ssyncadd.s32 $0xFFFFFFFF  }
0xa5: {  	s26 =	simm.s32 $execute0_lowered;
	[smem:$0x3FD2] =	sst s25  }
0xa6: {  	s4 =	sshll.u32 s26, $0x1;
	_ =	strace $0x80000046;
	[dreg:$0x1] =	wrdreg $0xFFFFFFFF  }
0xa7: {  	s28 =	simm.s32 $_size_execute0_lowered;
	s2 =	sadd.s32 s2, s4;
	[dreg:$0x0] =	wrdreg $0x0  }
0xa8: {  	s4 =	sshll.u32 s28, $0x1;
	[dreg:$0x2] =	wrdreg s2  }
0xa9: {  	[dreg:$0x3] =	wrdreg s4  }
0xaa: {  	[dreg:$0x4] =	wrdreg $0xC0  }
0xab: {  	_ =	task [dreg:s6], $0x5FFFF  }
0xac: {  	[dreg:$0x1] =	wrdreg $0xFFFFFFFF  }
0xad: {  	[dreg:$0x0] =	wrdreg $0x60  }
0xae: {  	[dreg:$0x2] =	wrdreg s24  }
0xaf: {  	[dreg:$0x3] =	wrdreg $0xAA000  }
0xb0: {  	[dreg:$0x4] =	wrdreg $0x9  }
0xb1: {  	_ =	task.clear_ibuf [dreg:s6], $0x5FFFF;
	_ =	strace $0x90000046  }
0xb2: {  	s29 =	simm.s32 $0x9;
	_ =	strace $0x80000048  }
0xb3: {  	_ =	swait.ge [sflag:s29], $0x1  }
0xb4: {  	[sflag:s29] =	ssyncadd.s32 $0xFFFFFFFF  }
0xb5: {  	_ =	strace $0x90000048  }
0xb6: {  	_ =	sfence  }
0xb7: {  	s30 =	sld [smem:$0x0];
	_ =	sdelay $0x2  }
0xb8: {  	s31 =	sshll.u32 s1, $0xD;
	s1 =	sshrl.u32 s1, $0x2  }
0xb9: {  	s3 =	sand.u32 $0x4000, s31;
	s1 =	sadd.s32 s1, s30  }
0xba: {  	s0 =	sor.u32 s3, s0;
	s1 =	sshll.u32 s1, $0x11  }
0xbb: {  	s0 =	sor.u32 s1, s0  }
0xbc: {  	s0 =	sadd.s32 $0x8F2B, s0  }
0xbd: {  	[sflag:s0] =	ssyncadd.remote.s32 $0x1  }
0xbe: {  	_ =	sfence.sel $0xFFFF  }
0xbf: {  	[dreg:$0x0] =	wrdreg $0xFFFFFFFF;
	(pc) =	sbr.abs _section_cstart, $3  }
0xc0: {  	[dreg:$0x1] =	wrdreg $0xFFFFFFFF  }
0xc1: {  	_ =	task.clear_ibuf [dreg:s6], $0x2FFFF;
	_ =	strace $0x9FFFFFFF  }
0xc2: {  	(tm) =	ssettm $0x7FFFFFFF  }
0xc3: {  	_ =	shalt  }
tec
execute0_lowered:
.L_overlay_start_1:
0x0: {  	(tag) =	ssettag $0x1  }
0x1: {  	s0 =	rddreg [dreg:$0x0]  }
0x2: {  	s1 =	rddreg [dreg:$0x1];
	s2 =	srdreg.scid  }
0x3: {  	s3 =	simm.s32 $0x0;
	s9 =	stileid.u32;
	s21 =	simm.s32 $0x90  }
0x4: {  	s28 =	simm.s32 $0x80;
	s29 =	simm.s32 $0x180;
	s30 =	simm.s32 $0x1  }
0x5: {  	s31 =	simm.s32 $0x2;
	s2 =	sand.u32 $0x1, s2;
	s7 =	smul.u32 $0x50000, s9  }
0x6: {  	[smem:$0x7FF] =	sst s3;
	s10 =	sadd.s32 $0xB000, s0;
	s13 =	smul.u32 $0x14000, s9  }
0x7: {  	s11 =	sadd.s32 $0x1000, s0;
	s12 =	sadd.s32 $0x47000, s0;
	s18 =	smul.u32 $0x90, s9  }
0x8: {  	s4 =	sshll.u32 s2, $0x4;
	_ =	strace $0x80000047;
	s6 =	ssub.s32 $0x2, s2  }
0x9: {  	p0 =	seq.s32 s2, $0x0;
	s2 =	smul.u32 $0x140000, s2;
	s5 =	sor.u32 s9, s4  }
0xa: {  	s4 =	sadd.s32 $0x15000, s0;
	s8 =	sshrl.u32 s6, $0x1;
	s22 =	sshrl.u32 s7, $0x2  }
0xb: {  	s15 =	sadd.s32 $0x4000, s13;
	s16 =	sadd.s32 $0x8000, s13;
	s17 =	sadd.s32 $0xC000, s13  }
0xc: {  	s9 =	sshll.u32 s9, $0x4;
	s19 =	sadd.s32 $0x10000, s13;
	s21 =	simm.s32 @!p0 $0x10  }
0xd: {  	s5 =	smul.u32 $0x500, s5;
	s14 =	ssub.s32 s6, s8;
	s6 =	sadd.s32 s15, s1  }
0xe: {  	s7 =	sadd.s32 s16, s1;
	s8 =	sadd.s32 s17, s1;
	s20 =	sor.u32 $0x900, s9  }
0xf: {  	s9 =	sadd.s32 s19, s1;
	s24 =	sadd.s32 s13, s2;
	s25 =	sshrl.u32 s21, $0x1  }
0x10: {  	s26 =	sadd.s32 s2, s15;
	s15 =	sadd.s32 s2, s16;
	s17 =	sadd.s32 s2, s17  }
0x11: {  	s2 =	sadd.s32 s2, s19;
	s19 =	sadd.s32 $0xFFFFFFFE, s21;
	s20 =	smov.u32 @p0 s18  }
0x12: {  	[dreg:$0x9] =	wrdreg s25;
	s13 =	sshrl.u32 s26, $0x3;
	s16 =	sshrl.u32 s15, $0x3  }
0x13: {  	s2 =	sshrl.u32 s2, $0x3;
	[dreg:$0x3] =	wrdreg s19;
	s15 =	simm.s32 $0x7  }
0x14: {  	s0 =	sadd.s32 s5, s0;
	s5 =	sadd.s32 s22, s1;
	s2 =	sadd.s32 s12, s2  }
0x15: {  	s18 =	sshll.u32 s20, $0x4;
	[dreg:$0xe] =	wrdreg s2;
	s0 =	sadd.s32 $0x3D000, s0  }
0x16: {  	s20 =	sadd.s32 s10, s18;
	s22 =	sadd.s32 s11, s18;
	[dreg:$0xf] =	wrdreg s0  }
0x17: {  	s18 =	sor.u32 $0x10, s18;
	s2 =	simm.s32 $0x5;
	[dreg:$0x6] =	wrdreg s22  }
0x18: {  	s10 =	sadd.s32 s10, s18;
	s23 =	sadd.s32 s11, s18;
	[dreg:$0x5] =	wrdreg s20  }
0x19: {  	s18 =	sshrl.u32 s17, $0x3;
	s25 =	sadd.s32 $0x30, s22;
	[dreg:$0x7] =	wrdreg s10  }
0x1a: {  	s26 =	sadd.s32 $0x30, s20;
	s0 =	simm.s32 $0x4200;
	[dreg:$0x8] =	wrdreg s23  }
0x1b: {  	s11 =	simm.s32 $0x8;
	s10 =	sshrl.u32 s24, $0x3;
	[dreg:$0x11] =	wrdreg s25  }
0x1c: {  	s23 =	sadd.s32 $0xFFFFFFFD, s21;
	s24 =	smax.u32 s14, $0x1;
	[dreg:$0x12] =	wrdreg s26  }
0x1d: {  	s25 =	simm.s32 $0x9;
	s26 =	simm.s32 $0x100;
	[dreg:$0x10] =	wrdreg s24  }
0x1e: {  	s14 =	simm.s32 $0x6;
	s10 =	sadd.s32 s12, s10;
	[dreg:$0x4] =	wrdreg s23  }
0x1f: {  	s24 =	simm.s32 $0x200;
	[dreg:$0xa] =	wrdreg s10;
	s10 =	sadd.s32 s12, s13  }
0x20: {  	s13 =	simm.s32 $0x8200;
	[dreg:$0xb] =	wrdreg s10;
	s10 =	sadd.s32 s12, s16  }
0x21: {  	s16 =	simm.s32 $0x0;
	[dreg:$0xc] =	wrdreg s10;
	s10 =	sadd.s32 s12, s18  }
0x22: {  	v0 =	vimm.f32 $0.0e+00;
	s12 =	simm.s32 $0x3;
	[dreg:$0xd] =	wrdreg s10;
	s10 =	simm.s32 $0x4  }
.LBB2_1:
0x23: {  	s17 =	simm.s32 $0x10;
	s20 =	sand.u32 $0x3FF0, s3  }
.LBB2_2:
0x24: {  	p0 =	sne.s32 s17, $0x3FF0;
	[tilespmem:s20+$0x200] =	vst v0;
	s20 =	smov.u32 s17;
	s17 =	sadd.s32 $0x10, s17  }
.Ltmp0:
0x25: {  	(pc) =	sbr.rel @p0 .LBB2_2-.Ltmp0, $2  }
0x26: {  	_ =	sdelay $0x2  }
0x27: {  	s20 =	sand.u32 $0x3FF0, s20  }
0x28: {  	[tilespmem:s20+$0x200] =	vst v0  }
0x29: {  	[spmem:s5] =	stream.linear.scatter [tilespmem:s24], [sflag:$0x9], $0x4000, $0x38;
	[tilespmem:$0x1EA00] =	vst v63  }
0x2a: {  	_ =	swait.ge [sflag:s25], $0x4000  }
0x2b: {  	[sflag:s25] =	ssyncset.done $0x0  }
0x2c: {  	[sflag:s25] =	ssyncadd.s32 $0xFFFFC000  }
0x2d: {  	[spmem:s6] =	stream.linear.scatter [tilespmem:s24], [sflag:$0x9], $0x4000, $0x38;
	[tilespmem:$0x1EA00] =	vst v63  }
0x2e: {  	_ =	swait.ge [sflag:s25], $0x4000  }
0x2f: {  	[sflag:s25] =	ssyncset.done $0x0  }
0x30: {  	[sflag:s25] =	ssyncadd.s32 $0xFFFFC000  }
0x31: {  	[spmem:s7] =	stream.linear.scatter [tilespmem:s24], [sflag:$0x9], $0x4000, $0x38;
	[tilespmem:$0x1EA00] =	vst v63  }
0x32: {  	_ =	swait.ge [sflag:s25], $0x4000  }
0x33: {  	[sflag:s25] =	ssyncset.done $0x0  }
0x34: {  	[sflag:s25] =	ssyncadd.s32 $0xFFFFC000  }
0x35: {  	[spmem:s8] =	stream.linear.scatter [tilespmem:s24], [sflag:$0x9], $0x4000, $0x38;
	[tilespmem:$0x1EA00] =	vst v63  }
0x36: {  	_ =	swait.ge [sflag:s25], $0x4000  }
0x37: {  	[sflag:s25] =	ssyncset.done $0x0  }
0x38: {  	[sflag:s25] =	ssyncadd.s32 $0xFFFFC000  }
0x39: {  	[spmem:s9] =	stream.linear.scatter [tilespmem:s24], [sflag:$0x9], $0x4000, $0x38;
	[tilespmem:$0x1EA00] =	vst v63  }
0x3a: {  	_ =	swait.ge [sflag:s25], $0x4000  }
0x3b: {  	s23 =	simm.s32 $0x0;
	[sflag:s25] =	ssyncset.done $0x0  }
0x3c: {  	s17 =	simm.s32 $0x10;
	s20 =	sand.u32 $0x3FF0, s23;
	[sflag:s25] =	ssyncadd.s32 $0xFFFFC000  }
.LBB2_4:
0x3d: {  	p0 =	sne.s32 s17, $0x27F0;
	[tilespmem:s20+$0x8200] =	vst v0;
	s20 =	smov.u32 s17;
	s17 =	sadd.s32 $0x10, s17  }
.Ltmp1:
0x3e: {  	(pc) =	sbr.rel @p0 .LBB2_4-.Ltmp1, $2  }
0x3f: {  	_ =	sdelay $0x2  }
0x40: {  	s20 =	sand.u32 $0x3FF0, s20  }
0x41: {  	[tilespmem:s20+$0x8200] =	vst v0  }
0x42: {  	[bflag:$0x0] =	sbarrier.arrive $0xFFFF  }
0x43: {  	s17 =	simm.s32 $0x0;
	s18 =	rddreg [dreg:$0x5]  }
0x44: {  	[tilespmem:s17], [sflag:$0x1] =	stream.linear.gather [hbm4b:s18+s17], $0x80, $0x38;
	[tilespmem:$0x1EA00] =	vst v63  }
0x45: {  	s21 =	rddreg [dreg:$0x6]  }
0x46: {  	[tilespmem:s26], [sflag:$0x3] =	stream.linear.gather [hbm4b:s21+s17], $0x80, $0x38;
	[tilespmem:$0x1EA00] =	vst v63  }
0x47: {  	s22 =	rddreg [dreg:$0x7]  }
0x48: {  	[tilespmem:s28], [sflag:$0x2] =	stream.linear.gather [hbm4b:s22+s17], $0x80, $0x38;
	[tilespmem:$0x1EA00] =	vst v63  }
0x49: {  	s23 =	rddreg [dreg:$0x8]  }
0x4a: {  	[tilespmem:s29], [sflag:$0x4] =	stream.linear.gather [hbm4b:s23+s17], $0x80, $0x38;
	[tilespmem:$0x1EA00] =	vst v63  }
0x4b: {  	_ =	swait.ge [sflag:s30], $0x80  }
0x4c: {  	s23 =	rddreg [dreg:$0x12]  }
0x4d: {  	[sflag:s30] =	ssyncset.done $0x0;
	s22 =	rddreg [dreg:$0x11]  }
0x4e: {  	s20 =	rddreg [dreg:$0x9];
	[sflag:s30] =	ssyncadd.s32 $0xFFFFFF80  }
0x4f: {  	[tilespmem:s24], [sflag:$0x5] =	stream.indirect.gather [hbm4b:s4+s28], $0x80, s17, s28, $0xb8;
	[tilespmem:$0x1EA00] =	vst v63  }
.LBB2_6:
0x50: {  	_ =	swait.ge [sflag:s31], $0x80  }
0x51: {  	[sflag:s31] =	ssyncset.done $0x0  }
0x52: {  	[sflag:s31] =	ssyncadd.s32 $0xFFFFFF80  }
0x53: {  	[tilespmem:s0], [sflag:$0x6] =	stream.indirect.gather [hbm4b:s4+s28], $0x80, s28, s28, $0xb8;
	[tilespmem:$0x1EA00] =	vst v63  }
0x54: {  	_ =	swait.ge [sflag:s2], $0x4000  }
0x55: {  	[sflag:s2] =	ssyncset.done $0x0  }
0x56: {  	[sflag:s2] =	ssyncadd.s32 $0xFFFFC000  }
0x57: {  	_ =	swait.ge [sflag:s12], $0x80  }
0x58: {  	[sflag:s12] =	ssyncset.done $0x0  }
0x59: {  	[sflag:s12] =	ssyncadd.s32 $0xFFFFFF80  }
0x5a: {  	[spmem:s1] =	stream.indirect.scatter.add.f32 [tilespmem:s24], [sflag:$0x7], $0x80, s26, s28, $0xb8;
	[tilespmem:$0x1EA00] =	vst v63  }
0x5b: {  	v1 =	vld [tilespmem:$0x100];
	_ =	sdelay $0x4  }
0x5c: {  	(xrf1) =	vunique.msk.u32 $0xffff, v1;
	_ =	sdelay $0xd  }
0x5d: {  	_, v2, vm0 =	vpop (xrf1);
	_ =	sdelay $0x3  }
0x5e: {  	v2 =	vcvt.s32.f32 v2;
	_ =	sdelay $0x1  }
0x5f: {  	[tilespmem:v1+s13+$0x0] =	vst.idx.add.f32.msk vm0, v2  }
0x60: {  	v1 =	vld [tilespmem:$0x110];
	_ =	sdelay $0x4  }
0x61: {  	(xrf1) =	vunique.msk.u32 $0xffff, v1;
	_ =	sdelay $0xd  }
0x62: {  	_, v2, vm0 =	vpop (xrf1);
	_ =	sdelay $0x3  }
0x63: {  	v2 =	vcvt.s32.f32 v2;
	_ =	sdelay $0x1  }
0x64: {  	[tilespmem:v1+s13+$0x0] =	vst.idx.add.f32.msk vm0, v2  }
0x65: {  	v1 =	vld [tilespmem:$0x120];
	_ =	sdelay $0x4  }
0x66: {  	(xrf1) =	vunique.msk.u32 $0xffff, v1;
	_ =	sdelay $0xd  }
0x67: {  	_, v2, vm0 =	vpop (xrf1);
	_ =	sdelay $0x3  }
0x68: {  	v2 =	vcvt.s32.f32 v2;
	_ =	sdelay $0x1  }
0x69: {  	[tilespmem:v1+s13+$0x0] =	vst.idx.add.f32.msk vm0, v2  }
0x6a: {  	v1 =	vld [tilespmem:$0x130];
	_ =	sdelay $0x4  }
0x6b: {  	(xrf1) =	vunique.msk.u32 $0xffff, v1;
	_ =	sdelay $0xd  }
0x6c: {  	_, v2, vm0 =	vpop (xrf1);
	_ =	sdelay $0x3  }
0x6d: {  	v2 =	vcvt.s32.f32 v2;
	_ =	sdelay $0x1  }
0x6e: {  	[tilespmem:v1+s13+$0x0] =	vst.idx.add.f32.msk vm0, v2  }
0x6f: {  	v1 =	vld [tilespmem:$0x140];
	_ =	sdelay $0x4  }
0x70: {  	(xrf1) =	vunique.msk.u32 $0xffff, v1;
	_ =	sdelay $0xd  }
0x71: {  	_, v2, vm0 =	vpop (xrf1);
	_ =	sdelay $0x3  }
0x72: {  	v2 =	vcvt.s32.f32 v2;
	_ =	sdelay $0x1  }
0x73: {  	[tilespmem:v1+s13+$0x0] =	vst.idx.add.f32.msk vm0, v2  }
0x74: {  	v1 =	vld [tilespmem:$0x150];
	_ =	sdelay $0x4  }
0x75: {  	(xrf1) =	vunique.msk.u32 $0xffff, v1;
	_ =	sdelay $0xd  }
0x76: {  	_, v2, vm0 =	vpop (xrf1);
	_ =	sdelay $0x3  }
0x77: {  	v2 =	vcvt.s32.f32 v2;
	_ =	sdelay $0x1  }
0x78: {  	[tilespmem:v1+s13+$0x0] =	vst.idx.add.f32.msk vm0, v2  }
0x79: {  	v1 =	vld [tilespmem:$0x160];
	_ =	sdelay $0x4  }
0x7a: {  	(xrf1) =	vunique.msk.u32 $0xffff, v1;
	_ =	sdelay $0xd  }
0x7b: {  	_, v2, vm0 =	vpop (xrf1);
	_ =	sdelay $0x3  }
0x7c: {  	v2 =	vcvt.s32.f32 v2;
	_ =	sdelay $0x1  }
0x7d: {  	[tilespmem:v1+s13+$0x0] =	vst.idx.add.f32.msk vm0, v2  }
0x7e: {  	v1 =	vld [tilespmem:$0x170];
	_ =	sdelay $0x4  }
0x7f: {  	(xrf1) =	vunique.msk.u32 $0xffff, v1;
	_ =	sdelay $0xd  }
0x80: {  	_, v2, vm0 =	vpop (xrf1);
	_ =	sdelay $0x3  }
0x81: {  	v2 =	vcvt.s32.f32 v2;
	_ =	sdelay $0x1  }
0x82: {  	[tilespmem:v1+s13+$0x0] =	vst.idx.add.f32.msk vm0, v2  }
0x83: {  	_ =	swait.ge [sflag:s15], $0x4000  }
0x84: {  	s21 =	rddreg [dreg:$0x3]  }
0x85: {  	[sflag:s15] =	ssyncset.done $0x0;
	p0 =	sge.u32 s17, s21  }
0x86: {  	[sflag:s15] =	ssyncadd.s32 $0xFFFFC000;
	s21 =	sadd.s32 @!p0 $0xFFFFFFF0, s23;
	s19 =	simm.s32 @!p0 $0x0  }
0x87: {  	[tilespmem:s19], [sflag:$0x1] =	stream.linear.gather @!p0 [hbm4b:s21+s19], $0x80, $0x38;
	[tilespmem:$0x1EA00] =	vst v63  }
0x88: {  	s18 =	simm.s32 @!p0 $0x100;
	s21 =	sadd.s32 @!p0 $0xFFFFFFF0, s22  }
0x89: {  	[tilespmem:s18], [sflag:$0x3] =	stream.linear.gather @!p0 [hbm4b:s21+s19], $0x80, $0x38;
	[tilespmem:$0x1EA00] =	vst v63  }
0x8a: {  	s18 =	simm.s32 @!p0 $0x1  }
0x8b: {  	_ =	swait.ge @!p0 [sflag:s18], $0x80  }
0x8c: {  	[sflag:s18] =	ssyncset.done @!p0 $0x0  }
0x8d: {  	s21 =	simm.s32 @!p0 $0x200;
	[sflag:s18] =	ssyncadd.s32 @!p0 $0xFFFFFF80;
	s18 =	simm.s32 @!p0 $0x80  }
0x8e: {  	[tilespmem:s21], [sflag:$0x5] =	stream.indirect.gather @!p0 [hbm4b:s4+s18], $0x80, s19, s18, $0xb8;
	[tilespmem:$0x1EA00] =	vst v63  }
0x8f: {  	_ =	swait.ge [sflag:s14], $0x4000  }
0x90: {  	[sflag:s14] =	ssyncset.done $0x0  }
0x91: {  	[sflag:s14] =	ssyncadd.s32 $0xFFFFC000  }
0x92: {  	_ =	swait.ge [sflag:s10], $0x80  }
0x93: {  	[sflag:s10] =	ssyncset.done $0x0  }
0x94: {  	[sflag:s10] =	ssyncadd.s32 $0xFFFFFF80  }
0x95: {  	[spmem:s1] =	stream.indirect.scatter.add.f32 [tilespmem:s0], [sflag:$0x8], $0x80, s29, s28, $0xb8;
	[tilespmem:$0x1EA00] =	vst v63  }
0x96: {  	v1 =	vld [tilespmem:$0x180];
	_ =	sdelay $0x4  }
0x97: {  	(xrf1) =	vunique.msk.u32 $0xffff, v1;
	_ =	sdelay $0xd  }
0x98: {  	_, v2, vm0 =	vpop (xrf1);
	_ =	sdelay $0x3  }
0x99: {  	v2 =	vcvt.s32.f32 v2;
	_ =	sdelay $0x1  }
0x9a: {  	[tilespmem:v1+s13+$0x0] =	vst.idx.add.f32.msk vm0, v2  }
0x9b: {  	v1 =	vld [tilespmem:$0x190];
	_ =	sdelay $0x4  }
0x9c: {  	(xrf1) =	vunique.msk.u32 $0xffff, v1;
	_ =	sdelay $0xd  }
0x9d: {  	_, v2, vm0 =	vpop (xrf1);
	_ =	sdelay $0x3  }
0x9e: {  	v2 =	vcvt.s32.f32 v2;
	_ =	sdelay $0x1  }
0x9f: {  	[tilespmem:v1+s13+$0x0] =	vst.idx.add.f32.msk vm0, v2  }
0xa0: {  	v1 =	vld [tilespmem:$0x1A0];
	_ =	sdelay $0x4  }
0xa1: {  	(xrf1) =	vunique.msk.u32 $0xffff, v1;
	_ =	sdelay $0xd  }
0xa2: {  	_, v2, vm0 =	vpop (xrf1);
	_ =	sdelay $0x3  }
0xa3: {  	v2 =	vcvt.s32.f32 v2;
	_ =	sdelay $0x1  }
0xa4: {  	[tilespmem:v1+s13+$0x0] =	vst.idx.add.f32.msk vm0, v2  }
0xa5: {  	v1 =	vld [tilespmem:$0x1B0];
	_ =	sdelay $0x4  }
0xa6: {  	(xrf1) =	vunique.msk.u32 $0xffff, v1;
	_ =	sdelay $0xd  }
0xa7: {  	_, v2, vm0 =	vpop (xrf1);
	_ =	sdelay $0x3  }
0xa8: {  	v2 =	vcvt.s32.f32 v2;
	_ =	sdelay $0x1  }
0xa9: {  	[tilespmem:v1+s13+$0x0] =	vst.idx.add.f32.msk vm0, v2  }
0xaa: {  	v1 =	vld [tilespmem:$0x1C0];
	_ =	sdelay $0x4  }
0xab: {  	(xrf1) =	vunique.msk.u32 $0xffff, v1;
	_ =	sdelay $0xd  }
0xac: {  	_, v2, vm0 =	vpop (xrf1);
	_ =	sdelay $0x3  }
0xad: {  	v2 =	vcvt.s32.f32 v2;
	_ =	sdelay $0x1  }
0xae: {  	[tilespmem:v1+s13+$0x0] =	vst.idx.add.f32.msk vm0, v2  }
0xaf: {  	v1 =	vld [tilespmem:$0x1D0];
	_ =	sdelay $0x4  }
0xb0: {  	(xrf1) =	vunique.msk.u32 $0xffff, v1;
	_ =	sdelay $0xd  }
0xb1: {  	_, v2, vm0 =	vpop (xrf1);
	_ =	sdelay $0x3  }
0xb2: {  	v2 =	vcvt.s32.f32 v2;
	_ =	sdelay $0x1  }
0xb3: {  	[tilespmem:v1+s13+$0x0] =	vst.idx.add.f32.msk vm0, v2  }
0xb4: {  	v1 =	vld [tilespmem:$0x1E0];
	_ =	sdelay $0x4  }
0xb5: {  	(xrf1) =	vunique.msk.u32 $0xffff, v1;
	_ =	sdelay $0xd  }
0xb6: {  	_, v2, vm0 =	vpop (xrf1);
	_ =	sdelay $0x3  }
0xb7: {  	v2 =	vcvt.s32.f32 v2;
	_ =	sdelay $0x1  }
0xb8: {  	[tilespmem:v1+s13+$0x0] =	vst.idx.add.f32.msk vm0, v2  }
0xb9: {  	v1 =	vld [tilespmem:$0x1F0];
	_ =	sdelay $0x4  }
0xba: {  	(xrf1) =	vunique.msk.u32 $0xffff, v1;
	_ =	sdelay $0xd  }
0xbb: {  	_, v2, vm0 =	vpop (xrf1);
	_ =	sdelay $0x3  }
0xbc: {  	v2 =	vcvt.s32.f32 v2;
	_ =	sdelay $0x1  }
0xbd: {  	[tilespmem:v1+s13+$0x0] =	vst.idx.add.f32.msk vm0, v2  }
0xbe: {  	_ =	swait.ge [sflag:s11], $0x4000  }
0xbf: {  	s21 =	rddreg [dreg:$0x4]  }
0xc0: {  	[sflag:s11] =	ssyncset.done $0x0;
	p0 =	sge.u32 s17, s21  }
0xc1: {  	[sflag:s11] =	ssyncadd.s32 $0xFFFFC000;
	s18 =	simm.s32 @!p0 $0x0;
	s19 =	simm.s32 @!p0 $0x80  }
0xc2: {  	[tilespmem:s19], [sflag:$0x2] =	stream.linear.gather @!p0 [hbm4b:s23+s18], $0x80, $0x38;
	[tilespmem:$0x1EA00] =	vst v63  }
0xc3: {  	s20 =	sadd.s32 $0xFFFFFFFF, s20;
	s19 =	simm.s32 @!p0 $0x180  }
0xc4: {  	[tilespmem:s19], [sflag:$0x4] =	stream.linear.gather @!p0 [hbm4b:s22+s18], $0x80, $0x38;
	[tilespmem:$0x1EA00] =	vst v63  }
0xc5: {  	p0 =	sne.s32 s20, $0x0  }
.Ltmp2:
0xc6: {  	_ = 	snop;
	(pc) =	sbr.rel @p0 .LBB2_6-.Ltmp2, $2  }
0xc7: {  	_ =	sdelay $0x2  }
0xc8: {  	s17 =	sadd.s32 $0x2, s17;
	s23 =	sadd.s32 $0x20, s23;
	s22 =	sadd.s32 $0x20, s22  }
0xc9: {  	[bflag:$0x0] =	sbarrier.arrive $0xFFFF  }
0xca: {  	[tilespmem:s24], [sflag:$0x9] =	stream.linear.gather [spmem:s5], $0x4000, $0x38;
	[tilespmem:$0x1EA00] =	vst v63  }
0xcb: {  	_ =	swait.ge [sflag:s25], $0x4000  }
0xcc: {  	[sflag:s25] =	ssyncset.done $0x0  }
0xcd: {  	s17 =	rddreg [dreg:$0xa];
	[sflag:s25] =	ssyncadd.s32 $0xFFFFC000  }
0xce: {  	[hbm4b:s17+s3] =	stream.linear.scatter [tilespmem:s24], [sflag:$0x9], $0x4000, $0x38;
	[tilespmem:$0x1EA00] =	vst v63  }
0xcf: {  	_ =	swait.ge [sflag:s25], $0x4000  }
0xd0: {  	[sflag:s25] =	ssyncset.done $0x0  }
0xd1: {  	[sflag:s25] =	ssyncadd.s32 $0xFFFFC000  }
0xd2: {  	[tilespmem:s0], [sflag:$0x9] =	stream.linear.gather [spmem:s6], $0x4000, $0x38;
	[tilespmem:$0x1EA00] =	vst v63  }
0xd3: {  	_ =	swait.ge [sflag:s25], $0x4000  }
0xd4: {  	[sflag:s25] =	ssyncset.done $0x0  }
0xd5: {  	s18 =	rddreg [dreg:$0xb];
	[sflag:s25] =	ssyncadd.s32 $0xFFFFC000  }
0xd6: {  	[hbm4b:s18+s3] =	stream.linear.scatter [tilespmem:s0], [sflag:$0x9], $0x4000, $0x38;
	[tilespmem:$0x1EA00] =	vst v63  }
0xd7: {  	_ =	swait.ge [sflag:s25], $0x4000  }
0xd8: {  	[sflag:s25] =	ssyncset.done $0x0  }
0xd9: {  	[sflag:s25] =	ssyncadd.s32 $0xFFFFC000  }
0xda: {  	[tilespmem:s24], [sflag:$0x9] =	stream.linear.gather [spmem:s7], $0x4000, $0x38;
	[tilespmem:$0x1EA00] =	vst v63  }
0xdb: {  	_ =	swait.ge [sflag:s25], $0x4000  }
0xdc: {  	[sflag:s25] =	ssyncset.done $0x0  }
0xdd: {  	s19 =	rddreg [dreg:$0xc];
	[sflag:s25] =	ssyncadd.s32 $0xFFFFC000  }
0xde: {  	[hbm4b:s19+s3] =	stream.linear.scatter [tilespmem:s24], [sflag:$0x9], $0x4000, $0x38;
	[tilespmem:$0x1EA00] =	vst v63  }
0xdf: {  	_ =	swait.ge [sflag:s25], $0x4000  }
0xe0: {  	[sflag:s25] =	ssyncset.done $0x0  }
0xe1: {  	[sflag:s25] =	ssyncadd.s32 $0xFFFFC000  }
0xe2: {  	[tilespmem:s0], [sflag:$0x9] =	stream.linear.gather [spmem:s8], $0x4000, $0x38;
	[tilespmem:$0x1EA00] =	vst v63  }
0xe3: {  	_ =	swait.ge [sflag:s25], $0x4000  }
0xe4: {  	[sflag:s25] =	ssyncset.done $0x0  }
0xe5: {  	s20 =	rddreg [dreg:$0xd];
	[sflag:s25] =	ssyncadd.s32 $0xFFFFC000  }
0xe6: {  	[hbm4b:s20+s3] =	stream.linear.scatter [tilespmem:s0], [sflag:$0x9], $0x4000, $0x38;
	[tilespmem:$0x1EA00] =	vst v63  }
0xe7: {  	_ =	swait.ge [sflag:s25], $0x4000  }
0xe8: {  	[sflag:s25] =	ssyncset.done $0x0  }
0xe9: {  	[sflag:s25] =	ssyncadd.s32 $0xFFFFC000  }
0xea: {  	[tilespmem:s24], [sflag:$0x9] =	stream.linear.gather [spmem:s9], $0x4000, $0x38;
	[tilespmem:$0x1EA00] =	vst v63  }
0xeb: {  	_ =	swait.ge [sflag:s25], $0x4000  }
0xec: {  	[sflag:s25] =	ssyncset.done $0x0  }
0xed: {  	s21 =	rddreg [dreg:$0xe];
	[sflag:s25] =	ssyncadd.s32 $0xFFFFC000  }
0xee: {  	[hbm4b:s21+s3] =	stream.linear.scatter [tilespmem:s24], [sflag:$0x9], $0x4000, $0x38;
	[tilespmem:$0x1EA00] =	vst v63  }
0xef: {  	_ =	swait.ge [sflag:s25], $0x4000  }
0xf0: {  	[sflag:s25] =	ssyncset.done $0x0  }
0xf1: {  	s22 =	rddreg [dreg:$0xf];
	[sflag:s25] =	ssyncadd.s32 $0xFFFFC000  }
0xf2: {  	[hbm4b:s22+s3] =	stream.linear.scatter [tilespmem:s13], [sflag:$0x9], $0x2800, $0x38;
	[tilespmem:$0x1EA00] =	vst v63  }
0xf3: {  	_ =	swait.ge [sflag:s25], $0x2800  }
0xf4: {  	s16 =	sadd.s32 $0x1, s16;
	s23 =	rddreg [dreg:$0x10]  }
0xf5: {  	p0 =	sne.s32 s16, s23  }
.Ltmp3:
0xf6: {  	_ = 	snop;
	(pc) =	sbr.rel @p0 .LBB2_1-.Ltmp3, $3  }
0xf7: {  	_ =	sdelay $0x1  }
0xf8: {  	[sflag:s25] =	ssyncset.done $0x0  }
0xf9: {  	[sflag:s25] =	ssyncadd.s32 $0xFFFFD800  }
0xfa: {  	_ =	sfence.sel $0x180000  }
0xfb: {  	[bflag:$0x0] =	sbarrier.arrive $0xFFFF  }
0xfc: {  	_ =	strace $0x90000047  }
0xfd: {  	s0 =	stileid.u32;
	[bflag:$0x2] =	sbarrier.arrive $0xFFFF  }
0xfe: {  	p0 =	sne.s32 s0, $0x0;
	s0 =	rddreg [dreg:$0x2]  }
0xff: {  	s0 =	sadd.s32 @!p0 $0x100000, s0  }
0x100: {  	[sflag:s0] =	ssyncadd.tile.s32 @!p0 $0x1;
	_ =	shalt  }
.Lfunc_end2:
_tile_overlayer_lowered:
.L_overlay_start_2:
0x101: {  	(tag) =	ssettag $0x2  }
0x102: {  	s0 =	rddreg [dreg:$0x0];
	s2 =	stileid.u32  }
0x103: {  	s1 =	rddreg [dreg:$0x1];
	p0 =	sne.s32 s2, $0x0  }
0x104: {  	s3 =	rddreg [dreg:$0x2];
	[bflag:$0x3] =	sbarrier.arrive $0xFFFF;
	s2 =	simm.s32 @!p0 $0x1C09  }
0x105: {  	[timem:s3], [sflag:s2] =	dma.local @!p0 [hbm:s0], s1  }
0x106: {  	s0 =	simm.s32 @!p0 $0x9  }
0x107: {  	_ =	swait.ge @!p0 [sflag:s0], s1  }
0x108: {  	s1 =	ssub.s32 @!p0 $0x0, s1;
	[sflag:s0] =	ssyncset.done @!p0 $0x0  }
0x109: {  	[sflag:s0] =	ssyncadd.s32 @!p0 s1  }
0x10a: {  	[bflag:$0x3] =	sbarrier.arrive $0xFFFF  }
0x10b: {  	_ =	shalt  }

</sc_bundles>
